<compile_context>
chip_gen: v7x
topology: tpu7x:2x2x1
jax: 0.10.2.dev20260603
libtpu: 0.0.44.dev20260713+nightly
codegen_flags: <defaults>
</compile_context>

<pallas_src>
import functools

import jax
import jax.numpy as jnp
from jax import lax
from jax.experimental import pallas as pl
from jax.experimental.pallas import tpu as pltpu
from jax.experimental.pallas import tpu_sc as plsc

N_CELLS = 2
C = 128
H = 256
W = 256
NPTS = 131072

NC = 2
NS = 16
NW = NC * NS
PTS_PER_W = NPTS // NW
CHUNK = 64
N_CHUNKS = PTS_PER_W // CHUNK
IDX_ROWS = CHUNK * 4 // 128
RPC = CHUNK * 4
NPIX = N_CELLS * H * W

_CONV_T = 8


def _conv_tanh_body(wt_ref, prev_ref, cur_ref, nxt_ref, out_ref):
    i = pl.program_id(1)
    ni = pl.num_programs(1)
    t = _CONV_T
    cur = cur_ref[0]
    top = jnp.where(i > 0, prev_ref[0], 0.0)
    bot = jnp.where(i < ni - 1, nxt_ref[0], 0.0)
    ext = jnp.concatenate([top, cur, bot], axis=0)
    acc = jnp.zeros((t, W, C), jnp.float32)
    zcol = jnp.zeros((t, 1, C), jnp.float32)
    for dh in range(3):
        sl = ext[dh:dh + t]
        for dw in range(3):
            if dw == 0:
                sh = jnp.concatenate([zcol, sl[:, :W - 1, :]], axis=1)
            elif dw == 2:
                sh = jnp.concatenate([sl[:, 1:, :], zcol], axis=1)
            else:
                sh = sl
            acc = acc + sh * wt_ref[dh * 3 + dw][None, None, :]
    u = jax.lax.bitcast_convert_type(jnp.tanh(acc), jnp.uint32)
    bf = jnp.right_shift(
        u + jnp.uint32(0x7FFF)
        + jnp.bitwise_and(jnp.right_shift(u, 16), jnp.uint32(1)), 16)
    g = bf.reshape(t, W // 2, 2, C)
    lo = g[:, :, 0, :]
    hi = g[:, :, 1, :]
    zrow = jnp.zeros((t, 1, C), jnp.uint32)
    lo_next = jnp.concatenate([lo[:, 1:, :], zrow], axis=1)
    e_word = jnp.bitwise_or(lo, jnp.left_shift(hi, 16))
    o_word = jnp.bitwise_or(hi, jnp.left_shift(lo_next, 16))
    out_ref[0, 0] = jax.lax.bitcast_convert_type(e_word, jnp.int32)
    out_ref[1, 0] = jax.lax.bitcast_convert_type(o_word, jnp.int32)


def _conv_tanh(f_nhwc, wt9):
    nblk = H // _CONV_T
    blk = (1, _CONV_T, W, C)
    return pl.pallas_call(
        _conv_tanh_body,
        grid=(N_CELLS, nblk),
        in_specs=[
            pl.BlockSpec((9, C), lambda n, i: (0, 0)),
            pl.BlockSpec((1, 1, W, C),
                         lambda n, i: (n, jnp.maximum(i * _CONV_T - 1, 0), 0, 0)),
            pl.BlockSpec(blk, lambda n, i: (n, i, 0, 0)),
            pl.BlockSpec((1, 1, W, C),
                         lambda n, i: (n, jnp.minimum(i * _CONV_T + _CONV_T,
                                                      H - 1), 0, 0)),
        ],
        out_specs=pl.BlockSpec(
            (2, 1, _CONV_T, W // 2, C), lambda n, i: (0, n, i, 0, 0)),
        out_shape=jax.ShapeDtypeStruct(
            (2, N_CELLS, H, W // 2, C), jnp.int32),
    )(wt9, f_nhwc, f_nhwc, f_nhwc)


def _idxwts_body(x_ref, y_ref, idx_ref, wts_ref):
    xv = x_ref[...]
    yv = y_ref[...]
    ix0 = xv * jnp.float32(W - 2) * 0.5
    iy0 = yv * jnp.float32(H - 2)
    for n in range(N_CELLS):
        off = jnp.float32(n / N_CELLS)
        ix = ix0 + off
        iy = iy0 + off
        ixl = jnp.floor(ix)
        iyt = jnp.floor(iy)
        fx = ix - ixl
        fy = iy - iyt
        wxr = 0.5 - 0.5 * jnp.cos(jnp.pi * fx)
        wxl = 1.0 - wxr
        wyb = 0.5 - 0.5 * jnp.cos(jnp.pi * fy)
        wyt = 1.0 - wyb
        ixl_i = jnp.clip(ixl, 0, W - 1).astype(jnp.int32)
        iyt_i = jnp.clip(iyt, 0, H - 1).astype(jnp.int32)
        p_top = n * H * W + iyt_i * W + ixl_i
        par = jnp.bitwise_and(p_top, 1)
        r_top = jnp.right_shift(p_top, 1) + par * (NPIX // 2)
        idx_ref[2 * n + 0] = r_top
        idx_ref[2 * n + 1] = r_top + W // 2
        wts_ref[4 * n + 0] = wxl * wyt
        wts_ref[4 * n + 1] = wxr * wyt
        wts_ref[4 * n + 2] = wxl * wyb
        wts_ref[4 * n + 3] = wxr * wyb


def _idxwts(xb, yb):
    rows = NPTS // 128
    rblk = 128
    nblk = rows // rblk
    return pl.pallas_call(
        _idxwts_body,
        grid=(nblk,),
        in_specs=[
            pl.BlockSpec((rblk, 128), lambda i: (i, 0)),
            pl.BlockSpec((rblk, 128), lambda i: (i, 0)),
        ],
        out_specs=[
            pl.BlockSpec((4, rblk, 128), lambda i: (0, i, 0)),
            pl.BlockSpec((8, rblk, 128), lambda i: (0, i, 0)),
        ],
        out_shape=[
            jax.ShapeDtypeStruct((4, rows, 128), jnp.int32),
            jax.ShapeDtypeStruct((8, rows, 128), jnp.float32),
        ],
    )(xb, yb)


def _sc_interp_body(table_hbm, idx_hbm, wts_hbm, out_hbm,
                    idx_v, wts_v, rows_v, out_v,
                    sem_idx, sem_gat, sem_out):
    wid = lax.axis_index("s") * NC + lax.axis_index("c")
    n = N_CHUNKS

    def wts_copy(k, b):
        return pltpu.make_async_copy(
            wts_hbm.at[pl.ds(wid * PTS_PER_W + k * CHUNK, CHUNK)],
            wts_v.at[pl.ds(b * CHUNK, CHUNK)], sem_idx)

    def gather_copies(k, b):
        return [pltpu.make_async_copy(
                    table_hbm.at[idx_v.at[k * IDX_ROWS + i]],
                    rows_v.at[pl.ds((b * IDX_ROWS + i) * 128, 128)],
                    sem_gat)
                for i in range(IDX_ROWS)]

    def out_copy(k, b):
        return pltpu.make_async_copy(
            out_v.at[pl.ds(b * CHUNK, CHUNK)],
            out_hbm.at[pl.ds(wid * PTS_PER_W + k * CHUNK, CHUNK)],
            sem_out)

    def compute(b):
        boff = b * CHUNK
        rbase = b * RPC

        @plsc.parallel_loop(0, CHUNK, step=1, unroll=2)
        def pbody(p):
            r0 = rbase + p * 4
            wrow = boff + p
            ws = [wts_v[wrow, pl.ds(j * 16, 16)] for j in range(8)]
            for u in range(8):
                acc = jnp.zeros((16,), jnp.float32)
                for q in range(4):
                    packed = plsc.bitcast(
                        rows_v[r0 + q, pl.ds(u * 16, 16)], jnp.bfloat16)
                    a, bb = plsc.unpack(
                        packed, format=plsc.PackFormat.INTERLEAVED)
                    acc = acc + ws[2 * q] * a + ws[2 * q + 1] * bb
                out_v[wrow, pl.ds(u * 16, 16)] = acc

    pltpu.sync_copy(
        idx_hbm.at[pl.ds(wid * (N_CHUNKS * IDX_ROWS), N_CHUNKS * IDX_ROWS)],
        idx_v)
    wts_copy(0, 0).start()
    wts_copy(1, 1).start()
    for cp in gather_copies(0, 0):
        cp.start()

    def loop_body(k, carry):
        b = jnp.bitwise_and(k, 1)
        nb = 1 - b
        @pl.when(k + 1 < n)
        def _():
            for cp in gather_copies(k + 1, nb):
                cp.start()

        for cp in gather_copies(k, b):
            cp.wait()

        @pl.when(k >= 2)
        def _():
            out_copy(k - 2, b).wait()

        wts_copy(k, b).wait()
        compute(b)

        @pl.when(k + 2 < n)
        def _():
            wts_copy(k + 2, b).start()

        out_copy(k, b).start()
        return carry

    lax.fori_loop(0, n, loop_body, 0)
    out_copy(n - 2, (n - 2) & 1).wait()
    out_copy(n - 1, (n - 1) & 1).wait()


@functools.lru_cache(maxsize=1)
def _sc_interp():
    return pl.kernel(
        _sc_interp_body,
        out_type=jax.ShapeDtypeStruct((NPTS, C), jnp.float32),
        mesh=plsc.VectorSubcoreMesh(
            core_axis_name="c", subcore_axis_name="s",
            num_cores=NC, num_subcores=NS),
        compiler_params=pltpu.CompilerParams(needs_layout_passes=False),
        scratch_types=[
            pltpu.VMEM((N_CHUNKS * IDX_ROWS, 128), jnp.int32),
            pltpu.VMEM((2 * CHUNK, C), jnp.float32),
            pltpu.VMEM((2 * RPC, 128), jnp.int32),
            pltpu.VMEM((2 * CHUNK, C), jnp.float32),
            pltpu.SemaphoreType.DMA,
            pltpu.SemaphoreType.DMA,
            pltpu.SemaphoreType.DMA,
        ],
    )


def kernel(x, y, F_active, conv_w):
    f_nhwc = jnp.transpose(F_active, (0, 2, 3, 1))
    wt9 = conv_w.reshape(C, 9).T
    table = _conv_tanh(f_nhwc, wt9).reshape(NPIX, C)

    xb = x.reshape(NPTS // 128, 128)
    yb = y.reshape(NPTS // 128, 128)
    idx_out, wts_out = _idxwts(xb, yb)

    idx_pq = idx_out.reshape(4, NPTS).T
    idxs = idx_pq.reshape(NPTS * 4 // 128, 128)
    wtsr = jnp.repeat(wts_out.reshape(8, NPTS).T, 16, axis=1)

    return _sc_interp()(table, idxs, wtsr)

# --- scband reference (transcript-rebuilt; emitter-appended) ---
"""Pipeline reference for scband-encoder-89962384982587 (READ-ONLY COPY).

The authoritative reference and input builder live on the scoring server;
editing this copy changes nothing except your own understanding.
"""

import jax, jax.numpy as jnp
import numpy as np

N_CELLS = 2
C = 128
RES_H = 256
RES_W = 256
NPTS = 131072
DOMAIN = (0.0, 2.0, 0.0, 1.0)


def _depthwise_conv(a, w):
    # PyTorch Conv2d(groups=C, kernel=3, padding=1, bias=False) == grouped cross-correlation
    return jax.lax.conv_general_dilated(
        a, w, window_strides=(1, 1), padding=((1, 1), (1, 1)),
        dimension_numbers=('NCHW', 'OIHW', 'NCHW'),
        feature_group_count=a.shape[1])


def _grid_sample_2d(inp, grid):
    N, Cc, IH, IW = inp.shape
    _, H, W, _ = grid.shape
    step_f = lambda t: 0.5 * (1.0 - jnp.cos(jnp.pi * t))
    ix = grid[..., 0]
    iy = grid[..., 1]
    off = jnp.linspace(0.0, 1.0 - 1.0 / N, N).reshape(N, 1, 1)
    iy = (iy + 1.0) / 2.0 * (IH - 2) + off
    ix = (ix + 1.0) / 2.0 * (IW - 2) + off
    ix_left = jnp.floor(jax.lax.stop_gradient(ix))
    ix_right = ix_left + 1.0
    iy_top = jnp.floor(jax.lax.stop_gradient(iy))
    iy_bottom = iy_top + 1.0
    dx_right = step_f(ix_right - ix)
    dx_left = 1.0 - dx_right
    dy_bottom = step_f(iy_bottom - iy)
    dy_top = 1.0 - dy_bottom
    nw = dx_right * dy_bottom
    ne = dx_left * dy_bottom
    sw = dx_right * dy_top
    se = dx_left * dy_top
    ix_left = jnp.clip(ix_left, 0, IW - 1)
    ix_right = jnp.clip(ix_right, 0, IW - 1)
    iy_top = jnp.clip(iy_top, 0, IH - 1)
    iy_bottom = jnp.clip(iy_bottom, 0, IH - 1)
    flat = inp.reshape(N, Cc, IH * IW)

    def g(iyv, ixv):
        idx = (iyv * IW + ixv).astype(jnp.int32).reshape(N, 1, H * W)
        idx = jnp.broadcast_to(idx, (N, Cc, H * W))
        return jnp.take_along_axis(flat, idx, axis=2).reshape(N, Cc, H, W)

    nw_val = g(iy_top, ix_left)
    ne_val = g(iy_top, ix_right)
    sw_val = g(iy_bottom, ix_left)
    se_val = g(iy_bottom, ix_right)
    return (nw_val * nw.reshape(N, 1, H, W) + ne_val * ne.reshape(N, 1, H, W)
            + sw_val * sw.reshape(N, 1, H, W) + se_val * se.reshape(N, 1, H, W))


def _forward(x, y, F_active, conv_w):
    x_min, x_max, y_min, y_max = DOMAIN
    xn = (x - x_min) / (x_max - x_min)
    yn = (y - y_min) / (y_max - y_min)
    grid = jnp.concatenate([xn * 2.0 - 1.0, yn * 2.0 - 1.0], axis=-1)[None, None]
    grid = jnp.tile(grid, (N_CELLS, 1, 1, 1))
    alpha = jnp.tanh(_depthwise_conv(F_active, conv_w))
    F = _grid_sample_2d(alpha, grid)
    dim = alpha.shape[1]
    return F.sum(0).reshape(dim, -1).T


def setup_inputs(seed: int = 0) -> dict:
    key = jax.random.key(seed)
    k1, k2, k3, k4 = jax.random.split(key, 4)
    x = jax.random.uniform(k1, (NPTS, 1), dtype=jnp.float32)
    y = jax.random.uniform(k2, (NPTS, 1), dtype=jnp.float32)
    F_active = jax.random.uniform(k3, (N_CELLS, C, RES_H, RES_W), dtype=jnp.float32,
                                  minval=-1e-05, maxval=1e-05)
    conv_w = jax.random.uniform(k4, (C, 1, 3, 3), dtype=jnp.float32,
                                minval=-1.0 / 3.0, maxval=1.0 / 3.0)
    return {"x": x, "y": y, "F_active": F_active, "conv_w": conv_w}


def reference(x, y, F_active, conv_w):
    return _forward(x, y, F_active, conv_w)

if __name__ == "__main__":
    import jax
    _d = setup_inputs()
    print(jax.jit(kernel)(*tuple(_d.values())))

</pallas_src>

<mosaic_0001>
#map = affine_map<(d0, d1) -> (0, 0)>
module attributes {stable_mosaic.version = 14 : i64} {
  func.func @_sc_interp_body(%arg0: i32, %arg1: i32, %arg2: memref<131072x128xi32, #tpu.memory_space<hbm>>, %arg3: memref<4096x128xi32, #tpu.memory_space<hbm>>, %arg4: memref<131072x128xf32, #tpu.memory_space<hbm>>, %arg5: memref<131072x128xf32, #tpu.memory_space<hbm>>, %arg6: memref<128x128xi32, #tpu.memory_space<vmem>>, %arg7: memref<128x128xf32, #tpu.memory_space<vmem>>, %arg8: memref<512x128xi32, #tpu.memory_space<vmem>>, %arg9: memref<128x128xf32, #tpu.memory_space<vmem>>, %arg10: memref<!tpu.dma_semaphore, #tpu.memory_space<semaphore_mem>>, %arg11: memref<!tpu.dma_semaphore, #tpu.memory_space<semaphore_mem>>, %arg12: memref<!tpu.dma_semaphore, #tpu.memory_space<semaphore_mem>>) attributes {dimension_semantics = [#tpu.dimension_semantics<core_parallel>, #tpu.dimension_semantics<subcore_parallel>], iteration_bounds = array<i64: 2, 16>, scalar_prefetch = 0 : i64, scratch_operands = 7 : i64, tpu.core_type = #tpu.core_type<sc_vector_subcore>, window_params = [{transform_indices = #map}, {transform_indices = #map}, {transform_indices = #map}, {transform_indices = #map}]} {
    %mul3A = arith.constant 2 : i32
    %mul3A_0 = arith.muli %arg1, %mul3A : i32
    %add3A = arith.addi %mul3A_0, %arg0 : i32
    %mul3A_1 = arith.constant 128 : i32
    %mul3A_2 = arith.muli %add3A, %mul3A_1 : i32
    "tpu.region"() ({
      %run_scoped3A = tpu.sem_alloc : memref<!tpu.dma_semaphore, #tpu.memory_space<semaphore_mem>>
      %dma_start3A_82 = arith.constant 0 : i32
      %dma_start3A_83 = tpu.memref_slice %arg3[%mul3A_2, %dma_start3A_82] : memref<4096x128xi32, #tpu.memory_space<hbm>> -> memref<128x128xi32, #tpu.memory_space<hbm>>
      %dma_start3A_84 = arith.constant 0 : i32
      %dma_start3A_85 = tpu.memref_slice %arg3[%mul3A_2, %dma_start3A_84] : memref<4096x128xi32, #tpu.memory_space<hbm>> -> memref<128x128xi32, #tpu.memory_space<hbm>>
      tpu.enqueue_dma source(%dma_start3A_85 : memref<128x128xi32, #tpu.memory_space<hbm>>) target(%arg6 : memref<128x128xi32, #tpu.memory_space<vmem>>) target_semaphore(%run_scoped3A : memref<!tpu.dma_semaphore, #tpu.memory_space<semaphore_mem>>)
      %dma_wait3A_86 = arith.constant 0 : i32
      %dma_wait3A_87 = tpu.memref_slice %arg3[%mul3A_2, %dma_wait3A_86] : memref<4096x128xi32, #tpu.memory_space<hbm>> -> memref<128x128xi32, #tpu.memory_space<hbm>>
      %dma_wait3A_88 = arith.constant 0 : i32
      %dma_wait3A_89 = tpu.memref_slice %arg3[%mul3A_2, %dma_wait3A_88] : memref<4096x128xi32, #tpu.memory_space<hbm>> -> memref<128x128xi32, #tpu.memory_space<hbm>>
      tpu.wait_dma2 semaphore(%run_scoped3A : memref<!tpu.dma_semaphore, #tpu.memory_space<semaphore_mem>>) src(%dma_wait3A_89 : memref<128x128xi32, #tpu.memory_space<hbm>>) dst(%arg6 : memref<128x128xi32, #tpu.memory_space<vmem>>)
      tpu.yield
    }) : () -> ()
    %mul3A_3 = arith.constant 4096 : i32
    %mul3A_4 = arith.muli %add3A, %mul3A_3 : i32
    %add3A_5 = arith.constant 0 : i32
    %add3A_6 = arith.addi %mul3A_4, %add3A_5 : i32
    %dma_start3A = arith.constant 0 : i32
    %dma_start3A_7 = arith.constant 0 : i32
    %dma_start3A_8 = tpu.memref_slice %arg7[%dma_start3A, %dma_start3A_7] : memref<128x128xf32, #tpu.memory_space<vmem>> -> memref<64x128xf32, #tpu.memory_space<vmem>>
    %dma_start3A_9 = arith.constant 0 : i32
    %dma_start3A_10 = tpu.memref_slice %arg4[%add3A_6, %dma_start3A_9] : memref<131072x128xf32, #tpu.memory_space<hbm>> -> memref<64x128xf32, #tpu.memory_space<hbm>>
    %dma_start3A_11 = arith.constant 0 : i32
    %dma_start3A_12 = arith.constant 0 : i32
    %dma_start3A_13 = tpu.memref_slice %arg7[%dma_start3A_11, %dma_start3A_12] : memref<128x128xf32, #tpu.memory_space<vmem>> -> memref<64x128xf32, #tpu.memory_space<vmem>>
    %dma_start3A_14 = arith.constant 0 : i32
    %dma_start3A_15 = tpu.memref_slice %arg4[%add3A_6, %dma_start3A_14] : memref<131072x128xf32, #tpu.memory_space<hbm>> -> memref<64x128xf32, #tpu.memory_space<hbm>>
    tpu.enqueue_dma source(%dma_start3A_15 : memref<64x128xf32, #tpu.memory_space<hbm>>) target(%dma_start3A_13 : memref<64x128xf32, #tpu.memory_space<vmem>>) target_semaphore(%arg10 : memref<!tpu.dma_semaphore, #tpu.memory_space<semaphore_mem>>)
    %mul3A_16 = arith.constant 4096 : i32
    %mul3A_17 = arith.muli %add3A, %mul3A_16 : i32
    %add3A_18 = arith.constant 64 : i32
    %add3A_19 = arith.addi %mul3A_17, %add3A_18 : i32
    %dma_start3A_20 = arith.constant 64 : i32
    %dma_start3A_21 = arith.constant 0 : i32
    %dma_start3A_22 = tpu.memref_slice %arg7[%dma_start3A_20, %dma_start3A_21] : memref<128x128xf32, #tpu.memory_space<vmem>> -> memref<64x128xf32, #tpu.memory_space<vmem>>
    %dma_start3A_23 = arith.constant 0 : i32
    %dma_start3A_24 = tpu.memref_slice %arg4[%add3A_19, %dma_start3A_23] : memref<131072x128xf32, #tpu.memory_space<hbm>> -> memref<64x128xf32, #tpu.memory_space<hbm>>
    %dma_start3A_25 = arith.constant 64 : i32
    %dma_start3A_26 = arith.constant 0 : i32
    %dma_start3A_27 = tpu.memref_slice %arg7[%dma_start3A_25, %dma_start3A_26] : memref<128x128xf32, #tpu.memory_space<vmem>> -> memref<64x128xf32, #tpu.memory_space<vmem>>
    %dma_start3A_28 = arith.constant 0 : i32
    %dma_start3A_29 = tpu.memref_slice %arg4[%add3A_19, %dma_start3A_28] : memref<131072x128xf32, #tpu.memory_space<hbm>> -> memref<64x128xf32, #tpu.memory_space<hbm>>
    tpu.enqueue_dma source(%dma_start3A_29 : memref<64x128xf32, #tpu.memory_space<hbm>>) target(%dma_start3A_27 : memref<64x128xf32, #tpu.memory_space<vmem>>) target_semaphore(%arg10 : memref<!tpu.dma_semaphore, #tpu.memory_space<semaphore_mem>>)
    %dma_start3A_30 = arith.constant 0 : i32
    %dma_start3A_31 = arith.constant 0 : i32
    %dma_start3A_32 = arith.constant 0 : i32
    %dma_start3A_33 = tpu.memref_slice %arg8[%dma_start3A_31, %dma_start3A_32] : memref<512x128xi32, #tpu.memory_space<vmem>> -> memref<128x128xi32, #tpu.memory_space<vmem>>
    %dma_start3A_34 = arith.constant 0 : i32
    %dma_start3A_35 = tpu.memref_slice %arg6[%dma_start3A_30, %dma_start3A_34] : memref<128x128xi32, #tpu.memory_space<vmem>> -> memref<1x128xi32, #tpu.memory_space<vmem>>
    %dma_start3A_36 = tpu.memref_squeeze %dma_start3A_35 : memref<1x128xi32, #tpu.memory_space<vmem>> -> memref<128xi32, #tpu.memory_space<vmem>>
    %dma_start3A_37 = arith.constant 0 : i32
    %dma_start3A_38 = arith.constant 0 : i32
    %dma_start3A_39 = tpu.memref_slice %arg2[%dma_start3A_37, %dma_start3A_38] : memref<131072x128xi32, #tpu.memory_space<hbm>> -> memref<131072x128xi32, #tpu.memory_space<hbm>>
    tpu.enqueue_indirect_dma source(%dma_start3A_39 : memref<131072x128xi32, #tpu.memory_space<hbm>>) target(%dma_start3A_33 : memref<128x128xi32, #tpu.memory_space<vmem>>) offsets(%dma_start3A_36 : memref<128xi32, #tpu.memory_space<vmem>>) semaphore(%arg11 : memref<!tpu.dma_semaphore, #tpu.memory_space<semaphore_mem>>)
    %dma_start3A_40 = arith.constant 1 : i32
    %dma_start3A_41 = arith.constant 128 : i32
    %dma_start3A_42 = arith.constant 0 : i32
    %dma_start3A_43 = tpu.memref_slice %arg8[%dma_start3A_41, %dma_start3A_42] : memref<512x128xi32, #tpu.memory_space<vmem>> -> memref<128x128xi32, #tpu.memory_space<vmem>>
    %dma_start3A_44 = arith.constant 0 : i32
    %dma_start3A_45 = tpu.memref_slice %arg6[%dma_start3A_40, %dma_start3A_44] : memref<128x128xi32, #tpu.memory_space<vmem>> -> memref<1x128xi32, #tpu.memory_space<vmem>>
    %dma_start3A_46 = tpu.memref_squeeze %dma_start3A_45 : memref<1x128xi32, #tpu.memory_space<vmem>> -> memref<128xi32, #tpu.memory_space<vmem>>
    %dma_start3A_47 = arith.constant 0 : i32
    %dma_start3A_48 = arith.constant 0 : i32
    %dma_start3A_49 = tpu.memref_slice %arg2[%dma_start3A_47, %dma_start3A_48] : memref<131072x128xi32, #tpu.memory_space<hbm>> -> memref<131072x128xi32, #tpu.memory_space<hbm>>
    tpu.enqueue_indirect_dma source(%dma_start3A_49 : memref<131072x128xi32, #tpu.memory_space<hbm>>) target(%dma_start3A_43 : memref<128x128xi32, #tpu.memory_space<vmem>>) offsets(%dma_start3A_46 : memref<128xi32, #tpu.memory_space<vmem>>) semaphore(%arg11 : memref<!tpu.dma_semaphore, #tpu.memory_space<semaphore_mem>>)
    %scan3A = arith.constant 0 : i32
    %scan3A_50 = arith.constant 0 : i32
    %scan3A_51 = arith.constant 64 : i32
    %scan3A_52 = arith.addi %scan3A_50, %scan3A_51 : i32
    %scan3A_53 = arith.constant 1 : i32
    scf.for %scan3A_82 = %scan3A_50 to %scan3A_52 step %scan3A_53  : i32 {
      %and3A = arith.constant 1 : i32
      %and3A_83 = arith.andi %scan3A_82, %and3A : i32
      %sub3A = arith.constant 1 : i32
      %sub3A_84 = arith.subi %sub3A, %and3A_83 : i32
      %add3A_85 = arith.constant 1 : i32
      %add3A_86 = arith.addi %scan3A_82, %add3A_85 : i32
      %lt3A = arith.constant 64 : i32
      %lt3A_87 = arith.cmpi slt, %add3A_86, %lt3A : i32
      %convert_element_type3A = arith.extui %lt3A_87 : i1 to i32
      %cond3A = arith.constant 0 : i32
      %cond3A_88 = arith.cmpi ne, %convert_element_type3A, %cond3A : i32
      scf.if %cond3A_88 {
        %add3A_172 = arith.constant 1 : i32
        %add3A_173 = arith.addi %scan3A_82, %add3A_172 : i32
        %mul3A_174 = arith.constant 2 : i32
        %mul3A_175 = arith.muli %add3A_173, %mul3A_174 : i32
        %add3A_176 = arith.constant 0 : i32
        %add3A_177 = arith.addi %mul3A_175, %add3A_176 : i32
        %mul3A_178 = arith.constant 2 : i32
        %mul3A_179 = arith.muli %sub3A_84, %mul3A_178 : i32
        %add3A_180 = arith.constant 0 : i32
        %add3A_181 = arith.addi %mul3A_179, %add3A_180 : i32
        %mul3A_182 = arith.constant 128 : i32
        %mul3A_183 = arith.muli %add3A_181, %mul3A_182 : i32
        %mul3A_184 = arith.constant 2 : i32
        %mul3A_185 = arith.muli %add3A_173, %mul3A_184 : i32
        %add3A_186 = arith.constant 1 : i32
        %add3A_187 = arith.addi %mul3A_185, %add3A_186 : i32
        %mul3A_188 = arith.constant 2 : i32
        %mul3A_189 = arith.muli %sub3A_84, %mul3A_188 : i32
        %add3A_190 = arith.constant 1 : i32
        %add3A_191 = arith.addi %mul3A_189, %add3A_190 : i32
        %mul3A_192 = arith.constant 128 : i32
        %mul3A_193 = arith.muli %add3A_191, %mul3A_192 : i32
        %dma_start3A_194 = arith.constant 0 : i32
        %dma_start3A_195 = tpu.memref_slice %arg8[%mul3A_183, %dma_start3A_194] : memref<512x128xi32, #tpu.memory_space<vmem>> -> memref<128x128xi32, #tpu.memory_space<vmem>>
        %dma_start3A_196 = arith.constant 0 : i32
        %dma_start3A_197 = tpu.memref_slice %arg6[%add3A_177, %dma_start3A_196] : memref<128x128xi32, #tpu.memory_space<vmem>> -> memref<1x128xi32, #tpu.memory_space<vmem>>
        %dma_start3A_198 = tpu.memref_squeeze %dma_start3A_197 : memref<1x128xi32, #tpu.memory_space<vmem>> -> memref<128xi32, #tpu.memory_space<vmem>>
        %dma_start3A_199 = arith.constant 0 : i32
        %dma_start3A_200 = arith.constant 0 : i32
        %dma_start3A_201 = tpu.memref_slice %arg2[%dma_start3A_199, %dma_start3A_200] : memref<131072x128xi32, #tpu.memory_space<hbm>> -> memref<131072x128xi32, #tpu.memory_space<hbm>>
        tpu.enqueue_indirect_dma source(%dma_start3A_201 : memref<131072x128xi32, #tpu.memory_space<hbm>>) target(%dma_start3A_195 : memref<128x128xi32, #tpu.memory_space<vmem>>) offsets(%dma_start3A_198 : memref<128xi32, #tpu.memory_space<vmem>>) semaphore(%arg11 : memref<!tpu.dma_semaphore, #tpu.memory_space<semaphore_mem>>)
        %dma_start3A_202 = arith.constant 0 : i32
        %dma_start3A_203 = tpu.memref_slice %arg8[%mul3A_193, %dma_start3A_202] : memref<512x128xi32, #tpu.memory_space<vmem>> -> memref<128x128xi32, #tpu.memory_space<vmem>>
        %dma_start3A_204 = arith.constant 0 : i32
        %dma_start3A_205 = tpu.memref_slice %arg6[%add3A_187, %dma_start3A_204] : memref<128x128xi32, #tpu.memory_space<vmem>> -> memref<1x128xi32, #tpu.memory_space<vmem>>
        %dma_start3A_206 = tpu.memref_squeeze %dma_start3A_205 : memref<1x128xi32, #tpu.memory_space<vmem>> -> memref<128xi32, #tpu.memory_space<vmem>>
        %dma_start3A_207 = arith.constant 0 : i32
        %dma_start3A_208 = arith.constant 0 : i32
        %dma_start3A_209 = tpu.memref_slice %arg2[%dma_start3A_207, %dma_start3A_208] : memref<131072x128xi32, #tpu.memory_space<hbm>> -> memref<131072x128xi32, #tpu.memory_space<hbm>>
        tpu.enqueue_indirect_dma source(%dma_start3A_209 : memref<131072x128xi32, #tpu.memory_space<hbm>>) target(%dma_start3A_203 : memref<128x128xi32, #tpu.memory_space<vmem>>) offsets(%dma_start3A_206 : memref<128xi32, #tpu.memory_space<vmem>>) semaphore(%arg11 : memref<!tpu.dma_semaphore, #tpu.memory_space<semaphore_mem>>)
      } else {
      }
      %mul3A_89 = arith.constant 2 : i32
      %mul3A_90 = arith.muli %scan3A_82, %mul3A_89 : i32
      %add3A_91 = arith.constant 0 : i32
      %add3A_92 = arith.addi %mul3A_90, %add3A_91 : i32
      %mul3A_93 = arith.constant 2 : i32
      %mul3A_94 = arith.muli %and3A_83, %mul3A_93 : i32
      %add3A_95 = arith.constant 0 : i32
      %add3A_96 = arith.addi %mul3A_94, %add3A_95 : i32
      %mul3A_97 = arith.constant 128 : i32
      %mul3A_98 = arith.muli %add3A_96, %mul3A_97 : i32
      %mul3A_99 = arith.constant 2 : i32
      %mul3A_100 = arith.muli %scan3A_82, %mul3A_99 : i32
      %add3A_101 = arith.constant 1 : i32
      %add3A_102 = arith.addi %mul3A_100, %add3A_101 : i32
      %mul3A_103 = arith.constant 2 : i32
      %mul3A_104 = arith.muli %and3A_83, %mul3A_103 : i32
      %add3A_105 = arith.constant 1 : i32
      %add3A_106 = arith.addi %mul3A_104, %add3A_105 : i32
      %mul3A_107 = arith.constant 128 : i32
      %mul3A_108 = arith.muli %add3A_106, %mul3A_107 : i32
      %dma_wait3A_109 = arith.constant 0 : i32
      %dma_wait3A_110 = tpu.memref_slice %arg8[%mul3A_98, %dma_wait3A_109] : memref<512x128xi32, #tpu.memory_space<vmem>> -> memref<128x128xi32, #tpu.memory_space<vmem>>
      %dma_wait3A_111 = arith.constant 0 : i32
      %dma_wait3A_112 = tpu.memref_slice %arg6[%add3A_92, %dma_wait3A_111] : memref<128x128xi32, #tpu.memory_space<vmem>> -> memref<1x128xi32, #tpu.memory_space<vmem>>
      %dma_wait3A_113 = tpu.memref_squeeze %dma_wait3A_112 : memref<1x128xi32, #tpu.memory_space<vmem>> -> memref<128xi32, #tpu.memory_space<vmem>>
      %dma_wait3A_114 = arith.constant 0 : i32
      %dma_wait3A_115 = arith.constant 0 : i32
      %dma_wait3A_116 = tpu.memref_slice %arg2[%dma_wait3A_114, %dma_wait3A_115] : memref<131072x128xi32, #tpu.memory_space<hbm>> -> memref<131072x128xi32, #tpu.memory_space<hbm>>
      tpu.wait_indirect_dma semaphore(%arg11 : memref<!tpu.dma_semaphore, #tpu.memory_space<semaphore_mem>>) src(%dma_wait3A_116 : memref<131072x128xi32, #tpu.memory_space<hbm>>) dst(%dma_wait3A_110 : memref<128x128xi32, #tpu.memory_space<vmem>>)
      %dma_wait3A_117 = arith.constant 0 : i32
      %dma_wait3A_118 = tpu.memref_slice %arg8[%mul3A_108, %dma_wait3A_117] : memref<512x128xi32, #tpu.memory_space<vmem>> -> memref<128x128xi32, #tpu.memory_space<vmem>>
      %dma_wait3A_119 = arith.constant 0 : i32
      %dma_wait3A_120 = tpu.memref_slice %arg6[%add3A_102, %dma_wait3A_119] : memref<128x128xi32, #tpu.memory_space<vmem>> -> memref<1x128xi32, #tpu.memory_space<vmem>>
      %dma_wait3A_121 = tpu.memref_squeeze %dma_wait3A_120 : memref<1x128xi32, #tpu.memory_space<vmem>> -> memref<128xi32, #tpu.memory_space<vmem>>
      %dma_wait3A_122 = arith.constant 0 : i32
      %dma_wait3A_123 = arith.constant 0 : i32
      %dma_wait3A_124 = tpu.memref_slice %arg2[%dma_wait3A_122, %dma_wait3A_123] : memref<131072x128xi32, #tpu.memory_space<hbm>> -> memref<131072x128xi32, #tpu.memory_space<hbm>>
      tpu.wait_indirect_dma semaphore(%arg11 : memref<!tpu.dma_semaphore, #tpu.memory_space<semaphore_mem>>) src(%dma_wait3A_124 : memref<131072x128xi32, #tpu.memory_space<hbm>>) dst(%dma_wait3A_118 : memref<128x128xi32, #tpu.memory_space<vmem>>)
      %ge3A = arith.constant 2 : i32
      %ge3A_125 = arith.cmpi sge, %scan3A_82, %ge3A : i32
      %convert_element_type3A_126 = arith.extui %ge3A_125 : i1 to i32
      %cond3A_127 = arith.constant 0 : i32
      %cond3A_128 = arith.cmpi ne, %convert_element_type3A_126, %cond3A_127 : i32
      scf.if %cond3A_128 {
        %sub3A_172 = arith.constant 2 : i32
        %sub3A_173 = arith.subi %scan3A_82, %sub3A_172 : i32
        %mul3A_174 = arith.constant 64 : i32
        %mul3A_175 = arith.muli %and3A_83, %mul3A_174 : i32
        %mul3A_176 = arith.constant 4096 : i32
        %mul3A_177 = arith.muli %add3A, %mul3A_176 : i32
        %mul3A_178 = arith.constant 64 : i32
        %mul3A_179 = arith.muli %sub3A_173, %mul3A_178 : i32
        %add3A_180 = arith.addi %mul3A_177, %mul3A_179 : i32
        %dma_wait3A_181 = arith.constant 0 : i32
        %dma_wait3A_182 = tpu.memref_slice %arg9[%mul3A_175, %dma_wait3A_181] : memref<128x128xf32, #tpu.memory_space<vmem>> -> memref<64x128xf32, #tpu.memory_space<vmem>>
        %dma_wait3A_183 = arith.constant 0 : i32
        %dma_wait3A_184 = tpu.memref_slice %arg5[%add3A_180, %dma_wait3A_183] : memref<131072x128xf32, #tpu.memory_space<hbm>> -> memref<64x128xf32, #tpu.memory_space<hbm>>
        %dma_wait3A_185 = arith.constant 0 : i32
        %dma_wait3A_186 = tpu.memref_slice %arg5[%add3A_180, %dma_wait3A_185] : memref<131072x128xf32, #tpu.memory_space<hbm>> -> memref<64x128xf32, #tpu.memory_space<hbm>>
        %dma_wait3A_187 = arith.constant 0 : i32
        %dma_wait3A_188 = tpu.memref_slice %arg9[%mul3A_175, %dma_wait3A_187] : memref<128x128xf32, #tpu.memory_space<vmem>> -> memref<64x128xf32, #tpu.memory_space<vmem>>
        tpu.wait_dma2 semaphore(%arg12 : memref<!tpu.dma_semaphore, #tpu.memory_space<semaphore_mem>>) src(%dma_wait3A_188 : memref<64x128xf32, #tpu.memory_space<vmem>>) dst(%dma_wait3A_186 : memref<64x128xf32, #tpu.memory_space<hbm>>)
      } else {
      }
      %mul3A_129 = arith.constant 4096 : i32
      %mul3A_130 = arith.muli %add3A, %mul3A_129 : i32
      %mul3A_131 = arith.constant 64 : i32
      %mul3A_132 = arith.muli %scan3A_82, %mul3A_131 : i32
      %add3A_133 = arith.addi %mul3A_130, %mul3A_132 : i32
      %mul3A_134 = arith.constant 64 : i32
      %mul3A_135 = arith.muli %and3A_83, %mul3A_134 : i32
      %dma_wait3A_136 = arith.constant 0 : i32
      %dma_wait3A_137 = tpu.memref_slice %arg7[%mul3A_135, %dma_wait3A_136] : memref<128x128xf32, #tpu.memory_space<vmem>> -> memref<64x128xf32, #tpu.memory_space<vmem>>
      %dma_wait3A_138 = arith.constant 0 : i32
      %dma_wait3A_139 = tpu.memref_slice %arg4[%add3A_133, %dma_wait3A_138] : memref<131072x128xf32, #tpu.memory_space<hbm>> -> memref<64x128xf32, #tpu.memory_space<hbm>>
      %dma_wait3A_140 = arith.constant 0 : i32
      %dma_wait3A_141 = tpu.memref_slice %arg7[%mul3A_135, %dma_wait3A_140] : memref<128x128xf32, #tpu.memory_space<vmem>> -> memref<64x128xf32, #tpu.memory_space<vmem>>
      %dma_wait3A_142 = arith.constant 0 : i32
      %dma_wait3A_143 = tpu.memref_slice %arg4[%add3A_133, %dma_wait3A_142] : memref<131072x128xf32, #tpu.memory_space<hbm>> -> memref<64x128xf32, #tpu.memory_space<hbm>>
      tpu.wait_dma2 semaphore(%arg10 : memref<!tpu.dma_semaphore, #tpu.memory_space<semaphore_mem>>) src(%dma_wait3A_143 : memref<64x128xf32, #tpu.memory_space<hbm>>) dst(%dma_wait3A_141 : memref<64x128xf32, #tpu.memory_space<vmem>>)
      %mul3A_144 = arith.constant 64 : i32
      %mul3A_145 = arith.muli %and3A_83, %mul3A_144 : i32
      %mul3A_146 = arith.constant 256 : i32
      %mul3A_147 = arith.muli %and3A_83, %mul3A_146 : i32
      %parallel_loop3A = arith.constant 0 : i32
      %parallel_loop3A_148 = arith.constant 64 : i32
      %parallel_loop3A_149 = arith.constant 1 : i32
      scf.for %parallel_loop3A_172 = %parallel_loop3A to %parallel_loop3A_148 step %parallel_loop3A_149  : i32 {
        %parallel_loop3A_173 = arith.constant 4 : i32
        %parallel_loop3A_174 = arith.muli %parallel_loop3A_172, %parallel_loop3A_173 : i32
        %parallel_loop3A_175 = arith.addi %mul3A_147, %parallel_loop3A_174 : i32
        %parallel_loop3A_176 = arith.addi %mul3A_145, %parallel_loop3A_172 : i32
        %parallel_loop3A_177 = arith.index_cast %parallel_loop3A_176 : i32 to index
        %parallel_loop3A_178 = arith.constant 0 : index
        %parallel_loop3A_179 = tpu.vector_load %arg7[%parallel_loop3A_177, %parallel_loop3A_178] {strides = array<i32>} : memref<128x128xf32, #tpu.memory_space<vmem>>, vector<16xf32>,
        %parallel_loop3A_180 = arith.index_cast %parallel_loop3A_176 : i32 to index
        %parallel_loop3A_181 = arith.constant 16 : index
        %parallel_loop3A_182 = tpu.vector_load %arg7[%parallel_loop3A_180, %parallel_loop3A_181] {strides = array<i32>} : memref<128x128xf32, #tpu.memory_space<vmem>>, vector<16xf32>,
        %parallel_loop3A_183 = arith.index_cast %parallel_loop3A_176 : i32 to index
        %parallel_loop3A_184 = arith.constant 32 : index
        %parallel_loop3A_185 = tpu.vector_load %arg7[%parallel_loop3A_183, %parallel_loop3A_184] {strides = array<i32>} : memref<128x128xf32, #tpu.memory_space<vmem>>, vector<16xf32>,
        %parallel_loop3A_186 = arith.index_cast %parallel_loop3A_176 : i32 to index
        %parallel_loop3A_187 = arith.constant 48 : index
        %parallel_loop3A_188 = tpu.vector_load %arg7[%parallel_loop3A_186, %parallel_loop3A_187] {strides = array<i32>} : memref<128x128xf32, #tpu.memory_space<vmem>>, vector<16xf32>,
        %parallel_loop3A_189 = arith.index_cast %parallel_loop3A_176 : i32 to index
        %parallel_loop3A_190 = arith.constant 64 : index
        %parallel_loop3A_191 = tpu.vector_load %arg7[%parallel_loop3A_189, %parallel_loop3A_190] {strides = array<i32>} : memref<128x128xf32, #tpu.memory_space<vmem>>, vector<16xf32>,
        %parallel_loop3A_192 = arith.index_cast %parallel_loop3A_176 : i32 to index
        %parallel_loop3A_193 = arith.constant 80 : index
        %parallel_loop3A_194 = tpu.vector_load %arg7[%parallel_loop3A_192, %parallel_loop3A_193] {strides = array<i32>} : memref<128x128xf32, #tpu.memory_space<vmem>>, vector<16xf32>,
        %parallel_loop3A_195 = arith.index_cast %parallel_loop3A_176 : i32 to index
        %parallel_loop3A_196 = arith.constant 96 : index
        %parallel_loop3A_197 = tpu.vector_load %arg7[%parallel_loop3A_195, %parallel_loop3A_196] {strides = array<i32>} : memref<128x128xf32, #tpu.memory_space<vmem>>, vector<16xf32>,
        %parallel_loop3A_198 = arith.index_cast %parallel_loop3A_176 : i32 to index
        %parallel_loop3A_199 = arith.constant 112 : index
        %parallel_loop3A_200 = tpu.vector_load %arg7[%parallel_loop3A_198, %parallel_loop3A_199] {strides = array<i32>} : memref<128x128xf32, #tpu.memory_space<vmem>>, vector<16xf32>,
        %parallel_loop3A_201 = arith.constant 0.000000e+00 : f32
        %parallel_loop3A_202 = vector.broadcast %parallel_loop3A_201 : f32 to vector<16xf32>
        %parallel_loop3A_203 = arith.constant 0 : i32
        %parallel_loop3A_204 = arith.addi %parallel_loop3A_175, %parallel_loop3A_203 : i32
        %parallel_loop3A_205 = arith.index_cast %parallel_loop3A_204 : i32 to index
        %parallel_loop3A_206 = arith.constant 0 : index
        %parallel_loop3A_207 = tpu.vector_load %arg8[%parallel_loop3A_205, %parallel_loop3A_206] {strides = array<i32>} : memref<512x128xi32, #tpu.memory_space<vmem>>, vector<16xi32>,
        %parallel_loop3A_208 = vector.bitcast %parallel_loop3A_207 : vector<16xi32> to vector<32xbf16>
        %parallel_loop3A_209 = tpu.unpack_subelements %parallel_loop3A_208, 0 {pack_format = #tpu.pack_format<interleaved>} : vector<32xbf16> -> vector<16xf32>
        %parallel_loop3A_210 = tpu.unpack_subelements %parallel_loop3A_208, 1 {pack_format = #tpu.pack_format<interleaved>} : vector<32xbf16> -> vector<16xf32>
        %parallel_loop3A_211 = arith.mulf %parallel_loop3A_179, %parallel_loop3A_209 : vector<16xf32>
        %parallel_loop3A_212 = arith.addf %parallel_loop3A_202, %parallel_loop3A_211 : vector<16xf32>
        %parallel_loop3A_213 = arith.mulf %parallel_loop3A_182, %parallel_loop3A_210 : vector<16xf32>
        %parallel_loop3A_214 = arith.addf %parallel_loop3A_212, %parallel_loop3A_213 : vector<16xf32>
        %parallel_loop3A_215 = arith.constant 1 : i32
        %parallel_loop3A_216 = arith.addi %parallel_loop3A_175, %parallel_loop3A_215 : i32
        %parallel_loop3A_217 = arith.index_cast %parallel_loop3A_216 : i32 to index
        %parallel_loop3A_218 = arith.constant 0 : index
        %parallel_loop3A_219 = tpu.vector_load %arg8[%parallel_loop3A_217, %parallel_loop3A_218] {strides = array<i32>} : memref<512x128xi32, #tpu.memory_space<vmem>>, vector<16xi32>,
        %parallel_loop3A_220 = vector.bitcast %parallel_loop3A_219 : vector<16xi32> to vector<32xbf16>
        %parallel_loop3A_221 = tpu.unpack_subelements %parallel_loop3A_220, 0 {pack_format = #tpu.pack_format<interleaved>} : vector<32xbf16> -> vector<16xf32>
        %parallel_loop3A_222 = tpu.unpack_subelements %parallel_loop3A_220, 1 {pack_format = #tpu.pack_format<interleaved>} : vector<32xbf16> -> vector<16xf32>
        %parallel_loop3A_223 = arith.mulf %parallel_loop3A_185, %parallel_loop3A_221 : vector<16xf32>
        %parallel_loop3A_224 = arith.addf %parallel_loop3A_214, %parallel_loop3A_223 : vector<16xf32>
        %parallel_loop3A_225 = arith.mulf %parallel_loop3A_188, %parallel_loop3A_222 : vector<16xf32>
        %parallel_loop3A_226 = arith.addf %parallel_loop3A_224, %parallel_loop3A_225 : vector<16xf32>
        %parallel_loop3A_227 = arith.constant 2 : i32
        %parallel_loop3A_228 = arith.addi %parallel_loop3A_175, %parallel_loop3A_227 : i32
        %parallel_loop3A_229 = arith.index_cast %parallel_loop3A_228 : i32 to index
        %parallel_loop3A_230 = arith.constant 0 : index
        %parallel_loop3A_231 = tpu.vector_load %arg8[%parallel_loop3A_229, %parallel_loop3A_230] {strides = array<i32>} : memref<512x128xi32, #tpu.memory_space<vmem>>, vector<16xi32>,
        %parallel_loop3A_232 = vector.bitcast %parallel_loop3A_231 : vector<16xi32> to vector<32xbf16>
        %parallel_loop3A_233 = tpu.unpack_subelements %parallel_loop3A_232, 0 {pack_format = #tpu.pack_format<interleaved>} : vector<32xbf16> -> vector<16xf32>
        %parallel_loop3A_234 = tpu.unpack_subelements %parallel_loop3A_232, 1 {pack_format = #tpu.pack_format<interleaved>} : vector<32xbf16> -> vector<16xf32>
        %parallel_loop3A_235 = arith.mulf %parallel_loop3A_191, %parallel_loop3A_233 : vector<16xf32>
        %parallel_loop3A_236 = arith.addf %parallel_loop3A_226, %parallel_loop3A_235 : vector<16xf32>
        %parallel_loop3A_237 = arith.mulf %parallel_loop3A_194, %parallel_loop3A_234 : vector<16xf32>
        %parallel_loop3A_238 = arith.addf %parallel_loop3A_236, %parallel_loop3A_237 : vector<16xf32>
        %parallel_loop3A_239 = arith.constant 3 : i32
        %parallel_loop3A_240 = arith.addi %parallel_loop3A_175, %parallel_loop3A_239 : i32
        %parallel_loop3A_241 = arith.index_cast %parallel_loop3A_240 : i32 to index
        %parallel_loop3A_242 = arith.constant 0 : index
        %parallel_loop3A_243 = tpu.vector_load %arg8[%parallel_loop3A_241, %parallel_loop3A_242] {strides = array<i32>} : memref<512x128xi32, #tpu.memory_space<vmem>>, vector<16xi32>,
        %parallel_loop3A_244 = vector.bitcast %parallel_loop3A_243 : vector<16xi32> to vector<32xbf16>
        %parallel_loop3A_245 = tpu.unpack_subelements %parallel_loop3A_244, 0 {pack_format = #tpu.pack_format<interleaved>} : vector<32xbf16> -> vector<16xf32>
        %parallel_loop3A_246 = tpu.unpack_subelements %parallel_loop3A_244, 1 {pack_format = #tpu.pack_format<interleaved>} : vector<32xbf16> -> vector<16xf32>
        %parallel_loop3A_247 = arith.mulf %parallel_loop3A_197, %parallel_loop3A_245 : vector<16xf32>
        %parallel_loop3A_248 = arith.addf %parallel_loop3A_238, %parallel_loop3A_247 : vector<16xf32>
        %parallel_loop3A_249 = arith.mulf %parallel_loop3A_200, %parallel_loop3A_246 : vector<16xf32>
        %parallel_loop3A_250 = arith.addf %parallel_loop3A_248, %parallel_loop3A_249 : vector<16xf32>
        %parallel_loop3A_251 = arith.index_cast %parallel_loop3A_176 : i32 to index
        %parallel_loop3A_252 = arith.constant 0 : index
        %parallel_loop3A_253 = tpu.vector_load %arg9[%parallel_loop3A_251, %parallel_loop3A_252] {strides = array<i32>} : memref<128x128xf32, #tpu.memory_space<vmem>>, vector<16xf32>,
        tpu.vector_store %arg9[%parallel_loop3A_251, %parallel_loop3A_252], %parallel_loop3A_250 {strides = array<i32>} : memref<128x128xf32, #tpu.memory_space<vmem>>, vector<16xf32>,
        %parallel_loop3A_254 = arith.constant 0.000000e+00 : f32
        %parallel_loop3A_255 = vector.broadcast %parallel_loop3A_254 : f32 to vector<16xf32>
        %parallel_loop3A_256 = arith.constant 0 : i32
        %parallel_loop3A_257 = arith.addi %parallel_loop3A_175, %parallel_loop3A_256 : i32
        %parallel_loop3A_258 = arith.index_cast %parallel_loop3A_257 : i32 to index
        %parallel_loop3A_259 = arith.constant 16 : index
        %parallel_loop3A_260 = tpu.vector_load %arg8[%parallel_loop3A_258, %parallel_loop3A_259] {strides = array<i32>} : memref<512x128xi32, #tpu.memory_space<vmem>>, vector<16xi32>,
        %parallel_loop3A_261 = vector.bitcast %parallel_loop3A_260 : vector<16xi32> to vector<32xbf16>
        %parallel_loop3A_262 = tpu.unpack_subelements %parallel_loop3A_261, 0 {pack_format = #tpu.pack_format<interleaved>} : vector<32xbf16> -> vector<16xf32>
        %parallel_loop3A_263 = tpu.unpack_subelements %parallel_loop3A_261, 1 {pack_format = #tpu.pack_format<interleaved>} : vector<32xbf16> -> vector<16xf32>
        %parallel_loop3A_264 = arith.mulf %parallel_loop3A_179, %parallel_loop3A_262 : vector<16xf32>
        %parallel_loop3A_265 = arith.addf %parallel_loop3A_255, %parallel_loop3A_264 : vector<16xf32>
        %parallel_loop3A_266 = arith.mulf %parallel_loop3A_182, %parallel_loop3A_263 : vector<16xf32>
        %parallel_loop3A_267 = arith.addf %parallel_loop3A_265, %parallel_loop3A_266 : vector<16xf32>
        %parallel_loop3A_268 = arith.constant 1 : i32
        %parallel_loop3A_269 = arith.addi %parallel_loop3A_175, %parallel_loop3A_268 : i32
        %parallel_loop3A_270 = arith.index_cast %parallel_loop3A_269 : i32 to index
        %parallel_loop3A_271 = arith.constant 16 : index
        %parallel_loop3A_272 = tpu.vector_load %arg8[%parallel_loop3A_270, %parallel_loop3A_271] {strides = array<i32>} : memref<512x128xi32, #tpu.memory_space<vmem>>, vector<16xi32>,
        %parallel_loop3A_273 = vector.bitcast %parallel_loop3A_272 : vector<16xi32> to vector<32xbf16>
        %parallel_loop3A_274 = tpu.unpack_subelements %parallel_loop3A_273, 0 {pack_format = #tpu.pack_format<interleaved>} : vector<32xbf16> -> vector<16xf32>
        %parallel_loop3A_275 = tpu.unpack_subelements %parallel_loop3A_273, 1 {pack_format = #tpu.pack_format<interleaved>} : vector<32xbf16> -> vector<16xf32>
        %parallel_loop3A_276 = arith.mulf %parallel_loop3A_185, %parallel_loop3A_274 : vector<16xf32>
        %parallel_loop3A_277 = arith.addf %parallel_loop3A_267, %parallel_loop3A_276 : vector<16xf32>
        %parallel_loop3A_278 = arith.mulf %parallel_loop3A_188, %parallel_loop3A_275 : vector<16xf32>
        %parallel_loop3A_279 = arith.addf %parallel_loop3A_277, %parallel_loop3A_278 : vector<16xf32>
        %parallel_loop3A_280 = arith.constant 2 : i32
        %parallel_loop3A_281 = arith.addi %parallel_loop3A_175, %parallel_loop3A_280 : i32
        %parallel_loop3A_282 = arith.index_cast %parallel_loop3A_281 : i32 to index
        %parallel_loop3A_283 = arith.constant 16 : index
        %parallel_loop3A_284 = tpu.vector_load %arg8[%parallel_loop3A_282, %parallel_loop3A_283] {strides = array<i32>} : memref<512x128xi32, #tpu.memory_space<vmem>>, vector<16xi32>,
        %parallel_loop3A_285 = vector.bitcast %parallel_loop3A_284 : vector<16xi32> to vector<32xbf16>
        %parallel_loop3A_286 = tpu.unpack_subelements %parallel_loop3A_285, 0 {pack_format = #tpu.pack_format<interleaved>} : vector<32xbf16> -> vector<16xf32>
        %parallel_loop3A_287 = tpu.unpack_subelements %parallel_loop3A_285, 1 {pack_format = #tpu.pack_format<interleaved>} : vector<32xbf16> -> vector<16xf32>
        %parallel_loop3A_288 = arith.mulf %parallel_loop3A_191, %parallel_loop3A_286 : vector<16xf32>
        %parallel_loop3A_289 = arith.addf %parallel_loop3A_279, %parallel_loop3A_288 : vector<16xf32>
        %parallel_loop3A_290 = arith.mulf %parallel_loop3A_194, %parallel_loop3A_287 : vector<16xf32>
        %parallel_loop3A_291 = arith.addf %parallel_loop3A_289, %parallel_loop3A_290 : vector<16xf32>
        %parallel_loop3A_292 = arith.constant 3 : i32
        %parallel_loop3A_293 = arith.addi %parallel_loop3A_175, %parallel_loop3A_292 : i32
        %parallel_loop3A_294 = arith.index_cast %parallel_loop3A_293 : i32 to index
        %parallel_loop3A_295 = arith.constant 16 : index
        %parallel_loop3A_296 = tpu.vector_load %arg8[%parallel_loop3A_294, %parallel_loop3A_295] {strides = array<i32>} : memref<512x128xi32, #tpu.memory_space<vmem>>, vector<16xi32>,
        %parallel_loop3A_297 = vector.bitcast %parallel_loop3A_296 : vector<16xi32> to vector<32xbf16>
        %parallel_loop3A_298 = tpu.unpack_subelements %parallel_loop3A_297, 0 {pack_format = #tpu.pack_format<interleaved>} : vector<32xbf16> -> vector<16xf32>
        %parallel_loop3A_299 = tpu.unpack_subelements %parallel_loop3A_297, 1 {pack_format = #tpu.pack_format<interleaved>} : vector<32xbf16> -> vector<16xf32>
        %parallel_loop3A_300 = arith.mulf %parallel_loop3A_197, %parallel_loop3A_298 : vector<16xf32>
        %parallel_loop3A_301 = arith.addf %parallel_loop3A_291, %parallel_loop3A_300 : vector<16xf32>
        %parallel_loop3A_302 = arith.mulf %parallel_loop3A_200, %parallel_loop3A_299 : vector<16xf32>
        %parallel_loop3A_303 = arith.addf %parallel_loop3A_301, %parallel_loop3A_302 : vector<16xf32>
        %parallel_loop3A_304 = arith.index_cast %parallel_loop3A_176 : i32 to index
        %parallel_loop3A_305 = arith.constant 16 : index
        %parallel_loop3A_306 = tpu.vector_load %arg9[%parallel_loop3A_304, %parallel_loop3A_305] {strides = array<i32>} : memref<128x128xf32, #tpu.memory_space<vmem>>, vector<16xf32>,
        tpu.vector_store %arg9[%parallel_loop3A_304, %parallel_loop3A_305], %parallel_loop3A_303 {strides = array<i32>} : memref<128x128xf32, #tpu.memory_space<vmem>>, vector<16xf32>,
        %parallel_loop3A_307 = arith.constant 0.000000e+00 : f32
        %parallel_loop3A_308 = vector.broadcast %parallel_loop3A_307 : f32 to vector<16xf32>
        %parallel_loop3A_309 = arith.constant 0 : i32
        %parallel_loop3A_310 = arith.addi %parallel_loop3A_175, %parallel_loop3A_309 : i32
        %parallel_loop3A_311 = arith.index_cast %parallel_loop3A_310 : i32 to index
        %parallel_loop3A_312 = arith.constant 32 : index
        %parallel_loop3A_313 = tpu.vector_load %arg8[%parallel_loop3A_311, %parallel_loop3A_312] {strides = array<i32>} : memref<512x128xi32, #tpu.memory_space<vmem>>, vector<16xi32>,
        %parallel_loop3A_314 = vector.bitcast %parallel_loop3A_313 : vector<16xi32> to vector<32xbf16>
        %parallel_loop3A_315 = tpu.unpack_subelements %parallel_loop3A_314, 0 {pack_format = #tpu.pack_format<interleaved>} : vector<32xbf16> -> vector<16xf32>
        %parallel_loop3A_316 = tpu.unpack_subelements %parallel_loop3A_314, 1 {pack_format = #tpu.pack_format<interleaved>} : vector<32xbf16> -> vector<16xf32>
        %parallel_loop3A_317 = arith.mulf %parallel_loop3A_179, %parallel_loop3A_315 : vector<16xf32>
        %parallel_loop3A_318 = arith.addf %parallel_loop3A_308, %parallel_loop3A_317 : vector<16xf32>
        %parallel_loop3A_319 = arith.mulf %parallel_loop3A_182, %parallel_loop3A_316 : vector<16xf32>
        %parallel_loop3A_320 = arith.addf %parallel_loop3A_318, %parallel_loop3A_319 : vector<16xf32>
        %parallel_loop3A_321 = arith.constant 1 : i32
        %parallel_loop3A_322 = arith.addi %parallel_loop3A_175, %parallel_loop3A_321 : i32
        %parallel_loop3A_323 = arith.index_cast %parallel_loop3A_322 : i32 to index
        %parallel_loop3A_324 = arith.constant 32 : index
        %parallel_loop3A_325 = tpu.vector_load %arg8[%parallel_loop3A_323, %parallel_loop3A_324] {strides = array<i32>} : memref<512x128xi32, #tpu.memory_space<vmem>>, vector<16xi32>,
        %parallel_loop3A_326 = vector.bitcast %parallel_loop3A_325 : vector<16xi32> to vector<32xbf16>
        %parallel_loop3A_327 = tpu.unpack_subelements %parallel_loop3A_326, 0 {pack_format = #tpu.pack_format<interleaved>} : vector<32xbf16> -> vector<16xf32>
        %parallel_loop3A_328 = tpu.unpack_subelements %parallel_loop3A_326, 1 {pack_format = #tpu.pack_format<interleaved>} : vector<32xbf16> -> vector<16xf32>
        %parallel_loop3A_329 = arith.mulf %parallel_loop3A_185, %parallel_loop3A_327 : vector<16xf32>
        %parallel_loop3A_330 = arith.addf %parallel_loop3A_320, %parallel_loop3A_329 : vector<16xf32>
        %parallel_loop3A_331 = arith.mulf %parallel_loop3A_188, %parallel_loop3A_328 : vector<16xf32>
        %parallel_loop3A_332 = arith.addf %parallel_loop3A_330, %parallel_loop3A_331 : vector<16xf32>
        %parallel_loop3A_333 = arith.constant 2 : i32
        %parallel_loop3A_334 = arith.addi %parallel_loop3A_175, %parallel_loop3A_333 : i32
        %parallel_loop3A_335 = arith.index_cast %parallel_loop3A_334 : i32 to index
        %parallel_loop3A_336 = arith.constant 32 : index
        %parallel_loop3A_337 = tpu.vector_load %arg8[%parallel_loop3A_335, %parallel_loop3A_336] {strides = array<i32>} : memref<512x128xi32, #tpu.memory_space<vmem>>, vector<16xi32>,
        %parallel_loop3A_338 = vector.bitcast %parallel_loop3A_337 : vector<16xi32> to vector<32xbf16>
        %parallel_loop3A_339 = tpu.unpack_subelements %parallel_loop3A_338, 0 {pack_format = #tpu.pack_format<interleaved>} : vector<32xbf16> -> vector<16xf32>
        %parallel_loop3A_340 = tpu.unpack_subelements %parallel_loop3A_338, 1 {pack_format = #tpu.pack_format<interleaved>} : vector<32xbf16> -> vector<16xf32>
        %parallel_loop3A_341 = arith.mulf %parallel_loop3A_191, %parallel_loop3A_339 : vector<16xf32>
        %parallel_loop3A_342 = arith.addf %parallel_loop3A_332, %parallel_loop3A_341 : vector<16xf32>
        %parallel_loop3A_343 = arith.mulf %parallel_loop3A_194, %parallel_loop3A_340 : vector<16xf32>
        %parallel_loop3A_344 = arith.addf %parallel_loop3A_342, %parallel_loop3A_343 : vector<16xf32>
        %parallel_loop3A_345 = arith.constant 3 : i32
        %parallel_loop3A_346 = arith.addi %parallel_loop3A_175, %parallel_loop3A_345 : i32
        %parallel_loop3A_347 = arith.index_cast %parallel_loop3A_346 : i32 to index
        %parallel_loop3A_348 = arith.constant 32 : index
        %parallel_loop3A_349 = tpu.vector_load %arg8[%parallel_loop3A_347, %parallel_loop3A_348] {strides = array<i32>} : memref<512x128xi32, #tpu.memory_space<vmem>>, vector<16xi32>,
        %parallel_loop3A_350 = vector.bitcast %parallel_loop3A_349 : vector<16xi32> to vector<32xbf16>
        %parallel_loop3A_351 = tpu.unpack_subelements %parallel_loop3A_350, 0 {pack_format = #tpu.pack_format<interleaved>} : vector<32xbf16> -> vector<16xf32>
        %parallel_loop3A_352 = tpu.unpack_subelements %parallel_loop3A_350, 1 {pack_format = #tpu.pack_format<interleaved>} : vector<32xbf16> -> vector<16xf32>
        %parallel_loop3A_353 = arith.mulf %parallel_loop3A_197, %parallel_loop3A_351 : vector<16xf32>
        %parallel_loop3A_354 = arith.addf %parallel_loop3A_344, %parallel_loop3A_353 : vector<16xf32>
        %parallel_loop3A_355 = arith.mulf %parallel_loop3A_200, %parallel_loop3A_352 : vector<16xf32>
        %parallel_loop3A_356 = arith.addf %parallel_loop3A_354, %parallel_loop3A_355 : vector<16xf32>
        %parallel_loop3A_357 = arith.index_cast %parallel_loop3A_176 : i32 to index
        %parallel_loop3A_358 = arith.constant 32 : index
        %parallel_loop3A_359 = tpu.vector_load %arg9[%parallel_loop3A_357, %parallel_loop3A_358] {strides = array<i32>} : memref<128x128xf32, #tpu.memory_space<vmem>>, vector<16xf32>,
        tpu.vector_store %arg9[%parallel_loop3A_357, %parallel_loop3A_358], %parallel_loop3A_356 {strides = array<i32>} : memref<128x128xf32, #tpu.memory_space<vmem>>, vector<16xf32>,
        %parallel_loop3A_360 = arith.constant 0.000000e+00 : f32
        %parallel_loop3A_361 = vector.broadcast %parallel_loop3A_360 : f32 to vector<16xf32>
        %parallel_loop3A_362 = arith.constant 0 : i32
        %parallel_loop3A_363 = arith.addi %parallel_loop3A_175, %parallel_loop3A_362 : i32
        %parallel_loop3A_364 = arith.index_cast %parallel_loop3A_363 : i32 to index
        %parallel_loop3A_365 = arith.constant 48 : index
        %parallel_loop3A_366 = tpu.vector_load %arg8[%parallel_loop3A_364, %parallel_loop3A_365] {strides = array<i32>} : memref<512x128xi32, #tpu.memory_space<vmem>>, vector<16xi32>,
        %parallel_loop3A_367 = vector.bitcast %parallel_loop3A_366 : vector<16xi32> to vector<32xbf16>
        %parallel_loop3A_368 = tpu.unpack_subelements %parallel_loop3A_367, 0 {pack_format = #tpu.pack_format<interleaved>} : vector<32xbf16> -> vector<16xf32>
        %parallel_loop3A_369 = tpu.unpack_subelements %parallel_loop3A_367, 1 {pack_format = #tpu.pack_format<interleaved>} : vector<32xbf16> -> vector<16xf32>
        %parallel_loop3A_370 = arith.mulf %parallel_loop3A_179, %parallel_loop3A_368 : vector<16xf32>
        %parallel_loop3A_371 = arith.addf %parallel_loop3A_361, %parallel_loop3A_370 : vector<16xf32>
        %parallel_loop3A_372 = arith.mulf %parallel_loop3A_182, %parallel_loop3A_369 : vector<16xf32>
        %parallel_loop3A_373 = arith.addf %parallel_loop3A_371, %parallel_loop3A_372 : vector<16xf32>
        %parallel_loop3A_374 = arith.constant 1 : i32
        %parallel_loop3A_375 = arith.addi %parallel_loop3A_175, %parallel_loop3A_374 : i32
        %parallel_loop3A_376 = arith.index_cast %parallel_loop3A_375 : i32 to index
        %parallel_loop3A_377 = arith.constant 48 : index
        %parallel_loop3A_378 = tpu.vector_load %arg8[%parallel_loop3A_376, %parallel_loop3A_377] {strides = array<i32>} : memref<512x128xi32, #tpu.memory_space<vmem>>, vector<16xi32>,
        %parallel_loop3A_379 = vector.bitcast %parallel_loop3A_378 : vector<16xi32> to vector<32xbf16>
        %parallel_loop3A_380 = tpu.unpack_subelements %parallel_loop3A_379, 0 {pack_format = #tpu.pack_format<interleaved>} : vector<32xbf16> -> vector<16xf32>
        %parallel_loop3A_381 = tpu.unpack_subelements %parallel_loop3A_379, 1 {pack_format = #tpu.pack_format<interleaved>} : vector<32xbf16> -> vector<16xf32>
        %parallel_loop3A_382 = arith.mulf %parallel_loop3A_185, %parallel_loop3A_380 : vector<16xf32>
        %parallel_loop3A_383 = arith.addf %parallel_loop3A_373, %parallel_loop3A_382 : vector<16xf32>
        %parallel_loop3A_384 = arith.mulf %parallel_loop3A_188, %parallel_loop3A_381 : vector<16xf32>
        %parallel_loop3A_385 = arith.addf %parallel_loop3A_383, %parallel_loop3A_384 : vector<16xf32>
        %parallel_loop3A_386 = arith.constant 2 : i32
        %parallel_loop3A_387 = arith.addi %parallel_loop3A_175, %parallel_loop3A_386 : i32
        %parallel_loop3A_388 = arith.index_cast %parallel_loop3A_387 : i32 to index
        %parallel_loop3A_389 = arith.constant 48 : index
        %parallel_loop3A_390 = tpu.vector_load %arg8[%parallel_loop3A_388, %parallel_loop3A_389] {strides = array<i32>} : memref<512x128xi32, #tpu.memory_space<vmem>>, vector<16xi32>,
        %parallel_loop3A_391 = vector.bitcast %parallel_loop3A_390 : vector<16xi32> to vector<32xbf16>
        %parallel_loop3A_392 = tpu.unpack_subelements %parallel_loop3A_391, 0 {pack_format = #tpu.pack_format<interleaved>} : vector<32xbf16> -> vector<16xf32>
        %parallel_loop3A_393 = tpu.unpack_subelements %parallel_loop3A_391, 1 {pack_format = #tpu.pack_format<interleaved>} : vector<32xbf16> -> vector<16xf32>
        %parallel_loop3A_394 = arith.mulf %parallel_loop3A_191, %parallel_loop3A_392 : vector<16xf32>
        %parallel_loop3A_395 = arith.addf %parallel_loop3A_385, %parallel_loop3A_394 : vector<16xf32>
        %parallel_loop3A_396 = arith.mulf %parallel_loop3A_194, %parallel_loop3A_393 : vector<16xf32>
        %parallel_loop3A_397 = arith.addf %parallel_loop3A_395, %parallel_loop3A_396 : vector<16xf32>
        %parallel_loop3A_398 = arith.constant 3 : i32
        %parallel_loop3A_399 = arith.addi %parallel_loop3A_175, %parallel_loop3A_398 : i32
        %parallel_loop3A_400 = arith.index_cast %parallel_loop3A_399 : i32 to index
        %parallel_loop3A_401 = arith.constant 48 : index
        %parallel_loop3A_402 = tpu.vector_load %arg8[%parallel_loop3A_400, %parallel_loop3A_401] {strides = array<i32>} : memref<512x128xi32, #tpu.memory_space<vmem>>, vector<16xi32>,
        %parallel_loop3A_403 = vector.bitcast %parallel_loop3A_402 : vector<16xi32> to vector<32xbf16>
        %parallel_loop3A_404 = tpu.unpack_subelements %parallel_loop3A_403, 0 {pack_format = #tpu.pack_format<interleaved>} : vector<32xbf16> -> vector<16xf32>
        %parallel_loop3A_405 = tpu.unpack_subelements %parallel_loop3A_403, 1 {pack_format = #tpu.pack_format<interleaved>} : vector<32xbf16> -> vector<16xf32>
        %parallel_loop3A_406 = arith.mulf %parallel_loop3A_197, %parallel_loop3A_404 : vector<16xf32>
        %parallel_loop3A_407 = arith.addf %parallel_loop3A_397, %parallel_loop3A_406 : vector<16xf32>
        %parallel_loop3A_408 = arith.mulf %parallel_loop3A_200, %parallel_loop3A_405 : vector<16xf32>
        %parallel_loop3A_409 = arith.addf %parallel_loop3A_407, %parallel_loop3A_408 : vector<16xf32>
        %parallel_loop3A_410 = arith.index_cast %parallel_loop3A_176 : i32 to index
        %parallel_loop3A_411 = arith.constant 48 : index
        %parallel_loop3A_412 = tpu.vector_load %arg9[%parallel_loop3A_410, %parallel_loop3A_411] {strides = array<i32>} : memref<128x128xf32, #tpu.memory_space<vmem>>, vector<16xf32>,
        tpu.vector_store %arg9[%parallel_loop3A_410, %parallel_loop3A_411], %parallel_loop3A_409 {strides = array<i32>} : memref<128x128xf32, #tpu.memory_space<vmem>>, vector<16xf32>,
        %parallel_loop3A_413 = arith.constant 0.000000e+00 : f32
        %parallel_loop3A_414 = vector.broadcast %parallel_loop3A_413 : f32 to vector<16xf32>
        %parallel_loop3A_415 = arith.constant 0 : i32
        %parallel_loop3A_416 = arith.addi %parallel_loop3A_175, %parallel_loop3A_415 : i32
        %parallel_loop3A_417 = arith.index_cast %parallel_loop3A_416 : i32 to index
        %parallel_loop3A_418 = arith.constant 64 : index
        %parallel_loop3A_419 = tpu.vector_load %arg8[%parallel_loop3A_417, %parallel_loop3A_418] {strides = array<i32>} : memref<512x128xi32, #tpu.memory_space<vmem>>, vector<16xi32>,
        %parallel_loop3A_420 = vector.bitcast %parallel_loop3A_419 : vector<16xi32> to vector<32xbf16>
        %parallel_loop3A_421 = tpu.unpack_subelements %parallel_loop3A_420, 0 {pack_format = #tpu.pack_format<interleaved>} : vector<32xbf16> -> vector<16xf32>
        %parallel_loop3A_422 = tpu.unpack_subelements %parallel_loop3A_420, 1 {pack_format = #tpu.pack_format<interleaved>} : vector<32xbf16> -> vector<16xf32>
        %parallel_loop3A_423 = arith.mulf %parallel_loop3A_179, %parallel_loop3A_421 : vector<16xf32>
        %parallel_loop3A_424 = arith.addf %parallel_loop3A_414, %parallel_loop3A_423 : vector<16xf32>
        %parallel_loop3A_425 = arith.mulf %parallel_loop3A_182, %parallel_loop3A_422 : vector<16xf32>
        %parallel_loop3A_426 = arith.addf %parallel_loop3A_424, %parallel_loop3A_425 : vector<16xf32>
        %parallel_loop3A_427 = arith.constant 1 : i32
        %parallel_loop3A_428 = arith.addi %parallel_loop3A_175, %parallel_loop3A_427 : i32
        %parallel_loop3A_429 = arith.index_cast %parallel_loop3A_428 : i32 to index
        %parallel_loop3A_430 = arith.constant 64 : index
        %parallel_loop3A_431 = tpu.vector_load %arg8[%parallel_loop3A_429, %parallel_loop3A_430] {strides = array<i32>} : memref<512x128xi32, #tpu.memory_space<vmem>>, vector<16xi32>,
        %parallel_loop3A_432 = vector.bitcast %parallel_loop3A_431 : vector<16xi32> to vector<32xbf16>
        %parallel_loop3A_433 = tpu.unpack_subelements %parallel_loop3A_432, 0 {pack_format = #tpu.pack_format<interleaved>} : vector<32xbf16> -> vector<16xf32>
        %parallel_loop3A_434 = tpu.unpack_subelements %parallel_loop3A_432, 1 {pack_format = #tpu.pack_format<interleaved>} : vector<32xbf16> -> vector<16xf32>
        %parallel_loop3A_435 = arith.mulf %parallel_loop3A_185, %parallel_loop3A_433 : vector<16xf32>
        %parallel_loop3A_436 = arith.addf %parallel_loop3A_426, %parallel_loop3A_435 : vector<16xf32>
        %parallel_loop3A_437 = arith.mulf %parallel_loop3A_188, %parallel_loop3A_434 : vector<16xf32>
        %parallel_loop3A_438 = arith.addf %parallel_loop3A_436, %parallel_loop3A_437 : vector<16xf32>
        %parallel_loop3A_439 = arith.constant 2 : i32
        %parallel_loop3A_440 = arith.addi %parallel_loop3A_175, %parallel_loop3A_439 : i32
        %parallel_loop3A_441 = arith.index_cast %parallel_loop3A_440 : i32 to index
        %parallel_loop3A_442 = arith.constant 64 : index
        %parallel_loop3A_443 = tpu.vector_load %arg8[%parallel_loop3A_441, %parallel_loop3A_442] {strides = array<i32>} : memref<512x128xi32, #tpu.memory_space<vmem>>, vector<16xi32>,
        %parallel_loop3A_444 = vector.bitcast %parallel_loop3A_443 : vector<16xi32> to vector<32xbf16>
        %parallel_loop3A_445 = tpu.unpack_subelements %parallel_loop3A_444, 0 {pack_format = #tpu.pack_format<interleaved>} : vector<32xbf16> -> vector<16xf32>
        %parallel_loop3A_446 = tpu.unpack_subelements %parallel_loop3A_444, 1 {pack_format = #tpu.pack_format<interleaved>} : vector<32xbf16> -> vector<16xf32>
        %parallel_loop3A_447 = arith.mulf %parallel_loop3A_191, %parallel_loop3A_445 : vector<16xf32>
        %parallel_loop3A_448 = arith.addf %parallel_loop3A_438, %parallel_loop3A_447 : vector<16xf32>
        %parallel_loop3A_449 = arith.mulf %parallel_loop3A_194, %parallel_loop3A_446 : vector<16xf32>
        %parallel_loop3A_450 = arith.addf %parallel_loop3A_448, %parallel_loop3A_449 : vector<16xf32>
        %parallel_loop3A_451 = arith.constant 3 : i32
        %parallel_loop3A_452 = arith.addi %parallel_loop3A_175, %parallel_loop3A_451 : i32
        %parallel_loop3A_453 = arith.index_cast %parallel_loop3A_452 : i32 to index
        %parallel_loop3A_454 = arith.constant 64 : index
        %parallel_loop3A_455 = tpu.vector_load %arg8[%parallel_loop3A_453, %parallel_loop3A_454] {strides = array<i32>} : memref<512x128xi32, #tpu.memory_space<vmem>>, vector<16xi32>,
        %parallel_loop3A_456 = vector.bitcast %parallel_loop3A_455 : vector<16xi32> to vector<32xbf16>
        %parallel_loop3A_457 = tpu.unpack_subelements %parallel_loop3A_456, 0 {pack_format = #tpu.pack_format<interleaved>} : vector<32xbf16> -> vector<16xf32>
        %parallel_loop3A_458 = tpu.unpack_subelements %parallel_loop3A_456, 1 {pack_format = #tpu.pack_format<interleaved>} : vector<32xbf16> -> vector<16xf32>
        %parallel_loop3A_459 = arith.mulf %parallel_loop3A_197, %parallel_loop3A_457 : vector<16xf32>
        %parallel_loop3A_460 = arith.addf %parallel_loop3A_450, %parallel_loop3A_459 : vector<16xf32>
        %parallel_loop3A_461 = arith.mulf %parallel_loop3A_200, %parallel_loop3A_458 : vector<16xf32>
        %parallel_loop3A_462 = arith.addf %parallel_loop3A_460, %parallel_loop3A_461 : vector<16xf32>
        %parallel_loop3A_463 = arith.index_cast %parallel_loop3A_176 : i32 to index
        %parallel_loop3A_464 = arith.constant 64 : index
        %parallel_loop3A_465 = tpu.vector_load %arg9[%parallel_loop3A_463, %parallel_loop3A_464] {strides = array<i32>} : memref<128x128xf32, #tpu.memory_space<vmem>>, vector<16xf32>,
        tpu.vector_store %arg9[%parallel_loop3A_463, %parallel_loop3A_464], %parallel_loop3A_462 {strides = array<i32>} : memref<128x128xf32, #tpu.memory_space<vmem>>, vector<16xf32>,
        %parallel_loop3A_466 = arith.constant 0.000000e+00 : f32
        %parallel_loop3A_467 = vector.broadcast %parallel_loop3A_466 : f32 to vector<16xf32>
        %parallel_loop3A_468 = arith.constant 0 : i32
        %parallel_loop3A_469 = arith.addi %parallel_loop3A_175, %parallel_loop3A_468 : i32
        %parallel_loop3A_470 = arith.index_cast %parallel_loop3A_469 : i32 to index
        %parallel_loop3A_471 = arith.constant 80 : index
        %parallel_loop3A_472 = tpu.vector_load %arg8[%parallel_loop3A_470, %parallel_loop3A_471] {strides = array<i32>} : memref<512x128xi32, #tpu.memory_space<vmem>>, vector<16xi32>,
        %parallel_loop3A_473 = vector.bitcast %parallel_loop3A_472 : vector<16xi32> to vector<32xbf16>
        %parallel_loop3A_474 = tpu.unpack_subelements %parallel_loop3A_473, 0 {pack_format = #tpu.pack_format<interleaved>} : vector<32xbf16> -> vector<16xf32>
        %parallel_loop3A_475 = tpu.unpack_subelements %parallel_loop3A_473, 1 {pack_format = #tpu.pack_format<interleaved>} : vector<32xbf16> -> vector<16xf32>
        %parallel_loop3A_476 = arith.mulf %parallel_loop3A_179, %parallel_loop3A_474 : vector<16xf32>
        %parallel_loop3A_477 = arith.addf %parallel_loop3A_467, %parallel_loop3A_476 : vector<16xf32>
        %parallel_loop3A_478 = arith.mulf %parallel_loop3A_182, %parallel_loop3A_475 : vector<16xf32>
        %parallel_loop3A_479 = arith.addf %parallel_loop3A_477, %parallel_loop3A_478 : vector<16xf32>
        %parallel_loop3A_480 = arith.constant 1 : i32
        %parallel_loop3A_481 = arith.addi %parallel_loop3A_175, %parallel_loop3A_480 : i32
        %parallel_loop3A_482 = arith.index_cast %parallel_loop3A_481 : i32 to index
        %parallel_loop3A_483 = arith.constant 80 : index
        %parallel_loop3A_484 = tpu.vector_load %arg8[%parallel_loop3A_482, %parallel_loop3A_483] {strides = array<i32>} : memref<512x128xi32, #tpu.memory_space<vmem>>, vector<16xi32>,
        %parallel_loop3A_485 = vector.bitcast %parallel_loop3A_484 : vector<16xi32> to vector<32xbf16>
        %parallel_loop3A_486 = tpu.unpack_subelements %parallel_loop3A_485, 0 {pack_format = #tpu.pack_format<interleaved>} : vector<32xbf16> -> vector<16xf32>
        %parallel_loop3A_487 = tpu.unpack_subelements %parallel_loop3A_485, 1 {pack_format = #tpu.pack_format<interleaved>} : vector<32xbf16> -> vector<16xf32>
        %parallel_loop3A_488 = arith.mulf %parallel_loop3A_185, %parallel_loop3A_486 : vector<16xf32>
        %parallel_loop3A_489 = arith.addf %parallel_loop3A_479, %parallel_loop3A_488 : vector<16xf32>
        %parallel_loop3A_490 = arith.mulf %parallel_loop3A_188, %parallel_loop3A_487 : vector<16xf32>
        %parallel_loop3A_491 = arith.addf %parallel_loop3A_489, %parallel_loop3A_490 : vector<16xf32>
        %parallel_loop3A_492 = arith.constant 2 : i32
        %parallel_loop3A_493 = arith.addi %parallel_loop3A_175, %parallel_loop3A_492 : i32
        %parallel_loop3A_494 = arith.index_cast %parallel_loop3A_493 : i32 to index
        %parallel_loop3A_495 = arith.constant 80 : index
        %parallel_loop3A_496 = tpu.vector_load %arg8[%parallel_loop3A_494, %parallel_loop3A_495] {strides = array<i32>} : memref<512x128xi32, #tpu.memory_space<vmem>>, vector<16xi32>,
        %parallel_loop3A_497 = vector.bitcast %parallel_loop3A_496 : vector<16xi32> to vector<32xbf16>
        %parallel_loop3A_498 = tpu.unpack_subelements %parallel_loop3A_497, 0 {pack_format = #tpu.pack_format<interleaved>} : vector<32xbf16> -> vector<16xf32>
        %parallel_loop3A_499 = tpu.unpack_subelements %parallel_loop3A_497, 1 {pack_format = #tpu.pack_format<interleaved>} : vector<32xbf16> -> vector<16xf32>
        %parallel_loop3A_500 = arith.mulf %parallel_loop3A_191, %parallel_loop3A_498 : vector<16xf32>
        %parallel_loop3A_501 = arith.addf %parallel_loop3A_491, %parallel_loop3A_500 : vector<16xf32>
        %parallel_loop3A_502 = arith.mulf %parallel_loop3A_194, %parallel_loop3A_499 : vector<16xf32>
        %parallel_loop3A_503 = arith.addf %parallel_loop3A_501, %parallel_loop3A_502 : vector<16xf32>
        %parallel_loop3A_504 = arith.constant 3 : i32
        %parallel_loop3A_505 = arith.addi %parallel_loop3A_175, %parallel_loop3A_504 : i32
        %parallel_loop3A_506 = arith.index_cast %parallel_loop3A_505 : i32 to index
        %parallel_loop3A_507 = arith.constant 80 : index
        %parallel_loop3A_508 = tpu.vector_load %arg8[%parallel_loop3A_506, %parallel_loop3A_507] {strides = array<i32>} : memref<512x128xi32, #tpu.memory_space<vmem>>, vector<16xi32>,
        %parallel_loop3A_509 = vector.bitcast %parallel_loop3A_508 : vector<16xi32> to vector<32xbf16>
        %parallel_loop3A_510 = tpu.unpack_subelements %parallel_loop3A_509, 0 {pack_format = #tpu.pack_format<interleaved>} : vector<32xbf16> -> vector<16xf32>
        %parallel_loop3A_511 = tpu.unpack_subelements %parallel_loop3A_509, 1 {pack_format = #tpu.pack_format<interleaved>} : vector<32xbf16> -> vector<16xf32>
        %parallel_loop3A_512 = arith.mulf %parallel_loop3A_197, %parallel_loop3A_510 : vector<16xf32>
        %parallel_loop3A_513 = arith.addf %parallel_loop3A_503, %parallel_loop3A_512 : vector<16xf32>
        %parallel_loop3A_514 = arith.mulf %parallel_loop3A_200, %parallel_loop3A_511 : vector<16xf32>
        %parallel_loop3A_515 = arith.addf %parallel_loop3A_513, %parallel_loop3A_514 : vector<16xf32>
        %parallel_loop3A_516 = arith.index_cast %parallel_loop3A_176 : i32 to index
        %parallel_loop3A_517 = arith.constant 80 : index
        %parallel_loop3A_518 = tpu.vector_load %arg9[%parallel_loop3A_516, %parallel_loop3A_517] {strides = array<i32>} : memref<128x128xf32, #tpu.memory_space<vmem>>, vector<16xf32>,
        tpu.vector_store %arg9[%parallel_loop3A_516, %parallel_loop3A_517], %parallel_loop3A_515 {strides = array<i32>} : memref<128x128xf32, #tpu.memory_space<vmem>>, vector<16xf32>,
        %parallel_loop3A_519 = arith.constant 0.000000e+00 : f32
        %parallel_loop3A_520 = vector.broadcast %parallel_loop3A_519 : f32 to vector<16xf32>
        %parallel_loop3A_521 = arith.constant 0 : i32
        %parallel_loop3A_522 = arith.addi %parallel_loop3A_175, %parallel_loop3A_521 : i32
        %parallel_loop3A_523 = arith.index_cast %parallel_loop3A_522 : i32 to index
        %parallel_loop3A_524 = arith.constant 96 : index
        %parallel_loop3A_525 = tpu.vector_load %arg8[%parallel_loop3A_523, %parallel_loop3A_524] {strides = array<i32>} : memref<512x128xi32, #tpu.memory_space<vmem>>, vector<16xi32>,
        %parallel_loop3A_526 = vector.bitcast %parallel_loop3A_525 : vector<16xi32> to vector<32xbf16>
        %parallel_loop3A_527 = tpu.unpack_subelements %parallel_loop3A_526, 0 {pack_format = #tpu.pack_format<interleaved>} : vector<32xbf16> -> vector<16xf32>
        %parallel_loop3A_528 = tpu.unpack_subelements %parallel_loop3A_526, 1 {pack_format = #tpu.pack_format<interleaved>} : vector<32xbf16> -> vector<16xf32>
        %parallel_loop3A_529 = arith.mulf %parallel_loop3A_179, %parallel_loop3A_527 : vector<16xf32>
        %parallel_loop3A_530 = arith.addf %parallel_loop3A_520, %parallel_loop3A_529 : vector<16xf32>
        %parallel_loop3A_531 = arith.mulf %parallel_loop3A_182, %parallel_loop3A_528 : vector<16xf32>
        %parallel_loop3A_532 = arith.addf %parallel_loop3A_530, %parallel_loop3A_531 : vector<16xf32>
        %parallel_loop3A_533 = arith.constant 1 : i32
        %parallel_loop3A_534 = arith.addi %parallel_loop3A_175, %parallel_loop3A_533 : i32
        %parallel_loop3A_535 = arith.index_cast %parallel_loop3A_534 : i32 to index
        %parallel_loop3A_536 = arith.constant 96 : index
        %parallel_loop3A_537 = tpu.vector_load %arg8[%parallel_loop3A_535, %parallel_loop3A_536] {strides = array<i32>} : memref<512x128xi32, #tpu.memory_space<vmem>>, vector<16xi32>,
        %parallel_loop3A_538 = vector.bitcast %parallel_loop3A_537 : vector<16xi32> to vector<32xbf16>
        %parallel_loop3A_539 = tpu.unpack_subelements %parallel_loop3A_538, 0 {pack_format = #tpu.pack_format<interleaved>} : vector<32xbf16> -> vector<16xf32>
        %parallel_loop3A_540 = tpu.unpack_subelements %parallel_loop3A_538, 1 {pack_format = #tpu.pack_format<interleaved>} : vector<32xbf16> -> vector<16xf32>
        %parallel_loop3A_541 = arith.mulf %parallel_loop3A_185, %parallel_loop3A_539 : vector<16xf32>
        %parallel_loop3A_542 = arith.addf %parallel_loop3A_532, %parallel_loop3A_541 : vector<16xf32>
        %parallel_loop3A_543 = arith.mulf %parallel_loop3A_188, %parallel_loop3A_540 : vector<16xf32>
        %parallel_loop3A_544 = arith.addf %parallel_loop3A_542, %parallel_loop3A_543 : vector<16xf32>
        %parallel_loop3A_545 = arith.constant 2 : i32
        %parallel_loop3A_546 = arith.addi %parallel_loop3A_175, %parallel_loop3A_545 : i32
        %parallel_loop3A_547 = arith.index_cast %parallel_loop3A_546 : i32 to index
        %parallel_loop3A_548 = arith.constant 96 : index
        %parallel_loop3A_549 = tpu.vector_load %arg8[%parallel_loop3A_547, %parallel_loop3A_548] {strides = array<i32>} : memref<512x128xi32, #tpu.memory_space<vmem>>, vector<16xi32>,
        %parallel_loop3A_550 = vector.bitcast %parallel_loop3A_549 : vector<16xi32> to vector<32xbf16>
        %parallel_loop3A_551 = tpu.unpack_subelements %parallel_loop3A_550, 0 {pack_format = #tpu.pack_format<interleaved>} : vector<32xbf16> -> vector<16xf32>
        %parallel_loop3A_552 = tpu.unpack_subelements %parallel_loop3A_550, 1 {pack_format = #tpu.pack_format<interleaved>} : vector<32xbf16> -> vector<16xf32>
        %parallel_loop3A_553 = arith.mulf %parallel_loop3A_191, %parallel_loop3A_551 : vector<16xf32>
        %parallel_loop3A_554 = arith.addf %parallel_loop3A_544, %parallel_loop3A_553 : vector<16xf32>
        %parallel_loop3A_555 = arith.mulf %parallel_loop3A_194, %parallel_loop3A_552 : vector<16xf32>
        %parallel_loop3A_556 = arith.addf %parallel_loop3A_554, %parallel_loop3A_555 : vector<16xf32>
        %parallel_loop3A_557 = arith.constant 3 : i32
        %parallel_loop3A_558 = arith.addi %parallel_loop3A_175, %parallel_loop3A_557 : i32
        %parallel_loop3A_559 = arith.index_cast %parallel_loop3A_558 : i32 to index
        %parallel_loop3A_560 = arith.constant 96 : index
        %parallel_loop3A_561 = tpu.vector_load %arg8[%parallel_loop3A_559, %parallel_loop3A_560] {strides = array<i32>} : memref<512x128xi32, #tpu.memory_space<vmem>>, vector<16xi32>,
        %parallel_loop3A_562 = vector.bitcast %parallel_loop3A_561 : vector<16xi32> to vector<32xbf16>
        %parallel_loop3A_563 = tpu.unpack_subelements %parallel_loop3A_562, 0 {pack_format = #tpu.pack_format<interleaved>} : vector<32xbf16> -> vector<16xf32>
        %parallel_loop3A_564 = tpu.unpack_subelements %parallel_loop3A_562, 1 {pack_format = #tpu.pack_format<interleaved>} : vector<32xbf16> -> vector<16xf32>
        %parallel_loop3A_565 = arith.mulf %parallel_loop3A_197, %parallel_loop3A_563 : vector<16xf32>
        %parallel_loop3A_566 = arith.addf %parallel_loop3A_556, %parallel_loop3A_565 : vector<16xf32>
        %parallel_loop3A_567 = arith.mulf %parallel_loop3A_200, %parallel_loop3A_564 : vector<16xf32>
        %parallel_loop3A_568 = arith.addf %parallel_loop3A_566, %parallel_loop3A_567 : vector<16xf32>
        %parallel_loop3A_569 = arith.index_cast %parallel_loop3A_176 : i32 to index
        %parallel_loop3A_570 = arith.constant 96 : index
        %parallel_loop3A_571 = tpu.vector_load %arg9[%parallel_loop3A_569, %parallel_loop3A_570] {strides = array<i32>} : memref<128x128xf32, #tpu.memory_space<vmem>>, vector<16xf32>,
        tpu.vector_store %arg9[%parallel_loop3A_569, %parallel_loop3A_570], %parallel_loop3A_568 {strides = array<i32>} : memref<128x128xf32, #tpu.memory_space<vmem>>, vector<16xf32>,
        %parallel_loop3A_572 = arith.constant 0.000000e+00 : f32
        %parallel_loop3A_573 = vector.broadcast %parallel_loop3A_572 : f32 to vector<16xf32>
        %parallel_loop3A_574 = arith.constant 0 : i32
        %parallel_loop3A_575 = arith.addi %parallel_loop3A_175, %parallel_loop3A_574 : i32
        %parallel_loop3A_576 = arith.index_cast %parallel_loop3A_575 : i32 to index
        %parallel_loop3A_577 = arith.constant 112 : index
        %parallel_loop3A_578 = tpu.vector_load %arg8[%parallel_loop3A_576, %parallel_loop3A_577] {strides = array<i32>} : memref<512x128xi32, #tpu.memory_space<vmem>>, vector<16xi32>,
        %parallel_loop3A_579 = vector.bitcast %parallel_loop3A_578 : vector<16xi32> to vector<32xbf16>
        %parallel_loop3A_580 = tpu.unpack_subelements %parallel_loop3A_579, 0 {pack_format = #tpu.pack_format<interleaved>} : vector<32xbf16> -> vector<16xf32>
        %parallel_loop3A_581 = tpu.unpack_subelements %parallel_loop3A_579, 1 {pack_format = #tpu.pack_format<interleaved>} : vector<32xbf16> -> vector<16xf32>
        %parallel_loop3A_582 = arith.mulf %parallel_loop3A_179, %parallel_loop3A_580 : vector<16xf32>
        %parallel_loop3A_583 = arith.addf %parallel_loop3A_573, %parallel_loop3A_582 : vector<16xf32>
        %parallel_loop3A_584 = arith.mulf %parallel_loop3A_182, %parallel_loop3A_581 : vector<16xf32>
        %parallel_loop3A_585 = arith.addf %parallel_loop3A_583, %parallel_loop3A_584 : vector<16xf32>
        %parallel_loop3A_586 = arith.constant 1 : i32
        %parallel_loop3A_587 = arith.addi %parallel_loop3A_175, %parallel_loop3A_586 : i32
        %parallel_loop3A_588 = arith.index_cast %parallel_loop3A_587 : i32 to index
        %parallel_loop3A_589 = arith.constant 112 : index
        %parallel_loop3A_590 = tpu.vector_load %arg8[%parallel_loop3A_588, %parallel_loop3A_589] {strides = array<i32>} : memref<512x128xi32, #tpu.memory_space<vmem>>, vector<16xi32>,
        %parallel_loop3A_591 = vector.bitcast %parallel_loop3A_590 : vector<16xi32> to vector<32xbf16>
        %parallel_loop3A_592 = tpu.unpack_subelements %parallel_loop3A_591, 0 {pack_format = #tpu.pack_format<interleaved>} : vector<32xbf16> -> vector<16xf32>
        %parallel_loop3A_593 = tpu.unpack_subelements %parallel_loop3A_591, 1 {pack_format = #tpu.pack_format<interleaved>} : vector<32xbf16> -> vector<16xf32>
        %parallel_loop3A_594 = arith.mulf %parallel_loop3A_185, %parallel_loop3A_592 : vector<16xf32>
        %parallel_loop3A_595 = arith.addf %parallel_loop3A_585, %parallel_loop3A_594 : vector<16xf32>
        %parallel_loop3A_596 = arith.mulf %parallel_loop3A_188, %parallel_loop3A_593 : vector<16xf32>
        %parallel_loop3A_597 = arith.addf %parallel_loop3A_595, %parallel_loop3A_596 : vector<16xf32>
        %parallel_loop3A_598 = arith.constant 2 : i32
        %parallel_loop3A_599 = arith.addi %parallel_loop3A_175, %parallel_loop3A_598 : i32
        %parallel_loop3A_600 = arith.index_cast %parallel_loop3A_599 : i32 to index
        %parallel_loop3A_601 = arith.constant 112 : index
        %parallel_loop3A_602 = tpu.vector_load %arg8[%parallel_loop3A_600, %parallel_loop3A_601] {strides = array<i32>} : memref<512x128xi32, #tpu.memory_space<vmem>>, vector<16xi32>,
        %parallel_loop3A_603 = vector.bitcast %parallel_loop3A_602 : vector<16xi32> to vector<32xbf16>
        %parallel_loop3A_604 = tpu.unpack_subelements %parallel_loop3A_603, 0 {pack_format = #tpu.pack_format<interleaved>} : vector<32xbf16> -> vector<16xf32>
        %parallel_loop3A_605 = tpu.unpack_subelements %parallel_loop3A_603, 1 {pack_format = #tpu.pack_format<interleaved>} : vector<32xbf16> -> vector<16xf32>
        %parallel_loop3A_606 = arith.mulf %parallel_loop3A_191, %parallel_loop3A_604 : vector<16xf32>
        %parallel_loop3A_607 = arith.addf %parallel_loop3A_597, %parallel_loop3A_606 : vector<16xf32>
        %parallel_loop3A_608 = arith.mulf %parallel_loop3A_194, %parallel_loop3A_605 : vector<16xf32>
        %parallel_loop3A_609 = arith.addf %parallel_loop3A_607, %parallel_loop3A_608 : vector<16xf32>
        %parallel_loop3A_610 = arith.constant 3 : i32
        %parallel_loop3A_611 = arith.addi %parallel_loop3A_175, %parallel_loop3A_610 : i32
        %parallel_loop3A_612 = arith.index_cast %parallel_loop3A_611 : i32 to index
        %parallel_loop3A_613 = arith.constant 112 : index
        %parallel_loop3A_614 = tpu.vector_load %arg8[%parallel_loop3A_612, %parallel_loop3A_613] {strides = array<i32>} : memref<512x128xi32, #tpu.memory_space<vmem>>, vector<16xi32>,
        %parallel_loop3A_615 = vector.bitcast %parallel_loop3A_614 : vector<16xi32> to vector<32xbf16>
        %parallel_loop3A_616 = tpu.unpack_subelements %parallel_loop3A_615, 0 {pack_format = #tpu.pack_format<interleaved>} : vector<32xbf16> -> vector<16xf32>
        %parallel_loop3A_617 = tpu.unpack_subelements %parallel_loop3A_615, 1 {pack_format = #tpu.pack_format<interleaved>} : vector<32xbf16> -> vector<16xf32>
        %parallel_loop3A_618 = arith.mulf %parallel_loop3A_197, %parallel_loop3A_616 : vector<16xf32>
        %parallel_loop3A_619 = arith.addf %parallel_loop3A_609, %parallel_loop3A_618 : vector<16xf32>
        %parallel_loop3A_620 = arith.mulf %parallel_loop3A_200, %parallel_loop3A_617 : vector<16xf32>
        %parallel_loop3A_621 = arith.addf %parallel_loop3A_619, %parallel_loop3A_620 : vector<16xf32>
        %parallel_loop3A_622 = arith.index_cast %parallel_loop3A_176 : i32 to index
        %parallel_loop3A_623 = arith.constant 112 : index
        %parallel_loop3A_624 = tpu.vector_load %arg9[%parallel_loop3A_622, %parallel_loop3A_623] {strides = array<i32>} : memref<128x128xf32, #tpu.memory_space<vmem>>, vector<16xf32>,
        tpu.vector_store %arg9[%parallel_loop3A_622, %parallel_loop3A_623], %parallel_loop3A_621 {strides = array<i32>} : memref<128x128xf32, #tpu.memory_space<vmem>>, vector<16xf32>,
      } {sc.loop_unroll_factor = 2 : i64, sc.parallel_access}
      %add3A_150 = arith.constant 2 : i32
      %add3A_151 = arith.addi %scan3A_82, %add3A_150 : i32
      %lt3A_152 = arith.constant 64 : i32
      %lt3A_153 = arith.cmpi slt, %add3A_151, %lt3A_152 : i32
      %convert_element_type3A_154 = arith.extui %lt3A_153 : i1 to i32
      %cond3A_155 = arith.constant 0 : i32
      %cond3A_156 = arith.cmpi ne, %convert_element_type3A_154, %cond3A_155 : i32
      scf.if %cond3A_156 {
        %add3A_172 = arith.constant 2 : i32
        %add3A_173 = arith.addi %scan3A_82, %add3A_172 : i32
        %mul3A_174 = arith.constant 4096 : i32
        %mul3A_175 = arith.muli %add3A, %mul3A_174 : i32
        %mul3A_176 = arith.constant 64 : i32
        %mul3A_177 = arith.muli %add3A_173, %mul3A_176 : i32
        %add3A_178 = arith.addi %mul3A_175, %mul3A_177 : i32
        %mul3A_179 = arith.constant 64 : i32
        %mul3A_180 = arith.muli %and3A_83, %mul3A_179 : i32
        %dma_start3A_181 = arith.constant 0 : i32
        %dma_start3A_182 = tpu.memref_slice %arg7[%mul3A_180, %dma_start3A_181] : memref<128x128xf32, #tpu.memory_space<vmem>> -> memref<64x128xf32, #tpu.memory_space<vmem>>
        %dma_start3A_183 = arith.constant 0 : i32
        %dma_start3A_184 = tpu.memref_slice %arg4[%add3A_178, %dma_start3A_183] : memref<131072x128xf32, #tpu.memory_space<hbm>> -> memref<64x128xf32, #tpu.memory_space<hbm>>
        %dma_start3A_185 = arith.constant 0 : i32
        %dma_start3A_186 = tpu.memref_slice %arg7[%mul3A_180, %dma_start3A_185] : memref<128x128xf32, #tpu.memory_space<vmem>> -> memref<64x128xf32, #tpu.memory_space<vmem>>
        %dma_start3A_187 = arith.constant 0 : i32
        %dma_start3A_188 = tpu.memref_slice %arg4[%add3A_178, %dma_start3A_187] : memref<131072x128xf32, #tpu.memory_space<hbm>> -> memref<64x128xf32, #tpu.memory_space<hbm>>
        tpu.enqueue_dma source(%dma_start3A_188 : memref<64x128xf32, #tpu.memory_space<hbm>>) target(%dma_start3A_186 : memref<64x128xf32, #tpu.memory_space<vmem>>) target_semaphore(%arg10 : memref<!tpu.dma_semaphore, #tpu.memory_space<semaphore_mem>>)
      } else {
      }
      %mul3A_157 = arith.constant 64 : i32
      %mul3A_158 = arith.muli %and3A_83, %mul3A_157 : i32
      %mul3A_159 = arith.constant 4096 : i32
      %mul3A_160 = arith.muli %add3A, %mul3A_159 : i32
      %mul3A_161 = arith.constant 64 : i32
      %mul3A_162 = arith.muli %scan3A_82, %mul3A_161 : i32
      %add3A_163 = arith.addi %mul3A_160, %mul3A_162 : i32
      %dma_start3A_164 = arith.constant 0 : i32
      %dma_start3A_165 = tpu.memref_slice %arg9[%mul3A_158, %dma_start3A_164] : memref<128x128xf32, #tpu.memory_space<vmem>> -> memref<64x128xf32, #tpu.memory_space<vmem>>
      %dma_start3A_166 = arith.constant 0 : i32
      %dma_start3A_167 = tpu.memref_slice %arg5[%add3A_163, %dma_start3A_166] : memref<131072x128xf32, #tpu.memory_space<hbm>> -> memref<64x128xf32, #tpu.memory_space<hbm>>
      %dma_start3A_168 = arith.constant 0 : i32
      %dma_start3A_169 = tpu.memref_slice %arg5[%add3A_163, %dma_start3A_168] : memref<131072x128xf32, #tpu.memory_space<hbm>> -> memref<64x128xf32, #tpu.memory_space<hbm>>
      %dma_start3A_170 = arith.constant 0 : i32
      %dma_start3A_171 = tpu.memref_slice %arg9[%mul3A_158, %dma_start3A_170] : memref<128x128xf32, #tpu.memory_space<vmem>> -> memref<64x128xf32, #tpu.memory_space<vmem>>
      tpu.enqueue_dma source(%dma_start3A_171 : memref<64x128xf32, #tpu.memory_space<vmem>>) target(%dma_start3A_169 : memref<64x128xf32, #tpu.memory_space<hbm>>) target_semaphore(%arg12 : memref<!tpu.dma_semaphore, #tpu.memory_space<semaphore_mem>>)
    }
    %scan3A_54 = arith.constant 64 : i32
    %mul3A_55 = arith.constant 4096 : i32
    %mul3A_56 = arith.muli %add3A, %mul3A_55 : i32
    %add3A_57 = arith.constant 3968 : i32
    %add3A_58 = arith.addi %mul3A_56, %add3A_57 : i32
    %dma_wait3A = arith.constant 0 : i32
    %dma_wait3A_59 = arith.constant 0 : i32
    %dma_wait3A_60 = tpu.memref_slice %arg9[%dma_wait3A, %dma_wait3A_59] : memref<128x128xf32, #tpu.memory_space<vmem>> -> memref<64x128xf32, #tpu.memory_space<vmem>>
    %dma_wait3A_61 = arith.constant 0 : i32
    %dma_wait3A_62 = tpu.memref_slice %arg5[%add3A_58, %dma_wait3A_61] : memref<131072x128xf32, #tpu.memory_space<hbm>> -> memref<64x128xf32, #tpu.memory_space<hbm>>
    %dma_wait3A_63 = arith.constant 0 : i32
    %dma_wait3A_64 = tpu.memref_slice %arg5[%add3A_58, %dma_wait3A_63] : memref<131072x128xf32, #tpu.memory_space<hbm>> -> memref<64x128xf32, #tpu.memory_space<hbm>>
    %dma_wait3A_65 = arith.constant 0 : i32
    %dma_wait3A_66 = arith.constant 0 : i32
    %dma_wait3A_67 = tpu.memref_slice %arg9[%dma_wait3A_65, %dma_wait3A_66] : memref<128x128xf32, #tpu.memory_space<vmem>> -> memref<64x128xf32, #tpu.memory_space<vmem>>
    tpu.wait_dma2 semaphore(%arg12 : memref<!tpu.dma_semaphore, #tpu.memory_space<semaphore_mem>>) src(%dma_wait3A_67 : memref<64x128xf32, #tpu.memory_space<vmem>>) dst(%dma_wait3A_64 : memref<64x128xf32, #tpu.memory_space<hbm>>)
    %mul3A_68 = arith.constant 4096 : i32
    %mul3A_69 = arith.muli %add3A, %mul3A_68 : i32
    %add3A_70 = arith.constant 4032 : i32
    %add3A_71 = arith.addi %mul3A_69, %add3A_70 : i32
    %dma_wait3A_72 = arith.constant 64 : i32
    %dma_wait3A_73 = arith.constant 0 : i32
    %dma_wait3A_74 = tpu.memref_slice %arg9[%dma_wait3A_72, %dma_wait3A_73] : memref<128x128xf32, #tpu.memory_space<vmem>> -> memref<64x128xf32, #tpu.memory_space<vmem>>
    %dma_wait3A_75 = arith.constant 0 : i32
    %dma_wait3A_76 = tpu.memref_slice %arg5[%add3A_71, %dma_wait3A_75] : memref<131072x128xf32, #tpu.memory_space<hbm>> -> memref<64x128xf32, #tpu.memory_space<hbm>>
    %dma_wait3A_77 = arith.constant 0 : i32
    %dma_wait3A_78 = tpu.memref_slice %arg5[%add3A_71, %dma_wait3A_77] : memref<131072x128xf32, #tpu.memory_space<hbm>> -> memref<64x128xf32, #tpu.memory_space<hbm>>
    %dma_wait3A_79 = arith.constant 64 : i32
    %dma_wait3A_80 = arith.constant 0 : i32
    %dma_wait3A_81 = tpu.memref_slice %arg9[%dma_wait3A_79, %dma_wait3A_80] : memref<128x128xf32, #tpu.memory_space<vmem>> -> memref<64x128xf32, #tpu.memory_space<vmem>>
    tpu.wait_dma2 semaphore(%arg12 : memref<!tpu.dma_semaphore, #tpu.memory_space<semaphore_mem>>) src(%dma_wait3A_81 : memref<64x128xf32, #tpu.memory_space<vmem>>) dst(%dma_wait3A_78 : memref<64x128xf32, #tpu.memory_space<hbm>>)
    return
  }
}

module attributes {stable_mosaic.version = 14 : i64} {
  func.func @_idxwts_body(%arg0: i32, %arg1: memref<128x128xf32, #tpu.memory_space<vmem>>, %arg2: memref<128x128xf32, #tpu.memory_space<vmem>>, %arg3: memref<4x128x128xi32, #tpu.memory_space<vmem>>, %arg4: memref<8x128x128xf32, #tpu.memory_space<vmem>>) attributes {dimension_semantics = [#tpu.dimension_semantics<arbitrary>], iteration_bounds = array<i64: 8>, scalar_prefetch = 0 : i64, scratch_operands = 0 : i64, tpu.core_type = #tpu.core_type<tc>, window_params = [{transform_indices = @transform_0, window_bounds = array<i64: 128, 128>}, {transform_indices = @transform_1, window_bounds = array<i64: 128, 128>}, {transform_indices = @transform_2, window_bounds = array<i64: 4, 128, 128>}, {transform_indices = @transform_3, window_bounds = array<i64: 8, 128, 128>}]} {
    %get3A = arith.constant 0 : index
    %get3A_0 = arith.constant 0 : index
    %get3A_1 = vector.load %arg1[%get3A, %get3A_0] : memref<128x128xf32, #tpu.memory_space<vmem>>, vector<128x128xf32>
    %get3A_2 = arith.constant 0 : index
    %get3A_3 = arith.constant 0 : index
    %get3A_4 = vector.load %arg2[%get3A_2, %get3A_3] : memref<128x128xf32, #tpu.memory_space<vmem>>, vector<128x128xf32>
    %mul3A = arith.constant 2.540000e+02 : f32
    %mul3A_5 = vector.broadcast %mul3A : f32 to vector<128x128xf32>
    %mul3A_6 = arith.mulf %get3A_1, %mul3A_5 : vector<128x128xf32>
    %mul3A_7 = arith.constant 5.000000e-01 : f32
    %mul3A_8 = vector.broadcast %mul3A_7 : f32 to vector<128x128xf32>
    %mul3A_9 = arith.mulf %mul3A_6, %mul3A_8 : vector<128x128xf32>
    %mul3A_10 = arith.constant 2.540000e+02 : f32
    %mul3A_11 = vector.broadcast %mul3A_10 : f32 to vector<128x128xf32>
    %mul3A_12 = arith.mulf %get3A_4, %mul3A_11 : vector<128x128xf32>
    %add3A = arith.constant 0.000000e+00 : f32
    %add3A_13 = vector.broadcast %add3A : f32 to vector<128x128xf32>
    %add3A_14 = arith.addf %mul3A_9, %add3A_13 : vector<128x128xf32>
    %add3A_15 = arith.constant 0.000000e+00 : f32
    %add3A_16 = vector.broadcast %add3A_15 : f32 to vector<128x128xf32>
    %add3A_17 = arith.addf %mul3A_12, %add3A_16 : vector<128x128xf32>
    %floor3A = math.floor %add3A_14 : vector<128x128xf32>
    %floor3A_18 = math.floor %add3A_17 : vector<128x128xf32>
    %sub3A = arith.subf %add3A_14, %floor3A : vector<128x128xf32>
    %sub3A_19 = arith.subf %add3A_17, %floor3A_18 : vector<128x128xf32>
    %mul3A_20 = arith.constant 3.14159274 : f32
    %mul3A_21 = vector.broadcast %mul3A_20 : f32 to vector<128x128xf32>
    %mul3A_22 = arith.mulf %mul3A_21, %sub3A : vector<128x128xf32>
    %cos3A = math.cos %mul3A_22 : vector<128x128xf32>
    %mul3A_23 = arith.constant 5.000000e-01 : f32
    %mul3A_24 = vector.broadcast %mul3A_23 : f32 to vector<128x128xf32>
    %mul3A_25 = arith.mulf %mul3A_24, %cos3A : vector<128x128xf32>
    %sub3A_26 = arith.constant 5.000000e-01 : f32
    %sub3A_27 = vector.broadcast %sub3A_26 : f32 to vector<128x128xf32>
    %sub3A_28 = arith.subf %sub3A_27, %mul3A_25 : vector<128x128xf32>
    %sub3A_29 = arith.constant 1.000000e+00 : f32
    %sub3A_30 = vector.broadcast %sub3A_29 : f32 to vector<128x128xf32>
    %sub3A_31 = arith.subf %sub3A_30, %sub3A_28 : vector<128x128xf32>
    %mul3A_32 = arith.constant 3.14159274 : f32
    %mul3A_33 = vector.broadcast %mul3A_32 : f32 to vector<128x128xf32>
    %mul3A_34 = arith.mulf %mul3A_33, %sub3A_19 : vector<128x128xf32>
    %cos3A_35 = math.cos %mul3A_34 : vector<128x128xf32>
    %mul3A_36 = arith.constant 5.000000e-01 : f32
    %mul3A_37 = vector.broadcast %mul3A_36 : f32 to vector<128x128xf32>
    %mul3A_38 = arith.mulf %mul3A_37, %cos3A_35 : vector<128x128xf32>
    %sub3A_39 = arith.constant 5.000000e-01 : f32
    %sub3A_40 = vector.broadcast %sub3A_39 : f32 to vector<128x128xf32>
    %sub3A_41 = arith.subf %sub3A_40, %mul3A_38 : vector<128x128xf32>
    %sub3A_42 = arith.constant 1.000000e+00 : f32
    %sub3A_43 = vector.broadcast %sub3A_42 : f32 to vector<128x128xf32>
    %sub3A_44 = arith.subf %sub3A_43, %sub3A_41 : vector<128x128xf32>
    %jit3A = arith.constant 0 : i32
    %jit3A_45 = arith.constant 255 : i32
    %convert_element_type3A = arith.sitofp %jit3A : i32 to f32
    %max3A = vector.broadcast %convert_element_type3A : f32 to vector<128x128xf32>
    %max3A_46 = arith.maximumf %max3A, %floor3A : vector<128x128xf32>
    %convert_element_type3A_47 = arith.sitofp %jit3A_45 : i32 to f32
    %min3A = vector.broadcast %convert_element_type3A_47 : f32 to vector<128x128xf32>
    %min3A_48 = arith.minimumf %min3A, %max3A_46 : vector<128x128xf32>
    %convert_element_type3A_49 = arith.fptosi %min3A_48 : vector<128x128xf32> to vector<128x128xi32>
    %jit3A_50 = arith.constant 0 : i32
    %jit3A_51 = arith.constant 255 : i32
    %convert_element_type3A_52 = arith.sitofp %jit3A_50 : i32 to f32
    %max3A_53 = vector.broadcast %convert_element_type3A_52 : f32 to vector<128x128xf32>
    %max3A_54 = arith.maximumf %max3A_53, %floor3A_18 : vector<128x128xf32>
    %convert_element_type3A_55 = arith.sitofp %jit3A_51 : i32 to f32
    %min3A_56 = vector.broadcast %convert_element_type3A_55 : f32 to vector<128x128xf32>
    %min3A_57 = arith.minimumf %min3A_56, %max3A_54 : vector<128x128xf32>
    %convert_element_type3A_58 = arith.fptosi %min3A_57 : vector<128x128xf32> to vector<128x128xi32>
    %mul3A_59 = arith.constant 256 : i32
    %mul3A_60 = vector.broadcast %mul3A_59 : i32 to vector<128x128xi32>
    %mul3A_61 = arith.muli %convert_element_type3A_58, %mul3A_60 : vector<128x128xi32>
    %add3A_62 = arith.constant 0 : i32
    %add3A_63 = vector.broadcast %add3A_62 : i32 to vector<128x128xi32>
    %add3A_64 = arith.addi %add3A_63, %mul3A_61 : vector<128x128xi32>
    %add3A_65 = arith.addi %add3A_64, %convert_element_type3A_49 : vector<128x128xi32>
    %and3A = arith.constant 1 : i32
    %and3A_66 = vector.broadcast %and3A : i32 to vector<128x128xi32>
    %and3A_67 = arith.andi %add3A_65, %and3A_66 : vector<128x128xi32>
    %shift_right_arithmetic3A = arith.constant 1 : i32
    %shift_right_arithmetic3A_68 = vector.broadcast %shift_right_arithmetic3A : i32 to vector<128x128xi32>
    %shift_right_arithmetic3A_69 = arith.shrsi %add3A_65, %shift_right_arithmetic3A_68 : vector<128x128xi32>
    %mul3A_70 = arith.constant 65536 : i32
    %mul3A_71 = vector.broadcast %mul3A_70 : i32 to vector<128x128xi32>
    %mul3A_72 = arith.muli %and3A_67, %mul3A_71 : vector<128x128xi32>
    %add3A_73 = arith.addi %shift_right_arithmetic3A_69, %mul3A_72 : vector<128x128xi32>
    %swap3A = arith.constant 0 : index
    %swap3A_74 = arith.constant 0 : index
    %swap3A_75 = arith.constant 0 : index
    %swap3A_76 = vector.load %arg3[%swap3A, %swap3A_74, %swap3A_75] : memref<4x128x128xi32, #tpu.memory_space<vmem>>, vector<1x128x128xi32>
    %swap3A_77 = vector.shape_cast %swap3A_76 : vector<1x128x128xi32> to vector<128x128xi32>
    %swap3A_78 = vector.shape_cast %add3A_73 : vector<128x128xi32> to vector<1x128x128xi32>
    tpu.vector_store %arg3[%swap3A, %swap3A_74, %swap3A_75], %swap3A_78 {strides = array<i32>} : memref<4x128x128xi32, #tpu.memory_space<vmem>>, vector<1x128x128xi32>,
    %add3A_79 = arith.constant 128 : i32
    %add3A_80 = vector.broadcast %add3A_79 : i32 to vector<128x128xi32>
    %add3A_81 = arith.addi %add3A_73, %add3A_80 : vector<128x128xi32>
    %swap3A_82 = arith.constant 1 : index
    %swap3A_83 = arith.constant 0 : index
    %swap3A_84 = arith.constant 0 : index
    %swap3A_85 = vector.load %arg3[%swap3A_82, %swap3A_83, %swap3A_84] : memref<4x128x128xi32, #tpu.memory_space<vmem>>, vector<1x128x128xi32>
    %swap3A_86 = vector.shape_cast %swap3A_85 : vector<1x128x128xi32> to vector<128x128xi32>
    %swap3A_87 = vector.shape_cast %add3A_81 : vector<128x128xi32> to vector<1x128x128xi32>
    tpu.vector_store %arg3[%swap3A_82, %swap3A_83, %swap3A_84], %swap3A_87 {strides = array<i32>} : memref<4x128x128xi32, #tpu.memory_space<vmem>>, vector<1x128x128xi32>,
    %mul3A_88 = arith.mulf %sub3A_31, %sub3A_44 : vector<128x128xf32>
    %swap3A_89 = arith.constant 0 : index
    %swap3A_90 = arith.constant 0 : index
    %swap3A_91 = arith.constant 0 : index
    %swap3A_92 = vector.load %arg4[%swap3A_89, %swap3A_90, %swap3A_91] : memref<8x128x128xf32, #tpu.memory_space<vmem>>, vector<1x128x128xf32>
    %swap3A_93 = vector.shape_cast %swap3A_92 : vector<1x128x128xf32> to vector<128x128xf32>
    %swap3A_94 = vector.shape_cast %mul3A_88 : vector<128x128xf32> to vector<1x128x128xf32>
    tpu.vector_store %arg4[%swap3A_89, %swap3A_90, %swap3A_91], %swap3A_94 {strides = array<i32>} : memref<8x128x128xf32, #tpu.memory_space<vmem>>, vector<1x128x128xf32>,
    %mul3A_95 = arith.mulf %sub3A_28, %sub3A_44 : vector<128x128xf32>
    %swap3A_96 = arith.constant 1 : index
    %swap3A_97 = arith.constant 0 : index
    %swap3A_98 = arith.constant 0 : index
    %swap3A_99 = vector.load %arg4[%swap3A_96, %swap3A_97, %swap3A_98] : memref<8x128x128xf32, #tpu.memory_space<vmem>>, vector<1x128x128xf32>
    %swap3A_100 = vector.shape_cast %swap3A_99 : vector<1x128x128xf32> to vector<128x128xf32>
    %swap3A_101 = vector.shape_cast %mul3A_95 : vector<128x128xf32> to vector<1x128x128xf32>
    tpu.vector_store %arg4[%swap3A_96, %swap3A_97, %swap3A_98], %swap3A_101 {strides = array<i32>} : memref<8x128x128xf32, #tpu.memory_space<vmem>>, vector<1x128x128xf32>,
    %mul3A_102 = arith.mulf %sub3A_31, %sub3A_41 : vector<128x128xf32>
    %swap3A_103 = arith.constant 2 : index
    %swap3A_104 = arith.constant 0 : index
    %swap3A_105 = arith.constant 0 : index
    %swap3A_106 = vector.load %arg4[%swap3A_103, %swap3A_104, %swap3A_105] : memref<8x128x128xf32, #tpu.memory_space<vmem>>, vector<1x128x128xf32>
    %swap3A_107 = vector.shape_cast %swap3A_106 : vector<1x128x128xf32> to vector<128x128xf32>
    %swap3A_108 = vector.shape_cast %mul3A_102 : vector<128x128xf32> to vector<1x128x128xf32>
    tpu.vector_store %arg4[%swap3A_103, %swap3A_104, %swap3A_105], %swap3A_108 {strides = array<i32>} : memref<8x128x128xf32, #tpu.memory_space<vmem>>, vector<1x128x128xf32>,
    %mul3A_109 = arith.mulf %sub3A_28, %sub3A_41 : vector<128x128xf32>
    %swap3A_110 = arith.constant 3 : index
    %swap3A_111 = arith.constant 0 : index
    %swap3A_112 = arith.constant 0 : index
    %swap3A_113 = vector.load %arg4[%swap3A_110, %swap3A_111, %swap3A_112] : memref<8x128x128xf32, #tpu.memory_space<vmem>>, vector<1x128x128xf32>
    %swap3A_114 = vector.shape_cast %swap3A_113 : vector<1x128x128xf32> to vector<128x128xf32>
    %swap3A_115 = vector.shape_cast %mul3A_109 : vector<128x128xf32> to vector<1x128x128xf32>
    tpu.vector_store %arg4[%swap3A_110, %swap3A_111, %swap3A_112], %swap3A_115 {strides = array<i32>} : memref<8x128x128xf32, #tpu.memory_space<vmem>>, vector<1x128x128xf32>,
    %add3A_116 = arith.constant 5.000000e-01 : f32
    %add3A_117 = vector.broadcast %add3A_116 : f32 to vector<128x128xf32>
    %add3A_118 = arith.addf %mul3A_9, %add3A_117 : vector<128x128xf32>
    %add3A_119 = arith.constant 5.000000e-01 : f32
    %add3A_120 = vector.broadcast %add3A_119 : f32 to vector<128x128xf32>
    %add3A_121 = arith.addf %mul3A_12, %add3A_120 : vector<128x128xf32>
    %floor3A_122 = math.floor %add3A_118 : vector<128x128xf32>
    %floor3A_123 = math.floor %add3A_121 : vector<128x128xf32>
    %sub3A_124 = arith.subf %add3A_118, %floor3A_122 : vector<128x128xf32>
    %sub3A_125 = arith.subf %add3A_121, %floor3A_123 : vector<128x128xf32>
    %mul3A_126 = arith.constant 3.14159274 : f32
    %mul3A_127 = vector.broadcast %mul3A_126 : f32 to vector<128x128xf32>
    %mul3A_128 = arith.mulf %mul3A_127, %sub3A_124 : vector<128x128xf32>
    %cos3A_129 = math.cos %mul3A_128 : vector<128x128xf32>
    %mul3A_130 = arith.constant 5.000000e-01 : f32
    %mul3A_131 = vector.broadcast %mul3A_130 : f32 to vector<128x128xf32>
    %mul3A_132 = arith.mulf %mul3A_131, %cos3A_129 : vector<128x128xf32>
    %sub3A_133 = arith.constant 5.000000e-01 : f32
    %sub3A_134 = vector.broadcast %sub3A_133 : f32 to vector<128x128xf32>
    %sub3A_135 = arith.subf %sub3A_134, %mul3A_132 : vector<128x128xf32>
    %sub3A_136 = arith.constant 1.000000e+00 : f32
    %sub3A_137 = vector.broadcast %sub3A_136 : f32 to vector<128x128xf32>
    %sub3A_138 = arith.subf %sub3A_137, %sub3A_135 : vector<128x128xf32>
    %mul3A_139 = arith.constant 3.14159274 : f32
    %mul3A_140 = vector.broadcast %mul3A_139 : f32 to vector<128x128xf32>
    %mul3A_141 = arith.mulf %mul3A_140, %sub3A_125 : vector<128x128xf32>
    %cos3A_142 = math.cos %mul3A_141 : vector<128x128xf32>
    %mul3A_143 = arith.constant 5.000000e-01 : f32
    %mul3A_144 = vector.broadcast %mul3A_143 : f32 to vector<128x128xf32>
    %mul3A_145 = arith.mulf %mul3A_144, %cos3A_142 : vector<128x128xf32>
    %sub3A_146 = arith.constant 5.000000e-01 : f32
    %sub3A_147 = vector.broadcast %sub3A_146 : f32 to vector<128x128xf32>
    %sub3A_148 = arith.subf %sub3A_147, %mul3A_145 : vector<128x128xf32>
    %sub3A_149 = arith.constant 1.000000e+00 : f32
    %sub3A_150 = vector.broadcast %sub3A_149 : f32 to vector<128x128xf32>
    %sub3A_151 = arith.subf %sub3A_150, %sub3A_148 : vector<128x128xf32>
    %jit3A_152 = arith.constant 0 : i32
    %jit3A_153 = arith.constant 255 : i32
    %convert_element_type3A_154 = arith.sitofp %jit3A_152 : i32 to f32
    %max3A_155 = vector.broadcast %convert_element_type3A_154 : f32 to vector<128x128xf32>
    %max3A_156 = arith.maximumf %max3A_155, %floor3A_122 : vector<128x128xf32>
    %convert_element_type3A_157 = arith.sitofp %jit3A_153 : i32 to f32
    %min3A_158 = vector.broadcast %convert_element_type3A_157 : f32 to vector<128x128xf32>
    %min3A_159 = arith.minimumf %min3A_158, %max3A_156 : vector<128x128xf32>
    %convert_element_type3A_160 = arith.fptosi %min3A_159 : vector<128x128xf32> to vector<128x128xi32>
    %jit3A_161 = arith.constant 0 : i32
    %jit3A_162 = arith.constant 255 : i32
    %convert_element_type3A_163 = arith.sitofp %jit3A_161 : i32 to f32
    %max3A_164 = vector.broadcast %convert_element_type3A_163 : f32 to vector<128x128xf32>
    %max3A_165 = arith.maximumf %max3A_164, %floor3A_123 : vector<128x128xf32>
    %convert_element_type3A_166 = arith.sitofp %jit3A_162 : i32 to f32
    %min3A_167 = vector.broadcast %convert_element_type3A_166 : f32 to vector<128x128xf32>
    %min3A_168 = arith.minimumf %min3A_167, %max3A_165 : vector<128x128xf32>
    %convert_element_type3A_169 = arith.fptosi %min3A_168 : vector<128x128xf32> to vector<128x128xi32>
    %mul3A_170 = arith.constant 256 : i32
    %mul3A_171 = vector.broadcast %mul3A_170 : i32 to vector<128x128xi32>
    %mul3A_172 = arith.muli %convert_element_type3A_169, %mul3A_171 : vector<128x128xi32>
    %add3A_173 = arith.constant 65536 : i32
    %add3A_174 = vector.broadcast %add3A_173 : i32 to vector<128x128xi32>
    %add3A_175 = arith.addi %add3A_174, %mul3A_172 : vector<128x128xi32>
    %add3A_176 = arith.addi %add3A_175, %convert_element_type3A_160 : vector<128x128xi32>
    %and3A_177 = arith.constant 1 : i32
    %and3A_178 = vector.broadcast %and3A_177 : i32 to vector<128x128xi32>
    %and3A_179 = arith.andi %add3A_176, %and3A_178 : vector<128x128xi32>
    %shift_right_arithmetic3A_180 = arith.constant 1 : i32
    %shift_right_arithmetic3A_181 = vector.broadcast %shift_right_arithmetic3A_180 : i32 to vector<128x128xi32>
    %shift_right_arithmetic3A_182 = arith.shrsi %add3A_176, %shift_right_arithmetic3A_181 : vector<128x128xi32>
    %mul3A_183 = arith.constant 65536 : i32
    %mul3A_184 = vector.broadcast %mul3A_183 : i32 to vector<128x128xi32>
    %mul3A_185 = arith.muli %and3A_179, %mul3A_184 : vector<128x128xi32>
    %add3A_186 = arith.addi %shift_right_arithmetic3A_182, %mul3A_185 : vector<128x128xi32>
    %swap3A_187 = arith.constant 2 : index
    %swap3A_188 = arith.constant 0 : index
    %swap3A_189 = arith.constant 0 : index
    %swap3A_190 = vector.load %arg3[%swap3A_187, %swap3A_188, %swap3A_189] : memref<4x128x128xi32, #tpu.memory_space<vmem>>, vector<1x128x128xi32>
    %swap3A_191 = vector.shape_cast %swap3A_190 : vector<1x128x128xi32> to vector<128x128xi32>
    %swap3A_192 = vector.shape_cast %add3A_186 : vector<128x128xi32> to vector<1x128x128xi32>
    tpu.vector_store %arg3[%swap3A_187, %swap3A_188, %swap3A_189], %swap3A_192 {strides = array<i32>} : memref<4x128x128xi32, #tpu.memory_space<vmem>>, vector<1x128x128xi32>,
    %add3A_193 = arith.constant 128 : i32
    %add3A_194 = vector.broadcast %add3A_193 : i32 to vector<128x128xi32>
    %add3A_195 = arith.addi %add3A_186, %add3A_194 : vector<128x128xi32>
    %swap3A_196 = arith.constant 3 : index
    %swap3A_197 = arith.constant 0 : index
    %swap3A_198 = arith.constant 0 : index
    %swap3A_199 = vector.load %arg3[%swap3A_196, %swap3A_197, %swap3A_198] : memref<4x128x128xi32, #tpu.memory_space<vmem>>, vector<1x128x128xi32>
    %swap3A_200 = vector.shape_cast %swap3A_199 : vector<1x128x128xi32> to vector<128x128xi32>
    %swap3A_201 = vector.shape_cast %add3A_195 : vector<128x128xi32> to vector<1x128x128xi32>
    tpu.vector_store %arg3[%swap3A_196, %swap3A_197, %swap3A_198], %swap3A_201 {strides = array<i32>} : memref<4x128x128xi32, #tpu.memory_space<vmem>>, vector<1x128x128xi32>,
    %mul3A_202 = arith.mulf %sub3A_138, %sub3A_151 : vector<128x128xf32>
    %swap3A_203 = arith.constant 4 : index
    %swap3A_204 = arith.constant 0 : index
    %swap3A_205 = arith.constant 0 : index
    %swap3A_206 = vector.load %arg4[%swap3A_203, %swap3A_204, %swap3A_205] : memref<8x128x128xf32, #tpu.memory_space<vmem>>, vector<1x128x128xf32>
    %swap3A_207 = vector.shape_cast %swap3A_206 : vector<1x128x128xf32> to vector<128x128xf32>
    %swap3A_208 = vector.shape_cast %mul3A_202 : vector<128x128xf32> to vector<1x128x128xf32>
    tpu.vector_store %arg4[%swap3A_203, %swap3A_204, %swap3A_205], %swap3A_208 {strides = array<i32>} : memref<8x128x128xf32, #tpu.memory_space<vmem>>, vector<1x128x128xf32>,
    %mul3A_209 = arith.mulf %sub3A_135, %sub3A_151 : vector<128x128xf32>
    %swap3A_210 = arith.constant 5 : index
    %swap3A_211 = arith.constant 0 : index
    %swap3A_212 = arith.constant 0 : index
    %swap3A_213 = vector.load %arg4[%swap3A_210, %swap3A_211, %swap3A_212] : memref<8x128x128xf32, #tpu.memory_space<vmem>>, vector<1x128x128xf32>
    %swap3A_214 = vector.shape_cast %swap3A_213 : vector<1x128x128xf32> to vector<128x128xf32>
    %swap3A_215 = vector.shape_cast %mul3A_209 : vector<128x128xf32> to vector<1x128x128xf32>
    tpu.vector_store %arg4[%swap3A_210, %swap3A_211, %swap3A_212], %swap3A_215 {strides = array<i32>} : memref<8x128x128xf32, #tpu.memory_space<vmem>>, vector<1x128x128xf32>,
    %mul3A_216 = arith.mulf %sub3A_138, %sub3A_148 : vector<128x128xf32>
    %swap3A_217 = arith.constant 6 : index
    %swap3A_218 = arith.constant 0 : index
    %swap3A_219 = arith.constant 0 : index
    %swap3A_220 = vector.load %arg4[%swap3A_217, %swap3A_218, %swap3A_219] : memref<8x128x128xf32, #tpu.memory_space<vmem>>, vector<1x128x128xf32>
    %swap3A_221 = vector.shape_cast %swap3A_220 : vector<1x128x128xf32> to vector<128x128xf32>
    %swap3A_222 = vector.shape_cast %mul3A_216 : vector<128x128xf32> to vector<1x128x128xf32>
    tpu.vector_store %arg4[%swap3A_217, %swap3A_218, %swap3A_219], %swap3A_222 {strides = array<i32>} : memref<8x128x128xf32, #tpu.memory_space<vmem>>, vector<1x128x128xf32>,
    %mul3A_223 = arith.mulf %sub3A_135, %sub3A_148 : vector<128x128xf32>
    %swap3A_224 = arith.constant 7 : index
    %swap3A_225 = arith.constant 0 : index
    %swap3A_226 = arith.constant 0 : index
    %swap3A_227 = vector.load %arg4[%swap3A_224, %swap3A_225, %swap3A_226] : memref<8x128x128xf32, #tpu.memory_space<vmem>>, vector<1x128x128xf32>
    %swap3A_228 = vector.shape_cast %swap3A_227 : vector<1x128x128xf32> to vector<128x128xf32>
    %swap3A_229 = vector.shape_cast %mul3A_223 : vector<128x128xf32> to vector<1x128x128xf32>
    tpu.vector_store %arg4[%swap3A_224, %swap3A_225, %swap3A_226], %swap3A_229 {strides = array<i32>} : memref<8x128x128xf32, #tpu.memory_space<vmem>>, vector<1x128x128xf32>,
    return
  }
  func.func @transform_0(%arg0: i32) -> (i32, i32) {
    %c0_i32 = arith.constant 0 : i32
    %c0_i32_0 = arith.constant 0 : i32
    return %arg0, %c0_i32 : i32, i32
  }
  func.func @transform_1(%arg0: i32) -> (i32, i32) {
    %c0_i32 = arith.constant 0 : i32
    %c0_i32_0 = arith.constant 0 : i32
    return %arg0, %c0_i32 : i32, i32
  }
  func.func @transform_2(%arg0: i32) -> (i32, i32, i32) {
    %c0_i32 = arith.constant 0 : i32
    %c0_i32_0 = arith.constant 0 : i32
    %c0_i32_1 = arith.constant 0 : i32
    return %c0_i32, %arg0, %c0_i32_0 : i32, i32, i32
  }
  func.func @transform_3(%arg0: i32) -> (i32, i32, i32) {
    %c0_i32 = arith.constant 0 : i32
    %c0_i32_0 = arith.constant 0 : i32
    %c0_i32_1 = arith.constant 0 : i32
    return %c0_i32, %arg0, %c0_i32_0 : i32, i32, i32
  }
}

module attributes {stable_mosaic.version = 14 : i64} {
  func.func @_conv_tanh_body(%arg0: i32, %arg1: i32, %arg2: memref<9x128xf32, #tpu.memory_space<vmem>>, %arg3: memref<1x1x256x128xf32, #tpu.memory_space<vmem>>, %arg4: memref<1x8x256x128xf32, #tpu.memory_space<vmem>>, %arg5: memref<1x1x256x128xf32, #tpu.memory_space<vmem>>, %arg6: memref<2x1x8x128x128xi32, #tpu.memory_space<vmem>>) attributes {dimension_semantics = [#tpu.dimension_semantics<arbitrary>, #tpu.dimension_semantics<arbitrary>], iteration_bounds = array<i64: 2, 32>, scalar_prefetch = 0 : i64, scratch_operands = 0 : i64, tpu.core_type = #tpu.core_type<tc>, window_params = [{pipeline_mode = #tpu.pipeline_mode<synchronous>, transform_indices = @transform_0, window_bounds = array<i64: 9, 128>}, {transform_indices = @transform_1, window_bounds = array<i64: 1, 1, 256, 128>}, {transform_indices = @transform_2, window_bounds = array<i64: 1, 8, 256, 128>}, {transform_indices = @transform_3, window_bounds = array<i64: 1, 1, 256, 128>}, {transform_indices = @transform_4, window_bounds = array<i64: 2, 1, 8, 128, 128>}]} {
    %get3A = arith.constant 0 : index
    %get3A_0 = arith.constant 0 : index
    %get3A_1 = arith.constant 0 : index
    %get3A_2 = arith.constant 0 : index
    %get3A_3 = vector.load %arg4[%get3A, %get3A_0, %get3A_1, %get3A_2] : memref<1x8x256x128xf32, #tpu.memory_space<vmem>>, vector<1x8x256x128xf32>
    %get3A_4 = vector.shape_cast %get3A_3 : vector<1x8x256x128xf32> to vector<8x256x128xf32>
    %gt3A = arith.constant 0 : i32
    %gt3A_5 = arith.cmpi sgt, %arg1, %gt3A : i32
    %get3A_6 = arith.constant 0 : index
    %get3A_7 = arith.constant 0 : index
    %get3A_8 = arith.constant 0 : index
    %get3A_9 = arith.constant 0 : index
    %get3A_10 = vector.load %arg3[%get3A_6, %get3A_7, %get3A_8, %get3A_9] : memref<1x1x256x128xf32, #tpu.memory_space<vmem>>, vector<1x1x256x128xf32>
    %get3A_11 = vector.shape_cast %get3A_10 : vector<1x1x256x128xf32> to vector<1x256x128xf32>
    %jit3A = arith.constant 0.000000e+00 : f32
    %broadcast_in_dim3A = vector.broadcast %jit3A : f32 to vector<1x256x128xf32>
    %select_n3A = arith.select %gt3A_5, %get3A_11, %broadcast_in_dim3A : vector<1x256x128xf32>
    %lt3A = arith.constant 31 : i32
    %lt3A_12 = arith.cmpi slt, %arg1, %lt3A : i32
    %get3A_13 = arith.constant 0 : index
    %get3A_14 = arith.constant 0 : index
    %get3A_15 = arith.constant 0 : index
    %get3A_16 = arith.constant 0 : index
    %get3A_17 = vector.load %arg5[%get3A_13, %get3A_14, %get3A_15, %get3A_16] : memref<1x1x256x128xf32, #tpu.memory_space<vmem>>, vector<1x1x256x128xf32>
    %get3A_18 = vector.shape_cast %get3A_17 : vector<1x1x256x128xf32> to vector<1x256x128xf32>
    %jit3A_19 = arith.constant 0.000000e+00 : f32
    %broadcast_in_dim3A_20 = vector.broadcast %jit3A_19 : f32 to vector<1x256x128xf32>
    %select_n3A_21 = arith.select %lt3A_12, %get3A_18, %broadcast_in_dim3A_20 : vector<1x256x128xf32>
    %concatenate3A = tpu.concatenate %select_n3A, %get3A_4, %select_n3A_21 in 0 : vector<1x256x128xf32>, vector<8x256x128xf32>, vector<1x256x128xf32> -> vector<10x256x128xf32>
    %broadcast_in_dim3A_22 = arith.constant 0.000000e+00 : f32
    %broadcast_in_dim3A_23 = vector.broadcast %broadcast_in_dim3A_22 : f32 to vector<8x256x128xf32>
    %broadcast_in_dim3A_24 = arith.constant 0.000000e+00 : f32
    %broadcast_in_dim3A_25 = vector.broadcast %broadcast_in_dim3A_24 : f32 to vector<8x1x128xf32>
    %slice3A = vector.extract_strided_slice %concatenate3A {offsets = [0, 0, 0], sizes = [8, 256, 128], strides = [1, 1, 1]} : vector<10x256x128xf32> to vector<8x256x128xf32>
    %slice3A_26 = vector.extract_strided_slice %slice3A {offsets = [0, 0, 0], sizes = [8, 255, 128], strides = [1, 1, 1]} : vector<8x256x128xf32> to vector<8x255x128xf32>
    %concatenate3A_27 = tpu.concatenate %broadcast_in_dim3A_25, %slice3A_26 in 1 : vector<8x1x128xf32>, vector<8x255x128xf32> -> vector<8x256x128xf32>
    %get3A_28 = arith.constant 0 : index
    %get3A_29 = arith.constant 0 : index
    %get3A_30 = vector.load %arg2[%get3A_28, %get3A_29] : memref<9x128xf32, #tpu.memory_space<vmem>>, vector<1x128xf32>
    %get3A_31 = vector.shape_cast %get3A_30 : vector<1x128xf32> to vector<128xf32>
    %broadcast_in_dim3A_32 = vector.shape_cast %get3A_31 : vector<128xf32> to vector<1x1x128xf32>
    %mul3A = vector.broadcast %broadcast_in_dim3A_32 : vector<1x1x128xf32> to vector<8x256x128xf32>
    %mul3A_33 = arith.mulf %concatenate3A_27, %mul3A : vector<8x256x128xf32>
    %add3A = arith.addf %broadcast_in_dim3A_23, %mul3A_33 : vector<8x256x128xf32>
    %get3A_34 = arith.constant 1 : index
    %get3A_35 = arith.constant 0 : index
    %get3A_36 = vector.load %arg2[%get3A_34, %get3A_35] : memref<9x128xf32, #tpu.memory_space<vmem>>, vector<1x128xf32>
    %get3A_37 = vector.shape_cast %get3A_36 : vector<1x128xf32> to vector<128xf32>
    %broadcast_in_dim3A_38 = vector.shape_cast %get3A_37 : vector<128xf32> to vector<1x1x128xf32>
    %mul3A_39 = vector.broadcast %broadcast_in_dim3A_38 : vector<1x1x128xf32> to vector<8x256x128xf32>
    %mul3A_40 = arith.mulf %slice3A, %mul3A_39 : vector<8x256x128xf32>
    %add3A_41 = arith.addf %add3A, %mul3A_40 : vector<8x256x128xf32>
    %slice3A_42 = vector.extract_strided_slice %slice3A {offsets = [0, 1, 0], sizes = [8, 255, 128], strides = [1, 1, 1]} : vector<8x256x128xf32> to vector<8x255x128xf32>
    %concatenate3A_43 = tpu.concatenate %slice3A_42, %broadcast_in_dim3A_25 in 1 : vector<8x255x128xf32>, vector<8x1x128xf32> -> vector<8x256x128xf32>
    %get3A_44 = arith.constant 2 : index
    %get3A_45 = arith.constant 0 : index
    %get3A_46 = vector.load %arg2[%get3A_44, %get3A_45] : memref<9x128xf32, #tpu.memory_space<vmem>>, vector<1x128xf32>
    %get3A_47 = vector.shape_cast %get3A_46 : vector<1x128xf32> to vector<128xf32>
    %broadcast_in_dim3A_48 = vector.shape_cast %get3A_47 : vector<128xf32> to vector<1x1x128xf32>
    %mul3A_49 = vector.broadcast %broadcast_in_dim3A_48 : vector<1x1x128xf32> to vector<8x256x128xf32>
    %mul3A_50 = arith.mulf %concatenate3A_43, %mul3A_49 : vector<8x256x128xf32>
    %add3A_51 = arith.addf %add3A_41, %mul3A_50 : vector<8x256x128xf32>
    %slice3A_52 = vector.extract_strided_slice %concatenate3A {offsets = [1, 0, 0], sizes = [8, 256, 128], strides = [1, 1, 1]} : vector<10x256x128xf32> to vector<8x256x128xf32>
    %slice3A_53 = vector.extract_strided_slice %slice3A_52 {offsets = [0, 0, 0], sizes = [8, 255, 128], strides = [1, 1, 1]} : vector<8x256x128xf32> to vector<8x255x128xf32>
    %concatenate3A_54 = tpu.concatenate %broadcast_in_dim3A_25, %slice3A_53 in 1 : vector<8x1x128xf32>, vector<8x255x128xf32> -> vector<8x256x128xf32>
    %get3A_55 = arith.constant 3 : index
    %get3A_56 = arith.constant 0 : index
    %get3A_57 = vector.load %arg2[%get3A_55, %get3A_56] : memref<9x128xf32, #tpu.memory_space<vmem>>, vector<1x128xf32>
    %get3A_58 = vector.shape_cast %get3A_57 : vector<1x128xf32> to vector<128xf32>
    %broadcast_in_dim3A_59 = vector.shape_cast %get3A_58 : vector<128xf32> to vector<1x1x128xf32>
    %mul3A_60 = vector.broadcast %broadcast_in_dim3A_59 : vector<1x1x128xf32> to vector<8x256x128xf32>
    %mul3A_61 = arith.mulf %concatenate3A_54, %mul3A_60 : vector<8x256x128xf32>
    %add3A_62 = arith.addf %add3A_51, %mul3A_61 : vector<8x256x128xf32>
    %get3A_63 = arith.constant 4 : index
    %get3A_64 = arith.constant 0 : index
    %get3A_65 = vector.load %arg2[%get3A_63, %get3A_64] : memref<9x128xf32, #tpu.memory_space<vmem>>, vector<1x128xf32>
    %get3A_66 = vector.shape_cast %get3A_65 : vector<1x128xf32> to vector<128xf32>
    %broadcast_in_dim3A_67 = vector.shape_cast %get3A_66 : vector<128xf32> to vector<1x1x128xf32>
    %mul3A_68 = vector.broadcast %broadcast_in_dim3A_67 : vector<1x1x128xf32> to vector<8x256x128xf32>
    %mul3A_69 = arith.mulf %slice3A_52, %mul3A_68 : vector<8x256x128xf32>
    %add3A_70 = arith.addf %add3A_62, %mul3A_69 : vector<8x256x128xf32>
    %slice3A_71 = vector.extract_strided_slice %slice3A_52 {offsets = [0, 1, 0], sizes = [8, 255, 128], strides = [1, 1, 1]} : vector<8x256x128xf32> to vector<8x255x128xf32>
    %concatenate3A_72 = tpu.concatenate %slice3A_71, %broadcast_in_dim3A_25 in 1 : vector<8x255x128xf32>, vector<8x1x128xf32> -> vector<8x256x128xf32>
    %get3A_73 = arith.constant 5 : index
    %get3A_74 = arith.constant 0 : index
    %get3A_75 = vector.load %arg2[%get3A_73, %get3A_74] : memref<9x128xf32, #tpu.memory_space<vmem>>, vector<1x128xf32>
    %get3A_76 = vector.shape_cast %get3A_75 : vector<1x128xf32> to vector<128xf32>
    %broadcast_in_dim3A_77 = vector.shape_cast %get3A_76 : vector<128xf32> to vector<1x1x128xf32>
    %mul3A_78 = vector.broadcast %broadcast_in_dim3A_77 : vector<1x1x128xf32> to vector<8x256x128xf32>
    %mul3A_79 = arith.mulf %concatenate3A_72, %mul3A_78 : vector<8x256x128xf32>
    %add3A_80 = arith.addf %add3A_70, %mul3A_79 : vector<8x256x128xf32>
    %slice3A_81 = vector.extract_strided_slice %concatenate3A {offsets = [2, 0, 0], sizes = [8, 256, 128], strides = [1, 1, 1]} : vector<10x256x128xf32> to vector<8x256x128xf32>
    %slice3A_82 = vector.extract_strided_slice %slice3A_81 {offsets = [0, 0, 0], sizes = [8, 255, 128], strides = [1, 1, 1]} : vector<8x256x128xf32> to vector<8x255x128xf32>
    %concatenate3A_83 = tpu.concatenate %broadcast_in_dim3A_25, %slice3A_82 in 1 : vector<8x1x128xf32>, vector<8x255x128xf32> -> vector<8x256x128xf32>
    %get3A_84 = arith.constant 6 : index
    %get3A_85 = arith.constant 0 : index
    %get3A_86 = vector.load %arg2[%get3A_84, %get3A_85] : memref<9x128xf32, #tpu.memory_space<vmem>>, vector<1x128xf32>
    %get3A_87 = vector.shape_cast %get3A_86 : vector<1x128xf32> to vector<128xf32>
    %broadcast_in_dim3A_88 = vector.shape_cast %get3A_87 : vector<128xf32> to vector<1x1x128xf32>
    %mul3A_89 = vector.broadcast %broadcast_in_dim3A_88 : vector<1x1x128xf32> to vector<8x256x128xf32>
    %mul3A_90 = arith.mulf %concatenate3A_83, %mul3A_89 : vector<8x256x128xf32>
    %add3A_91 = arith.addf %add3A_80, %mul3A_90 : vector<8x256x128xf32>
    %get3A_92 = arith.constant 7 : index
    %get3A_93 = arith.constant 0 : index
    %get3A_94 = vector.load %arg2[%get3A_92, %get3A_93] : memref<9x128xf32, #tpu.memory_space<vmem>>, vector<1x128xf32>
    %get3A_95 = vector.shape_cast %get3A_94 : vector<1x128xf32> to vector<128xf32>
    %broadcast_in_dim3A_96 = vector.shape_cast %get3A_95 : vector<128xf32> to vector<1x1x128xf32>
    %mul3A_97 = vector.broadcast %broadcast_in_dim3A_96 : vector<1x1x128xf32> to vector<8x256x128xf32>
    %mul3A_98 = arith.mulf %slice3A_81, %mul3A_97 : vector<8x256x128xf32>
    %add3A_99 = arith.addf %add3A_91, %mul3A_98 : vector<8x256x128xf32>
    %slice3A_100 = vector.extract_strided_slice %slice3A_81 {offsets = [0, 1, 0], sizes = [8, 255, 128], strides = [1, 1, 1]} : vector<8x256x128xf32> to vector<8x255x128xf32>
    %concatenate3A_101 = tpu.concatenate %slice3A_100, %broadcast_in_dim3A_25 in 1 : vector<8x255x128xf32>, vector<8x1x128xf32> -> vector<8x256x128xf32>
    %get3A_102 = arith.constant 8 : index
    %get3A_103 = arith.constant 0 : index
    %get3A_104 = vector.load %arg2[%get3A_102, %get3A_103] : memref<9x128xf32, #tpu.memory_space<vmem>>, vector<1x128xf32>
    %get3A_105 = vector.shape_cast %get3A_104 : vector<1x128xf32> to vector<128xf32>
    %broadcast_in_dim3A_106 = vector.shape_cast %get3A_105 : vector<128xf32> to vector<1x1x128xf32>
    %mul3A_107 = vector.broadcast %broadcast_in_dim3A_106 : vector<1x1x128xf32> to vector<8x256x128xf32>
    %mul3A_108 = arith.mulf %concatenate3A_101, %mul3A_107 : vector<8x256x128xf32>
    %add3A_109 = arith.addf %add3A_99, %mul3A_108 : vector<8x256x128xf32>
    %tanh3A = math.tanh %add3A_109 : vector<8x256x128xf32>
    %bitcast_convert_type3A = tpu.bitcast %tanh3A : vector<8x256x128xf32> -> vector<8x256x128xi32>
    %add3A_110 = arith.constant 32767 : i32
    %add3A_111 = vector.broadcast %add3A_110 : i32 to vector<8x256x128xi32>
    %add3A_112 = arith.addi %bitcast_convert_type3A, %add3A_111 : vector<8x256x128xi32>
    %shift_right_logical3A = arith.constant 16 : i32
    %shift_right_logical3A_113 = vector.broadcast %shift_right_logical3A : i32 to vector<8x256x128xi32>
    %shift_right_logical3A_114 = arith.shrui %bitcast_convert_type3A, %shift_right_logical3A_113 : vector<8x256x128xi32>
    %and3A = arith.constant 1 : i32
    %and3A_115 = vector.broadcast %and3A : i32 to vector<8x256x128xi32>
    %and3A_116 = arith.andi %shift_right_logical3A_114, %and3A_115 : vector<8x256x128xi32>
    %add3A_117 = arith.addi %add3A_112, %and3A_116 : vector<8x256x128xi32>
    %shift_right_logical3A_118 = arith.constant 16 : i32
    %shift_right_logical3A_119 = vector.broadcast %shift_right_logical3A_118 : i32 to vector<8x256x128xi32>
    %shift_right_logical3A_120 = arith.shrui %add3A_117, %shift_right_logical3A_119 : vector<8x256x128xi32>
    %reshape3A = vector.shape_cast %shift_right_logical3A_120 : vector<8x256x128xi32> to vector<8x128x2x128xi32>
    %slice3A_121 = vector.extract_strided_slice %reshape3A {offsets = [0, 0, 0, 0], sizes = [8, 128, 1, 128], strides = [1, 1, 1, 1]} : vector<8x128x2x128xi32> to vector<8x128x1x128xi32>
    %squeeze3A = vector.shape_cast %slice3A_121 : vector<8x128x1x128xi32> to vector<8x128x128xi32>
    %slice3A_122 = vector.extract_strided_slice %reshape3A {offsets = [0, 0, 1, 0], sizes = [8, 128, 1, 128], strides = [1, 1, 1, 1]} : vector<8x128x2x128xi32> to vector<8x128x1x128xi32>
    %squeeze3A_123 = vector.shape_cast %slice3A_122 : vector<8x128x1x128xi32> to vector<8x128x128xi32>
    %broadcast_in_dim3A_124 = arith.constant 0 : i32
    %broadcast_in_dim3A_125 = vector.broadcast %broadcast_in_dim3A_124 : i32 to vector<8x1x128xi32>
    %slice3A_126 = vector.extract_strided_slice %squeeze3A {offsets = [0, 1, 0], sizes = [8, 127, 128], strides = [1, 1, 1]} : vector<8x128x128xi32> to vector<8x127x128xi32>
    %concatenate3A_127 = tpu.concatenate %slice3A_126, %broadcast_in_dim3A_125 in 1 : vector<8x127x128xi32>, vector<8x1x128xi32> -> vector<8x128x128xi32>
    %shift_left3A = arith.constant 16 : i32
    %shift_left3A_128 = vector.broadcast %shift_left3A : i32 to vector<8x128x128xi32>
    %shift_left3A_129 = arith.shli %squeeze3A_123, %shift_left3A_128 : vector<8x128x128xi32>
    %or3A = arith.ori %squeeze3A, %shift_left3A_129 : vector<8x128x128xi32>
    %shift_left3A_130 = arith.constant 16 : i32
    %shift_left3A_131 = vector.broadcast %shift_left3A_130 : i32 to vector<8x128x128xi32>
    %shift_left3A_132 = arith.shli %concatenate3A_127, %shift_left3A_131 : vector<8x128x128xi32>
    %or3A_133 = arith.ori %squeeze3A_123, %shift_left3A_132 : vector<8x128x128xi32>
    %bitcast_convert_type3A_134 = tpu.bitcast %or3A : vector<8x128x128xi32> -> vector<8x128x128xi32>
    %swap3A = arith.constant 0 : index
    %swap3A_135 = arith.constant 0 : index
    %swap3A_136 = arith.constant 0 : index
    %swap3A_137 = arith.constant 0 : index
    %swap3A_138 = arith.constant 0 : index
    %swap3A_139 = vector.load %arg6[%swap3A, %swap3A_135, %swap3A_136, %swap3A_137, %swap3A_138] : memref<2x1x8x128x128xi32, #tpu.memory_space<vmem>>, vector<1x1x8x128x128xi32>
    %swap3A_140 = vector.shape_cast %swap3A_139 : vector<1x1x8x128x128xi32> to vector<8x128x128xi32>
    %swap3A_141 = vector.shape_cast %bitcast_convert_type3A_134 : vector<8x128x128xi32> to vector<1x1x8x128x128xi32>
    tpu.vector_store %arg6[%swap3A, %swap3A_135, %swap3A_136, %swap3A_137, %swap3A_138], %swap3A_141 {strides = array<i32>} : memref<2x1x8x128x128xi32, #tpu.memory_space<vmem>>, vector<1x1x8x128x128xi32>,
    %bitcast_convert_type3A_142 = tpu.bitcast %or3A_133 : vector<8x128x128xi32> -> vector<8x128x128xi32>
    %swap3A_143 = arith.constant 1 : index
    %swap3A_144 = arith.constant 0 : index
    %swap3A_145 = arith.constant 0 : index
    %swap3A_146 = arith.constant 0 : index
    %swap3A_147 = arith.constant 0 : index
    %swap3A_148 = vector.load %arg6[%swap3A_143, %swap3A_144, %swap3A_145, %swap3A_146, %swap3A_147] : memref<2x1x8x128x128xi32, #tpu.memory_space<vmem>>, vector<1x1x8x128x128xi32>
    %swap3A_149 = vector.shape_cast %swap3A_148 : vector<1x1x8x128x128xi32> to vector<8x128x128xi32>
    %swap3A_150 = vector.shape_cast %bitcast_convert_type3A_142 : vector<8x128x128xi32> to vector<1x1x8x128x128xi32>
    tpu.vector_store %arg6[%swap3A_143, %swap3A_144, %swap3A_145, %swap3A_146, %swap3A_147], %swap3A_150 {strides = array<i32>} : memref<2x1x8x128x128xi32, #tpu.memory_space<vmem>>, vector<1x1x8x128x128xi32>,
    return
  }
  func.func @transform_0(%arg0: i32, %arg1: i32) -> (i32, i32) {
    %c0_i32 = arith.constant 0 : i32
    %c0_i32_0 = arith.constant 0 : i32
    %c0_i32_1 = arith.constant 0 : i32
    return %c0_i32, %c0_i32_0 : i32, i32
  }
  func.func @transform_1(%arg0: i32, %arg1: i32) -> (i32, i32, i32, i32) {
    %mul3A = arith.constant 8 : i32
    %mul3A_0 = arith.muli %arg1, %mul3A : i32
    %sub3A = arith.constant 1 : i32
    %sub3A_1 = arith.subi %mul3A_0, %sub3A : i32
    %max3A = arith.constant 0 : i32
    %max3A_2 = arith.maxsi %sub3A_1, %max3A : i32
    %c0_i32 = arith.constant 0 : i32
    %c0_i32_3 = arith.constant 0 : i32
    %c0_i32_4 = arith.constant 0 : i32
    return %arg0, %max3A_2, %c0_i32, %c0_i32_3 : i32, i32, i32, i32
  }
  func.func @transform_2(%arg0: i32, %arg1: i32) -> (i32, i32, i32, i32) {
    %c0_i32 = arith.constant 0 : i32
    %c0_i32_0 = arith.constant 0 : i32
    %c0_i32_1 = arith.constant 0 : i32
    return %arg0, %arg1, %c0_i32, %c0_i32_0 : i32, i32, i32, i32
  }
  func.func @transform_3(%arg0: i32, %arg1: i32) -> (i32, i32, i32, i32) {
    %mul3A = arith.constant 8 : i32
    %mul3A_0 = arith.muli %arg1, %mul3A : i32
    %add3A = arith.constant 8 : i32
    %add3A_1 = arith.addi %mul3A_0, %add3A : i32
    %min3A = arith.constant 255 : i32
    %min3A_2 = arith.minsi %add3A_1, %min3A : i32
    %c0_i32 = arith.constant 0 : i32
    %c0_i32_3 = arith.constant 0 : i32
    %c0_i32_4 = arith.constant 0 : i32
    return %arg0, %min3A_2, %c0_i32, %c0_i32_3 : i32, i32, i32, i32
  }
  func.func @transform_4(%arg0: i32, %arg1: i32) -> (i32, i32, i32, i32, i32) {
    %c0_i32 = arith.constant 0 : i32
    %c0_i32_0 = arith.constant 0 : i32
    %c0_i32_1 = arith.constant 0 : i32
    %c0_i32_2 = arith.constant 0 : i32
    return %c0_i32, %arg0, %arg1, %c0_i32_0, %c0_i32_1 : i32, i32, i32, i32, i32
  }
}

</mosaic_0001>

<sc_bundles>
// kernel: kernel.5.cloned.1.call-start
scs
__scs_entry_jumppad:
0x0: {  	(pc) =	sbr.rel $0x88, $3  }
0x1: {  	(tag) =	ssettag $0x0;
	lr =	simm.s32 $0x1  }
0x2: {  	[smem:$0x3F9D] =	sst lr;
	_ =	strace $0xD0000000  }
0x3: {  	_ = 	snop  }
0x4: {  	_ = 	snop  }
0x5: {  	_ = 	snop  }
0x6: {  	_ = 	snop  }
0x7: {  	_ = 	snop  }
__scs_overlays_trampoline_lowered:
0x8: {  	[smem:$0x3FAC] =	sst s0  }
0x9: {  	[smem:$0x3FAD] =	sst s1  }
0xa: {  	[smem:$0x3FAE] =	sst s2  }
0xb: {  	[smem:$0x3FAF] =	sst s3  }
0xc: {  	[smem:$0x3FB0] =	sst s4  }
0xd: {  	[smem:$0x3FB1] =	sst s5  }
0xe: {  	[smem:$0x3FB2] =	sst s6  }
0xf: {  	[smem:$0x3FB3] =	sst s7  }
0x10: {  	[smem:$0x3FB4] =	sst s8  }
0x11: {  	[smem:$0x3FB5] =	sst s9;
	s0 =	simm.s32 @!p0 $0x0  }
0x12: {  	s1 =	sld [smem:$0x3F9B];
	s0 =	simm.s32 @p0 $0x1  }
0x13: {  	[smem:$0x3FB6] =	sst s0;
	s0 =	simm.s32 @!p1 $0x0  }
0x14: {  	s2 =	sld [smem:$0x3F9A];
	s0 =	simm.s32 @p1 $0x1  }
0x15: {  	[smem:$0x3FB7] =	sst s0;
	s0 =	simm.s32 @!p2 $0x0  }
0x16: {  	s3 =	sld [smem:$0x3FDB];
	s0 =	simm.s32 @p2 $0x1  }
0x17: {  	s4 =	simm.s32 $0x1BF5;
	[smem:$0x3FB9] =	sst s0  }
0x18: {  	s0 =	sld [smem:$0x3F9C];
	_ =	swait.ge [sflag:s4], $0x0  }
0x19: {  	s7 =	sld [smem:$0x3F9D]  }
0x1a: {  	s8 =	sadd.s32 $0xFFFFE003, lr  }
0x1b: {  	s9 =	sadd.s32 $0xFFFFFEF7, lr;
	s5 =	simm.s32 $0xFFFFFFFF;
	p2 =	slt.u32 s8, $0xFFFFF086  }
0x1c: {  	p1 =	slt.u32 s9, $0xF7A;
	s5 =	simm.s32 @!p2 $0x0  }
0x1d: {  	s5 =	simm.s32 @p1 $0x1;
	p0 =	seq.s32 s7, s2  }
0x1e: {  	s7 =	smul.u32 @!p0 $0xF7A, s2;
	p2 =	seq.s32 @!p0 s5, $0x0  }
0x1f: {  	s9 =	smul.u32 $0xF7A, s1;
	s8 =	simm.s32 @!p0 $0x1BF5;
	p2 =	por !p2, p0  }
0x20: {  	[sflag:s8] =	ssyncset.s32 @!p0 $0xFFFFF086;
	s6 =	sadd.s32 @!p0 s3, s7;
	s7 =	simm.s32 @!p0 $0x108  }
0x21: {  	s3 =	sadd.s32 s3, s9;
	s6 =	sadd.s32 @!p0 $0x88, s6;
	s7 =	simm.s32 @p2 $0x1082  }
0x22: {  	[simem:s7], [sflag:s8] =	dma.local @!p0 [hbm:s6], $0xF7A  }
0x23: {  	s9 =	sor.u32 $0xD0000000, s2;
	s6 =	simm.s32 $0x108;
	_ =	swait.ge @!p0 [sflag:s8], $0x0  }
0x24: {  	s3 =	sadd.s32 $0x88, s3;
	s6 =	simm.s32 @!p1 $0x1082;
	[sflag:s4] =	ssyncset.s32 $0xFFFFF086  }
0x25: {  	[simem:s6], [sflag:s4] =	dma.local [hbm:s3], $0xF7A  }
0x26: {  	[smem:$0x3F9D] =	sst s1;
	(tag) =	ssettag s2;
	_ =	strace s9  }
0x27: {  	s1 =	sld [smem:$0x3FAD]  }
0x28: {  	s2 =	sld [smem:$0x3FAE]  }
0x29: {  	s4 =	sld [smem:$0x3FB0]  }
0x2a: {  	p0 =	seq.s32 s5, $0x0;
	s5 =	sld [smem:$0x3FB1]  }
0x2b: {  	s6 =	sld [smem:$0x3FB2]  }
0x2c: {  	s7 =	sld [smem:$0x3FB3]  }
0x2d: {  	s3 =	simm.s32 $0x108;
	s8 =	sld [smem:$0x3FB4]  }
0x2e: {  	s3 =	simm.s32 @!p0 $0x1082;
	s9 =	sld [smem:$0x3FB5]  }
0x2f: {  	lr =	sadd.s32 s0, s3;
	s0 =	sld [smem:$0x3FAC]  }
0x30: {  	s3 =	sld [smem:$0x3FAF]  }
0x31: {  	[smem:$0x3FB8] =	sst s10  }
0x32: {  	s10 =	sld [smem:$0x3FB6];
	_ =	sdelay $0x3  }
0x33: {  	p0 =	seq.s32 s10, $0x1;
	s10 =	sld [smem:$0x3FB8];
	_ =	sdelay $0x3  }
0x34: {  	[smem:$0x3FB8] =	sst s10  }
0x35: {  	s10 =	sld [smem:$0x3FB7];
	_ =	sdelay $0x3  }
0x36: {  	p1 =	seq.s32 s10, $0x1;
	s10 =	sld [smem:$0x3FB8];
	_ =	sdelay $0x3  }
0x37: {  	[smem:$0x3FB8] =	sst s10  }
0x38: {  	s10 =	sld [smem:$0x3FB9]  }
0x39: {  	_ = 	snop;
	(pc) =	sbr.ind lr, $3  }
0x3a: {  	_ = 	snop  }
0x3b: {  	_ = 	snop  }
0x3c: {  	p2 =	seq.s32 s10, $0x1;
	s10 =	sld [smem:$0x3FB8]  }
0x3d: {  	_ =	shalt  }
0x3e: {  	_ =	shalt  }
0x3f: {  	_ =	shalt  }
0x40: {  	_ =	shalt  }
0x41: {  	_ =	shalt  }
0x42: {  	_ =	shalt  }
0x43: {  	_ =	shalt  }
0x44: {  	_ =	shalt  }
0x45: {  	_ =	shalt  }
0x46: {  	_ =	shalt  }
0x47: {  	_ =	shalt  }
0x48: {  	_ =	shalt  }
0x49: {  	_ =	shalt  }
0x4a: {  	_ =	shalt  }
0x4b: {  	_ =	shalt  }
0x4c: {  	_ =	shalt  }
0x4d: {  	_ =	shalt  }
0x4e: {  	_ =	shalt  }
0x4f: {  	_ =	shalt  }
0x50: {  	_ =	shalt  }
0x51: {  	_ =	shalt  }
0x52: {  	_ =	shalt  }
0x53: {  	_ =	shalt  }
0x54: {  	_ =	shalt  }
0x55: {  	_ =	shalt  }
0x56: {  	_ =	shalt  }
0x57: {  	_ =	shalt  }
0x58: {  	_ =	shalt  }
0x59: {  	_ =	shalt  }
0x5a: {  	_ =	shalt  }
0x5b: {  	_ =	shalt  }
0x5c: {  	_ =	shalt  }
0x5d: {  	_ =	shalt  }
0x5e: {  	_ =	shalt  }
0x5f: {  	_ =	shalt  }
0x60: {  	_ =	shalt  }
0x61: {  	_ =	shalt  }
0x62: {  	_ =	shalt  }
0x63: {  	_ =	shalt  }
0x64: {  	_ =	shalt  }
0x65: {  	_ =	shalt  }
0x66: {  	_ =	shalt  }
0x67: {  	_ =	shalt  }
0x68: {  	_ =	shalt  }
0x69: {  	_ =	shalt  }
0x6a: {  	_ =	shalt  }
0x6b: {  	_ =	shalt  }
0x6c: {  	_ =	shalt  }
0x6d: {  	_ =	shalt  }
0x6e: {  	_ =	shalt  }
0x6f: {  	_ =	shalt  }
0x70: {  	_ =	shalt  }
0x71: {  	_ =	shalt  }
0x72: {  	_ =	shalt  }
0x73: {  	_ =	shalt  }
0x74: {  	_ =	shalt  }
0x75: {  	_ =	shalt  }
0x76: {  	_ =	shalt  }
0x77: {  	_ =	shalt  }
0x78: {  	_ =	shalt  }
0x79: {  	_ =	shalt  }
0x7a: {  	_ =	shalt  }
0x7b: {  	_ =	shalt  }
0x7c: {  	_ =	shalt  }
0x7d: {  	_ =	shalt  }
0x7e: {  	_ =	shalt  }
0x7f: {  	_ =	shalt  }
0x80: {  	_ =	shalt  }
0x81: {  	_ =	shalt  }
0x82: {  	_ =	shalt  }
0x83: {  	_ =	shalt  }
0x84: {  	_ =	shalt  }
0x85: {  	_ =	shalt  }
0x86: {  	_ =	shalt  }
0x87: {  	_ =	shalt  }
.Lfunc_end0:
.L_simem_size_0:
called_computation_lowered:
.L_overlay_start_0:
0x88: {  	s2 =	sld [smem:$0x3FD9]  }
0x89: {  	s3 =	sld [smem:$0x3FFE];
	_ =	sdelay $0x1  }
0x8a: {  	s1 =	srdreg.scid  }
0x8b: {  	s0 =	sand.u32 $0x1, s1  }
0x8c: {  	s17 =	sshll.u32 s0, $0xA;
	s2 =	sadd.s32 s3, s2  }
0x8d: {  	s2 =	sadd.s32 s2, s17  }
0x8e: {  	[smem:$0x3FC4] =	sst s2  }
0x8f: {  	_ = 	snop  }
0x90: {  	s2 =	sld [smem:$0x3FD0];
	(tm) =	ssettm $0x1  }
0x91: {  	s18 =	sld [smem:$0x3FFB];
	_ =	sdelay $0x3  }
0x92: {  	_ =	strace s18  }
0x93: {  	s3 =	sld [smem:$0x3FFC];
	_ =	sdelay $0x3  }
0x94: {  	_ =	strace s3  }
0x95: {  	s3 =	sld [smem:$0x3FFD];
	_ =	sdelay $0x3  }
0x96: {  	_ =	strace s3  }
0x97: {  	_ =	strace $0x8FFFFFFF  }
0x98: {  	s19 =	sld [smem:$0x3FDB];
	_ =	sdelay $0x1  }
0x99: {  	s4 =	simm.s32 $_scs_section_size  }
0x9a: {  	s5 =	simm.s32 $_size__tile_overlayer_lowered;
	s6 =	simm.s32 $_tile_overlayer_lowered  }
0x9b: {  	s22 =	simm.s32 $0x1BFF;
	s21 =	sshll.u32 s6, $0x1;
	s3 =	sadd.s32 s4, s19  }
0x9c: {  	s7 =	simm.s32 $0x0;
	s20 =	sshll.u32 s5, $0x1;
	s5 =	sadd.s32 s21, s3  }
0x9d: {  	[timem:s7], [sflag:s22] =	dma.local [hbm:s5], s20  }
0x9e: {  	_ =	swait.ge [sflag:s22], s20  }
0x9f: {  	s4 =	ssub.s32 $0x0, s20;
	[sflag:s22] =	ssyncset.done $0x0  }
0xa0: {  	[sflag:s22] =	ssyncadd.s32 s4;
	_ =	sdelay $0x1  }
0xa1: {  	s23 =	simm.s32 $0x1B8B  }
0xa2: {  	_ =	swait.ge [sflag:s23], $0x1  }
0xa3: {  	[sflag:s23] =	ssyncset.done $0x0  }
0xa4: {  	s25 =	simm.s32 $0x1B8E;
	s24 =	sld [smem:$0x3FFE];
	[sflag:s23] =	ssyncadd.s32 $0xFFFFFFFF  }
0xa5: {  	s26 =	simm.s32 $execute0_lowered;
	[smem:$0x3FD2] =	sst s25  }
0xa6: {  	s5 =	sshll.u32 s26, $0x1;
	_ =	strace $0x80000046;
	[dreg:$0x1] =	wrdreg $0xFFFFFFFF  }
0xa7: {  	s28 =	simm.s32 $_size_execute0_lowered;
	s3 =	sadd.s32 s3, s5;
	[dreg:$0x0] =	wrdreg $0x0  }
0xa8: {  	s5 =	sshll.u32 s28, $0x1;
	[dreg:$0x2] =	wrdreg s3  }
0xa9: {  	[dreg:$0x3] =	wrdreg s5  }
0xaa: {  	[dreg:$0x4] =	wrdreg $0xC0  }
0xab: {  	_ =	task [dreg:s7], $0x5FFFF  }
0xac: {  	[dreg:$0x1] =	wrdreg $0xFFFFFFFF  }
0xad: {  	[dreg:$0x0] =	wrdreg $0x60  }
0xae: {  	[dreg:$0x2] =	wrdreg s24  }
0xaf: {  	[dreg:$0x3] =	wrdreg s2  }
0xb0: {  	[dreg:$0x4] =	wrdreg $0x9  }
0xb1: {  	_ =	task.clear_ibuf [dreg:s7], $0x5FFFF;
	_ =	strace $0x90000046  }
0xb2: {  	s29 =	simm.s32 $0x9;
	_ =	strace $0x80000048  }
0xb3: {  	_ =	swait.ge [sflag:s29], $0x1  }
0xb4: {  	[sflag:s29] =	ssyncadd.s32 $0xFFFFFFFF  }
0xb5: {  	_ =	strace $0x90000048  }
0xb6: {  	_ =	sfence  }
0xb7: {  	s30 =	sld [smem:$0x0];
	_ =	sdelay $0x2  }
0xb8: {  	s31 =	sshll.u32 s1, $0xD;
	s1 =	sshrl.u32 s1, $0x2  }
0xb9: {  	s3 =	sand.u32 $0x4000, s31;
	s1 =	sadd.s32 s1, s30  }
0xba: {  	s0 =	sor.u32 s3, s0;
	s1 =	sshll.u32 s1, $0x11  }
0xbb: {  	s0 =	sor.u32 s1, s0  }
0xbc: {  	s0 =	sadd.s32 $0x8F2B, s0  }
0xbd: {  	[sflag:s0] =	ssyncadd.remote.s32 $0x1  }
0xbe: {  	_ =	sfence.sel $0xFFFF  }
0xbf: {  	[dreg:$0x0] =	wrdreg $0xFFFFFFFF;
	(pc) =	sbr.abs _section_cstart, $3  }
0xc0: {  	[dreg:$0x1] =	wrdreg $0xFFFFFFFF  }
0xc1: {  	_ =	task.clear_ibuf [dreg:s7], $0x2FFFF;
	_ =	strace $0x9FFFFFFF  }
0xc2: {  	(tm) =	ssettm $0x7FFFFFFF  }
0xc3: {  	_ =	shalt  }
tec
execute0_lowered:
.L_overlay_start_1:
0x0: {  	(tag) =	ssettag $0x1  }
0x1: {  	s0 =	rddreg [dreg:$0x0]  }
0x2: {  	s1 =	rddreg [dreg:$0x1];
	s2 =	simm.s32 $0x0;
	s3 =	srdreg.scid  }
0x3: {  	s5 =	stileid.u32;
	s10 =	simm.s32 $0x4;
	s11 =	simm.s32 $0x4000  }
0x4: {  	s12 =	simm.s32 $0x6000;
	s13 =	simm.s32 $0x80;
	s14 =	simm.s32 $0x8000  }
0x5: {  	s15 =	simm.s32 $0xC000;
	s16 =	simm.s32 $0x1;
	s17 =	simm.s32 $0x2  }
0x6: {  	s18 =	simm.s32 $0x3;
	s19 =	simm.s32 $0x0;
	[smem:$0x7FF] =	sst s2  }
0x7: {  	s4 =	sand.u32 $0x1, s3;
	s29 =	sshll.u32 s5, $0x1;
	s3 =	sadd.s32 $0x600, s0  }
0x8: {  	_ =	strace $0x80000047;
	s5 =	sor.u32 s4, s29;
	s31 =	ssub.s32 $0x2, s4  }
0x9: {  	s6 =	sshll.u32 s5, $0xB;
	s8 =	sshll.u32 s5, $0x10;
	s7 =	sshrl.u32 s31, $0x1  }
0xa: {  	s30 =	sadd.s32 s6, s0;
	s0 =	sadd.s32 s8, s0;
	s9 =	ssub.s32 s31, s7  }
0xb: {  	s8 =	sadd.s32 s1, s8;
	s4 =	sadd.s32 $0x200600, s30;
	s5 =	sadd.s32 $0x210600, s0  }
0xc: {  	s6 =	sadd.s32 $0x210A00, s0;
	s7 =	sadd.s32 $0x210E00, s0;
	s9 =	smax.u32 s9, $0x1  }
.LBB2_1:
0xd: {  	[tilespmem:s2], [sflag:$0x4] =	stream.linear.gather [hbm4b:s4+s2], $0x4000, $0x38;
	[tilespmem:$0x1C000] =	vst v63  }
0xe: {  	_ =	swait.ge [sflag:s10], $0x4000  }
0xf: {  	[sflag:s10] =	ssyncset.done $0x0  }
0x10: {  	[sflag:s10] =	ssyncadd.s32 $0xFFFFC000  }
0x11: {  	[tilespmem:s11], [sflag:$0x1] =	stream.linear.gather [hbm4b:s5+s2], $0x2000, $0x38;
	[tilespmem:$0x1C000] =	vst v63  }
0x12: {  	_ = 	snop  }
0x13: {  	[tilespmem:s12], [sflag:$0x1] =	stream.linear.gather [hbm4b:s6+s2], $0x2000, $0x38;
	[tilespmem:$0x1C000] =	vst v63  }
0x14: {  	_ = 	snop  }
0x15: {  	[tilespmem:s14], [sflag:$0x2] =	stream.indirect.gather [hbm4b:s3+s13], $0x80, s2, s13, $0xb8;
	[tilespmem:$0x1C000] =	vst v63  }
0x16: {  	p0 =	por $0x0, $0x0;
	s21 =	simm.s32 $0x0  }
0x17: {  	[tilespmem:s15], [sflag:$0x2] =	stream.indirect.gather [hbm4b:s3+s13], $0x80, s13, s13, $0xb8;
	[tilespmem:$0x1C000] =	vst v63  }
.LBB2_2:
0x18: {  	s22 =	sand.u32 $0x1, s21;
	p1 =	seq.s32 s21, $0x3F  }
0x19: {  	s20 =	sadd.s32 $0x1, s21;
	s0 =	sshll.u32 @!p1 s22, $0xF  }
0x1a: {  	s1 =	sshll.u32 @!p1 s20, $0x8;
	s0 =	sxor.u32 @!p1 $0x8000, s0  }
0x1b: {  	s24 =	simm.s32 @!p1 $0x80;
	s1 =	sand.u32 @!p1 $0x3FFFFF00, s1;
	s23 =	sadd.s32 @!p1 $0x8000, s0  }
0x1c: {  	[tilespmem:s23], [sflag:$0x2] =	stream.indirect.gather @!p1 [hbm4b:s3+s24], $0x80, s1, s24, $0xb8;
	[tilespmem:$0x1C000] =	vst v63  }
0x1d: {  	s0 =	sadd.s32 @!p1 $0xC000, s0;
	s1 =	sor.u32 @!p1 $0x80, s1  }
0x1e: {  	[tilespmem:s0], [sflag:$0x2] =	stream.indirect.gather @!p1 [hbm4b:s3+s24], $0x80, s1, s24, $0xb8;
	[tilespmem:$0x1C000] =	vst v63  }
0x1f: {  	_ =	swait.ge [sflag:s17], $0x4000  }
0x20: {  	[sflag:s17] =	ssyncset.done $0x0  }
0x21: {  	[sflag:s17] =	ssyncadd.s32 $0xFFFFC000  }
0x22: {  	_ =	swait.ge [sflag:s17], $0x4000  }
0x23: {  	p1 =	slt.u32 s21, $0x2;
	[sflag:s17] =	ssyncset.done $0x0  }
0x24: {  	s0 =	simm.s32 @!p1 $0x3;
	[sflag:s17] =	ssyncadd.s32 $0xFFFFC000  }
0x25: {  	_ =	swait.ge @!p1 [sflag:s0], $0x2000  }
0x26: {  	[sflag:s0] =	ssyncset.done @!p1 $0x0  }
0x27: {  	s1 =	simm.s32 $0x1;
	[sflag:s0] =	ssyncadd.s32 @!p1 $0xFFFFE000  }
0x28: {  	s1 =	simm.s32 @!p0 $0x0;
	_ =	swait.ge [sflag:s16], $0x2000  }
0x29: {  	s25 =	sshll.u32 s1, $0xF;
	[sflag:s16] =	ssyncset.done $0x0  }
0x2a: {  	s1 =	sshrl.u32 s25, $0x2;
	s28 =	sadd.s32 $0x8200, s25;
	[sflag:s16] =	ssyncadd.s32 $0xFFFFE000  }
0x2b: {  	s26 =	sor.u32 $0x4080, s1;
	v0 =	vld [tilespmem:s28+$0x0]  }
0x2c: {  	v10 =	vld [tilespmem:s26+$0x0];
	_ =	sdelay $0x1  }
0x2d: {  	v9 =	vld [tilespmem:s26+$0x10]  }
0x2e: {  	v1 =	vld [tilespmem:s28+$0x80]  }
0x2f: {  	v8 =	vld [tilespmem:s26+$0x20];
	v2 =	vunpack.i.l.bf16.f32 v0  }
0x30: {  	v2 =	vmul.f32 v2, v10  }
0x31: {  	v7 =	vld [tilespmem:s26+$0x30];
	v0 =	vunpack.i.u.bf16.f32 v0  }
0x32: {  	v11 =	vld [tilespmem:s28+$0x100];
	v0 =	vmul.f32 v0, v9;
	v2 =	vadd.f32 $0.0e+00, v2  }
0x33: {  	v6 =	vld [tilespmem:s26+$0x40];
	v3 =	vunpack.i.l.bf16.f32 v1  }
0x34: {  	v0 =	vadd.f32 v2, v0;
	v2 =	vmul.f32 v3, v8  }
0x35: {  	v5 =	vld [tilespmem:s26+$0x50];
	v1 =	vunpack.i.u.bf16.f32 v1  }
0x36: {  	v1 =	vmul.f32 v1, v7;
	v0 =	vadd.f32 v2, v0;
	v2 =	vld [tilespmem:s28+$0x180]  }
0x37: {  	v4 =	vld [tilespmem:s26+$0x60];
	v3 =	vunpack.i.l.bf16.f32 v11  }
0x38: {  	v0 =	vadd.f32 v0, v1;
	v1 =	vmul.f32 v3, v6  }
0x39: {  	v11 =	vunpack.i.u.bf16.f32 v11;
	v3 =	vld [tilespmem:s26+$0x70]  }
0x3a: {  	v0 =	vadd.f32 v1, v0;
	v1 =	vmul.f32 v11, v5  }
0x3b: {  	v11 =	vunpack.i.l.bf16.f32 v2  }
0x3c: {  	v0 =	vadd.f32 v0, v1;
	v1 =	vmul.f32 v11, v4  }
0x3d: {  	v2 =	vunpack.i.u.bf16.f32 v2  }
0x3e: {  	v0 =	vadd.f32 v1, v0;
	v1 =	vmul.f32 v2, v3;
	_ =	sdelay $0x1  }
0x3f: {  	v0 =	vadd.f32 v0, v1  }
0x40: {  	s23 =	sor.u32 $0x18080, s1  }
0x41: {  	[tilespmem:s23+$0x0] =	vst v0  }
0x42: {  	v0 =	vld [tilespmem:s28+$0x10];
	_ =	sdelay $0x3  }
0x43: {  	v1 =	vld [tilespmem:s28+$0x90]  }
0x44: {  	v2 =	vunpack.i.l.bf16.f32 v0  }
0x45: {  	v2 =	vmul.f32 v2, v10  }
0x46: {  	v0 =	vunpack.i.u.bf16.f32 v0  }
0x47: {  	v11 =	vld [tilespmem:s28+$0x110];
	v0 =	vmul.f32 v0, v9;
	v2 =	vadd.f32 $0.0e+00, v2  }
0x48: {  	v12 =	vunpack.i.l.bf16.f32 v1  }
0x49: {  	v0 =	vadd.f32 v2, v0;
	v2 =	vmul.f32 v12, v8  }
0x4a: {  	v1 =	vunpack.i.u.bf16.f32 v1  }
0x4b: {  	v1 =	vmul.f32 v1, v7;
	v0 =	vadd.f32 v2, v0;
	v2 =	vld [tilespmem:s28+$0x190]  }
0x4c: {  	v12 =	vunpack.i.l.bf16.f32 v11  }
0x4d: {  	v0 =	vadd.f32 v0, v1;
	v1 =	vmul.f32 v12, v6  }
0x4e: {  	v11 =	vunpack.i.u.bf16.f32 v11  }
0x4f: {  	v0 =	vadd.f32 v1, v0;
	v1 =	vmul.f32 v11, v5  }
0x50: {  	v11 =	vunpack.i.l.bf16.f32 v2  }
0x51: {  	v0 =	vadd.f32 v0, v1;
	v1 =	vmul.f32 v11, v4  }
0x52: {  	v2 =	vunpack.i.u.bf16.f32 v2  }
0x53: {  	v11 =	vld [tilespmem:s28+$0xFFFFFE00];
	v0 =	vadd.f32 v1, v0;
	v1 =	vmul.f32 v2, v3  }
0x54: {  	v18 =	vld [tilespmem:s26+$0xFFFFFF80]  }
0x55: {  	v17 =	vld [tilespmem:s26+$0xFFFFFF90];
	v0 =	vadd.f32 v0, v1  }
0x56: {  	v16 =	vld [tilespmem:s26+$0xFFFFFFA0]  }
0x57: {  	v1 =	vld [tilespmem:s28+$0xFFFFFE80];
	[tilespmem:s23+$0x10] =	vst v0  }
0x58: {  	v0 =	vunpack.i.l.bf16.f32 v11;
	v2 =	vld [tilespmem:s28+$0x20]  }
0x59: {  	v15 =	vld [tilespmem:s26+$0xFFFFFFB0];
	v0 =	vmul.f32 v0, v18  }
0x5a: {  	v14 =	vld [tilespmem:s26+$0xFFFFFFC0];
	v11 =	vunpack.i.u.bf16.f32 v11  }
0x5b: {  	v12 =	vld [tilespmem:s28+$0xFFFFFF00];
	v11 =	vmul.f32 v11, v17;
	v0 =	vadd.f32 $0.0e+00, v0  }
0x5c: {  	v20 =	vld [tilespmem:s28+$0xA0];
	v19 =	vunpack.i.l.bf16.f32 v1  }
0x5d: {  	v13 =	vld [tilespmem:s26+$0xFFFFFFD0];
	v0 =	vadd.f32 v0, v11;
	v11 =	vmul.f32 v19, v16;
	v19 =	vunpack.i.l.bf16.f32 v2  }
0x5e: {  	v21 =	vld [tilespmem:s28+$0xFFFFFF80];
	v1 =	vunpack.i.u.bf16.f32 v1;
	v19 =	vmul.f32 v19, v10  }
0x5f: {  	v23 =	vld [tilespmem:s28+$0x120];
	v1 =	vmul.f32 v1, v15;
	v2 =	vunpack.i.u.bf16.f32 v2;
	v0 =	vadd.f32 v11, v0  }
0x60: {  	v22 =	vunpack.i.l.bf16.f32 v12;
	v11 =	vld [tilespmem:s26+$0xFFFFFFE0];
	v2 =	vmul.f32 v2, v9;
	v19 =	vadd.f32 $0.0e+00, v19  }
0x61: {  	v22 =	vmul.f32 v22, v14;
	v0 =	vadd.f32 v0, v1;
	v1 =	vunpack.i.l.bf16.f32 v20  }
0x62: {  	v24 =	vunpack.i.u.bf16.f32 v12;
	v1 =	vmul.f32 v1, v8;
	v2 =	vadd.f32 v19, v2  }
0x63: {  	v12 =	vld [tilespmem:s26+$0xFFFFFFF0];
	v20 =	vunpack.i.u.bf16.f32 v20;
	v19 =	vmul.f32 v24, v13;
	v0 =	vadd.f32 v22, v0  }
0x64: {  	v22 =	vunpack.i.l.bf16.f32 v21;
	v1 =	vadd.f32 v1, v2;
	v2 =	vmul.f32 v20, v7;
	v20 =	vld [tilespmem:s28+$0x1A0]  }
0x65: {  	v0 =	vadd.f32 v0, v19;
	v19 =	vmul.f32 v22, v11;
	v22 =	vunpack.i.l.bf16.f32 v23  }
0x66: {  	v1 =	vadd.f32 v1, v2;
	v2 =	vmul.f32 v22, v6  }
0x67: {  	v21 =	vunpack.i.u.bf16.f32 v21;
	v0 =	vadd.f32 v19, v0;
	v19 =	vunpack.i.u.bf16.f32 v23  }
0x68: {  	v21 =	vmul.f32 v21, v12;
	v1 =	vadd.f32 v2, v1;
	v2 =	vmul.f32 v19, v5  }
0x69: {  	v19 =	vunpack.i.l.bf16.f32 v20  }
0x6a: {  	v0 =	vadd.f32 v0, v21;
	v1 =	vadd.f32 v1, v2;
	v2 =	vmul.f32 v19, v4  }
0x6b: {  	v19 =	vunpack.i.u.bf16.f32 v20  }
0x6c: {  	[tilespmem:s23+$0xFFFFFF80] =	vst v0;
	v0 =	vadd.f32 v2, v1;
	v1 =	vmul.f32 v19, v3  }
0x6d: {  	v2 =	vld [tilespmem:s28+$0xFFFFFE10]  }
0x6e: {  	v0 =	vadd.f32 v0, v1;
	_ =	sdelay $0x1  }
0x6f: {  	v1 =	vld [tilespmem:s28+$0xFFFFFE90];
	[tilespmem:s23+$0x20] =	vst v0  }
0x70: {  	v0 =	vld [tilespmem:s28+$0x30]  }
0x71: {  	v19 =	vunpack.i.l.bf16.f32 v2  }
0x72: {  	v20 =	vld [tilespmem:s28+$0xFFFFFF10];
	v19 =	vmul.f32 v19, v18  }
0x73: {  	v2 =	vunpack.i.u.bf16.f32 v2  }
0x74: {  	v21 =	vld [tilespmem:s28+$0xB0];
	v2 =	vmul.f32 v2, v17;
	v19 =	vadd.f32 $0.0e+00, v19  }
0x75: {  	v22 =	vunpack.i.l.bf16.f32 v1;
	v1 =	vunpack.i.u.bf16.f32 v1;
	v23 =	vunpack.i.l.bf16.f32 v0  }
0x76: {  	v24 =	vld [tilespmem:s28+$0xFFFFFF90];
	v22 =	vmul.f32 v22, v16;
	v2 =	vadd.f32 v19, v2;
	v19 =	vmul.f32 v23, v10  }
0x77: {  	v1 =	vmul.f32 v1, v15;
	v0 =	vunpack.i.u.bf16.f32 v0;
	v23 =	vunpack.i.l.bf16.f32 v20  }
0x78: {  	v0 =	vmul.f32 v0, v9;
	v2 =	vadd.f32 v22, v2;
	v22 =	vld [tilespmem:s28+$0x130];
	v19 =	vadd.f32 $0.0e+00, v19  }
0x79: {  	v25 =	vunpack.i.l.bf16.f32 v21;
	v20 =	vunpack.i.u.bf16.f32 v20;
	v23 =	vmul.f32 v23, v14  }
0x7a: {  	v1 =	vadd.f32 v2, v1;
	v2 =	vmul.f32 v25, v8;
	v0 =	vadd.f32 v19, v0  }
0x7b: {  	v21 =	vunpack.i.u.bf16.f32 v21;
	v20 =	vmul.f32 v20, v13;
	v19 =	vunpack.i.l.bf16.f32 v24  }
0x7c: {  	v1 =	vadd.f32 v23, v1;
	v0 =	vadd.f32 v2, v0;
	v2 =	vmul.f32 v21, v7;
	v21 =	vld [tilespmem:s28+$0x1B0]  }
0x7d: {  	v19 =	vmul.f32 v19, v11;
	v23 =	vunpack.i.u.bf16.f32 v24;
	v24 =	vunpack.i.l.bf16.f32 v22  }
0x7e: {  	v1 =	vadd.f32 v1, v20;
	v0 =	vadd.f32 v0, v2;
	v2 =	vmul.f32 v24, v6  }
0x7f: {  	v22 =	vunpack.i.u.bf16.f32 v22;
	v20 =	vmul.f32 v23, v12  }
0x80: {  	v1 =	vadd.f32 v19, v1;
	v0 =	vadd.f32 v2, v0;
	v2 =	vmul.f32 v22, v5  }
0x81: {  	v19 =	vunpack.i.l.bf16.f32 v21  }
0x82: {  	v1 =	vadd.f32 v1, v20;
	v0 =	vadd.f32 v0, v2;
	v2 =	vmul.f32 v19, v4  }
0x83: {  	v19 =	vunpack.i.u.bf16.f32 v21  }
0x84: {  	[tilespmem:s23+$0xFFFFFF90] =	vst v1;
	v1 =	vmul.f32 v19, v3;
	v0 =	vadd.f32 v2, v0  }
0x85: {  	v2 =	vld [tilespmem:s28+$0xFFFFFE20]  }
0x86: {  	v0 =	vadd.f32 v0, v1;
	_ =	sdelay $0x1  }
0x87: {  	v1 =	vld [tilespmem:s28+$0xFFFFFEA0];
	[tilespmem:s23+$0x30] =	vst v0  }
0x88: {  	v0 =	vld [tilespmem:s28+$0x40]  }
0x89: {  	v19 =	vunpack.i.l.bf16.f32 v2  }
0x8a: {  	v20 =	vld [tilespmem:s28+$0xFFFFFF20];
	v19 =	vmul.f32 v19, v18  }
0x8b: {  	v2 =	vunpack.i.u.bf16.f32 v2  }
0x8c: {  	v21 =	vld [tilespmem:s28+$0xC0];
	v2 =	vmul.f32 v2, v17;
	v19 =	vadd.f32 $0.0e+00, v19  }
0x8d: {  	v22 =	vunpack.i.u.bf16.f32 v1;
	v1 =	vunpack.i.l.bf16.f32 v1;
	v23 =	vunpack.i.l.bf16.f32 v0  }
0x8e: {  	v24 =	vld [tilespmem:s28+$0xFFFFFFA0];
	v1 =	vmul.f32 v1, v16;
	v2 =	vadd.f32 v19, v2;
	v19 =	vmul.f32 v23, v10  }
0x8f: {  	v22 =	vmul.f32 v22, v15;
	v0 =	vunpack.i.u.bf16.f32 v0;
	v23 =	vunpack.i.l.bf16.f32 v20  }
0x90: {  	v0 =	vmul.f32 v0, v9;
	v1 =	vadd.f32 v1, v2;
	v2 =	vadd.f32 $0.0e+00, v19;
	v19 =	vld [tilespmem:s28+$0x140]  }
0x91: {  	v25 =	vunpack.i.l.bf16.f32 v21;
	v20 =	vunpack.i.u.bf16.f32 v20;
	v23 =	vmul.f32 v23, v14  }
0x92: {  	v1 =	vadd.f32 v1, v22;
	v0 =	vadd.f32 v2, v0;
	v2 =	vmul.f32 v25, v8  }
0x93: {  	v21 =	vunpack.i.u.bf16.f32 v21;
	v20 =	vmul.f32 v20, v13;
	v22 =	vunpack.i.l.bf16.f32 v24  }
0x94: {  	v1 =	vadd.f32 v23, v1;
	v0 =	vadd.f32 v2, v0;
	v2 =	vmul.f32 v21, v7;
	v21 =	vld [tilespmem:s28+$0x1C0]  }
0x95: {  	v22 =	vmul.f32 v22, v11;
	v23 =	vunpack.i.u.bf16.f32 v24;
	v24 =	vunpack.i.l.bf16.f32 v19  }
0x96: {  	v1 =	vadd.f32 v1, v20;
	v0 =	vadd.f32 v0, v2;
	v2 =	vmul.f32 v24, v6  }
0x97: {  	v20 =	vmul.f32 v23, v12;
	v19 =	vunpack.i.u.bf16.f32 v19  }
0x98: {  	v1 =	vadd.f32 v22, v1;
	v0 =	vadd.f32 v2, v0;
	v2 =	vmul.f32 v19, v5  }
0x99: {  	s0 =	sadd.s32 $0x100, s26;
	v19 =	vunpack.i.l.bf16.f32 v21  }
0x9a: {  	s29 =	sadd.s32 $0x400, s28;
	v26 =	vld [tilespmem:s0+$0x0];
	v1 =	vadd.f32 v1, v20;
	v0 =	vadd.f32 v0, v2;
	v2 =	vmul.f32 v19, v4  }
0x9b: {  	v20 =	vld [tilespmem:s29+$0x0];
	v19 =	vunpack.i.u.bf16.f32 v21  }
0x9c: {  	v28 =	vld [tilespmem:s29+$0x100];
	[tilespmem:s23+$0xFFFFFFA0] =	vst v1;
	v1 =	vmul.f32 v19, v3;
	v0 =	vadd.f32 v2, v0  }
0x9d: {  	v25 =	vld [tilespmem:s0+$0x10]  }
0x9e: {  	v24 =	vld [tilespmem:s0+$0x20];
	v0 =	vadd.f32 v0, v1  }
0x9f: {  	v1 =	vld [tilespmem:s29+$0x80]  }
0xa0: {  	v2 =	vld [tilespmem:s28+$0xFFFFFE30];
	[tilespmem:s23+$0x40] =	vst v0;
	v0 =	vunpack.i.l.bf16.f32 v20  }
0xa1: {  	v23 =	vld [tilespmem:s0+$0x30];
	v0 =	vmul.f32 v0, v26  }
0xa2: {  	v19 =	vunpack.i.u.bf16.f32 v20;
	v27 =	vld [tilespmem:s28+$0x50]  }
0xa3: {  	v31 =	vld [tilespmem:s29+$0x180];
	v19 =	vmul.f32 v19, v25;
	v0 =	vadd.f32 $0.0e+00, v0  }
0xa4: {  	v22 =	vld [tilespmem:s0+$0x40];
	v20 =	vunpack.i.l.bf16.f32 v1  }
0xa5: {  	v21 =	vunpack.i.l.bf16.f32 v2;
	v29 =	vld [tilespmem:s28+$0xD0];
	v0 =	vadd.f32 v0, v19;
	v19 =	vmul.f32 v20, v24  }
0xa6: {  	v32 =	vunpack.i.l.bf16.f32 v28;
	v30 =	vmul.f32 v21, v18;
	v21 =	vld [tilespmem:s0+$0x50];
	v1 =	vunpack.i.u.bf16.f32 v1  }
0xa7: {  	v1 =	vmul.f32 v1, v23;
	v20 =	vunpack.i.l.bf16.f32 v27;
	v0 =	vadd.f32 v19, v0  }
0xa8: {  	v28 =	vunpack.i.u.bf16.f32 v28;
	v45 =	vunpack.i.l.bf16.f32 v31;
	v20 =	vmul.f32 v20, v10;
	v19 =	vld [tilespmem:s0+$0x60]  }
0xa9: {  	v33 =	vld [tilespmem:s28+$0x150];
	v27 =	vunpack.i.u.bf16.f32 v27;
	v0 =	vadd.f32 v0, v1;
	v1 =	vmul.f32 v32, v22  }
0xaa: {  	v31 =	vunpack.i.u.bf16.f32 v31;
	v27 =	vmul.f32 v27, v9;
	v43 =	vadd.f32 $0.0e+00, v20;
	v20 =	vld [tilespmem:s0+$0x70]  }
0xab: {  	v34 =	vunpack.i.l.bf16.f32 v29;
	v0 =	vadd.f32 v1, v0;
	v1 =	vmul.f32 v28, v21  }
0xac: {  	v2 =	vunpack.i.u.bf16.f32 v2;
	v44 =	vmul.f32 v34, v8;
	v28 =	vld [tilespmem:s28+$0xFFFFFEB0];
	v27 =	vadd.f32 v43, v27  }
0xad: {  	v29 =	vunpack.i.u.bf16.f32 v29;
	v0 =	vadd.f32 v0, v1;
	v1 =	vmul.f32 v45, v19  }
0xae: {  	v46 =	vld [tilespmem:s28+$0x1D0];
	v2 =	vmul.f32 v2, v17;
	v29 =	vmul.f32 v29, v7;
	v27 =	vadd.f32 v44, v27  }
0xaf: {  	v47 =	vunpack.i.l.bf16.f32 v33;
	v0 =	vadd.f32 v1, v0;
	v1 =	vmul.f32 v31, v20  }
0xb0: {  	v30 =	vadd.f32 $0.0e+00, v30;
	v31 =	vld [tilespmem:s28+$0xFFFFFF30];
	v27 =	vadd.f32 v27, v29;
	v29 =	vmul.f32 v47, v6  }
0xb1: {  	v33 =	vunpack.i.u.bf16.f32 v33;
	v48 =	vunpack.i.u.bf16.f32 v28;
	v0 =	vadd.f32 v0, v1  }
0xb2: {  	s24 =	sadd.s32 $0x100, s23;
	v1 =	vunpack.i.l.bf16.f32 v28;
	v27 =	vadd.f32 v29, v27;
	v28 =	vmul.f32 v33, v5  }
0xb3: {  	v36 =	vld [tilespmem:s29+$0xFFFFFE80];
	v2 =	vadd.f32 v30, v2;
	v30 =	vunpack.i.l.bf16.f32 v46;
	v1 =	vmul.f32 v1, v16;
	[tilespmem:s24+$0x0] =	vst v0  }
0xb4: {  	v0 =	vmul.f32 v48, v15;
	v27 =	vadd.f32 v27, v28;
	v28 =	vmul.f32 v30, v4;
	v30 =	vld [tilespmem:s29+$0x10]  }
0xb5: {  	v29 =	vld [tilespmem:s28+$0xFFFFFFB0];
	v49 =	vunpack.i.u.bf16.f32 v31;
	v1 =	vadd.f32 v1, v2;
	v2 =	vunpack.i.u.bf16.f32 v46  }
0xb6: {  	v31 =	vunpack.i.l.bf16.f32 v31;
	v27 =	vadd.f32 v28, v27;
	v2 =	vmul.f32 v2, v3  }
0xb7: {  	v37 =	vld [tilespmem:s29+$0x110];
	v28 =	vmul.f32 v31, v14;
	v0 =	vadd.f32 v1, v0  }
0xb8: {  	v38 =	vunpack.i.u.bf16.f32 v36;
	v36 =	vunpack.i.l.bf16.f32 v36;
	v2 =	vadd.f32 v27, v2;
	v27 =	vld [tilespmem:s29+$0x90]  }
0xb9: {  	v50 =	vld [tilespmem:s29+$0xFFFFFE00];
	v31 =	vmul.f32 v49, v13;
	v0 =	vadd.f32 v28, v0;
	v28 =	vunpack.i.l.bf16.f32 v30  }
0xba: {  	v35 =	vld [tilespmem:s0+$0xFFFFFF80];
	v1 =	vunpack.i.l.bf16.f32 v29;
	v29 =	vunpack.i.u.bf16.f32 v29;
	[tilespmem:s23+$0x50] =	vst v2;
	v2 =	vmul.f32 v28, v26  }
0xbb: {  	v1 =	vmul.f32 v1, v11;
	v30 =	vunpack.i.u.bf16.f32 v30;
	v0 =	vadd.f32 v0, v31;
	v31 =	vld [tilespmem:s28+$0x60]  }
0xbc: {  	v29 =	vmul.f32 v29, v12;
	v30 =	vmul.f32 v30, v25;
	v2 =	vadd.f32 $0.0e+00, v2  }
0xbd: {  	v53 =	vunpack.i.l.bf16.f32 v37;
	v0 =	vadd.f32 v1, v0;
	v51 =	vunpack.i.l.bf16.f32 v27  }
0xbe: {  	v28 =	vunpack.i.l.bf16.f32 v50;
	v2 =	vadd.f32 v2, v30;
	v30 =	vmul.f32 v51, v24  }
0xbf: {  	v28 =	vmul.f32 v28, v35;
	v27 =	vunpack.i.u.bf16.f32 v27;
	v29 =	vadd.f32 v0, v29;
	v0 =	vld [tilespmem:s28+$0xE0]  }
0xc0: {  	v27 =	vmul.f32 v27, v23;
	v52 =	vunpack.i.l.bf16.f32 v31;
	v2 =	vadd.f32 v30, v2;
	v30 =	vld [tilespmem:s29+$0x190]  }
0xc1: {  	v1 =	vunpack.i.u.bf16.f32 v50;
	v28 =	vadd.f32 $0.0e+00, v28;
	v32 =	vmul.f32 v52, v10  }
0xc2: {  	v34 =	vld [tilespmem:s0+$0xFFFFFF90];
	v31 =	vunpack.i.u.bf16.f32 v31;
	v2 =	vadd.f32 v2, v27;
	v27 =	vmul.f32 v53, v22  }
0xc3: {  	v33 =	vld [tilespmem:s0+$0xFFFFFFA0];
	v39 =	vmul.f32 v31, v9;
	v31 =	vunpack.i.u.bf16.f32 v37;
	v32 =	vadd.f32 $0.0e+00, v32  }
0xc4: {  	v54 =	vld [tilespmem:s28+$0x160];
	v40 =	vunpack.i.l.bf16.f32 v0;
	v2 =	vadd.f32 v27, v2;
	v27 =	vmul.f32 v31, v21  }
0xc5: {  	v41 =	vld [tilespmem:s29+$0xFFFFFF00];
	v0 =	vunpack.i.u.bf16.f32 v0;
	v39 =	vadd.f32 v32, v39;
	v55 =	vunpack.i.l.bf16.f32 v30  }
0xc6: {  	v31 =	vld [tilespmem:s0+$0xFFFFFFB0];
	v40 =	vmul.f32 v40, v8;
	v2 =	vadd.f32 v2, v27;
	v27 =	vmul.f32 v55, v19  }
0xc7: {  	v42 =	vld [tilespmem:s28+$0x1E0];
	v1 =	vmul.f32 v1, v34;
	v56 =	vmul.f32 v0, v7;
	v30 =	vunpack.i.u.bf16.f32 v30  }
0xc8: {  	v32 =	vld [tilespmem:s0+$0xFFFFFFC0];
	v39 =	vadd.f32 v40, v39;
	v2 =	vadd.f32 v27, v2;
	v27 =	vmul.f32 v30, v20  }
0xc9: {  	v60 =	vld [tilespmem:s0+$0xFFFFFFD0];
	v1 =	vadd.f32 v28, v1;
	v28 =	vmul.f32 v36, v33;
	v30 =	vunpack.i.l.bf16.f32 v54  }
0xca: {  	v58 =	vld [tilespmem:s29+$0xFFFFFF80];
	v57 =	vadd.f32 v39, v56;
	v30 =	vmul.f32 v30, v6;
	v2 =	vadd.f32 v2, v27  }
0xcb: {  	v61 =	vld [tilespmem:s0+$0xFFFFFFE0];
	v37 =	vunpack.i.u.bf16.f32 v54;
	[tilespmem:s23+$0xFFFFFFB0] =	vst v29;
	v28 =	vadd.f32 v28, v1;
	v27 =	vmul.f32 v38, v31  }
0xcc: {  	v59 =	vunpack.i.l.bf16.f32 v41;
	v43 =	vmul.f32 v37, v5;
	v46 =	vld [tilespmem:s28+$0xFFFFFE40];
	v30 =	vadd.f32 v30, v57;
	[tilespmem:s24+$0x10] =	vst v2  }
0xcd: {  	v44 =	vmul.f32 v59, v32;
	v27 =	vadd.f32 v28, v27;
	v28 =	vunpack.i.l.bf16.f32 v42;
	v45 =	vld [tilespmem:s29+$0x20]  }
0xce: {  	v29 =	vunpack.i.u.bf16.f32 v41;
	v30 =	vadd.f32 v30, v43;
	v28 =	vmul.f32 v28, v4  }
0xcf: {  	v62 =	vld [tilespmem:s0+$0xFFFFFFF0];
	v47 =	vunpack.i.u.bf16.f32 v42;
	v29 =	vmul.f32 v29, v60;
	v27 =	vadd.f32 v44, v27  }
0xd0: {  	v51 =	vld [tilespmem:s28+$0xFFFFFF40];
	v28 =	vadd.f32 v28, v30;
	v30 =	vmul.f32 v47, v3  }
0xd1: {  	v48 =	vunpack.i.l.bf16.f32 v58;
	v52 =	vunpack.i.u.bf16.f32 v46;
	v49 =	vld [tilespmem:s29+$0xA0];
	v27 =	vadd.f32 v27, v29  }
0xd2: {  	v29 =	vmul.f32 v48, v61;
	v28 =	vadd.f32 v28, v30;
	v30 =	vunpack.i.l.bf16.f32 v45  }
0xd3: {  	v36 =	vunpack.i.l.bf16.f32 v46;
	v38 =	vunpack.i.u.bf16.f32 v58;
	v30 =	vmul.f32 v30, v26  }
0xd4: {  	v50 =	vld [tilespmem:s28+$0xFFFFFEC0];
	v27 =	vadd.f32 v29, v27;
	v29 =	vmul.f32 v38, v62;
	v39 =	vunpack.i.u.bf16.f32 v45  }
0xd5: {  	v55 =	vunpack.i.u.bf16.f32 v51;
	v53 =	vld [tilespmem:s29+$0x120];
	v39 =	vmul.f32 v39, v25;
	v30 =	vadd.f32 $0.0e+00, v30  }
0xd6: {  	v36 =	vmul.f32 v36, v18;
	v27 =	vadd.f32 v27, v29;
	v29 =	vunpack.i.l.bf16.f32 v49  }
0xd7: {  	v41 =	vmul.f32 v52, v17;
	v43 =	vld [tilespmem:s28+$0xFFFFFFC0];
	v29 =	vmul.f32 v29, v24;
	v30 =	vadd.f32 v30, v39  }
0xd8: {  	v40 =	vmul.f32 v55, v13;
	v36 =	vadd.f32 $0.0e+00, v36;
	v37 =	vunpack.i.u.bf16.f32 v49  }
0xd9: {  	v54 =	vunpack.i.l.bf16.f32 v50;
	[tilespmem:s24+$0xFFFFFF80] =	vst v27;
	v27 =	vadd.f32 v29, v30;
	v29 =	vmul.f32 v37, v23;
	v30 =	vld [tilespmem:s29+$0x1A0]  }
0xda: {  	v36 =	vadd.f32 v36, v41;
	v44 =	vunpack.i.u.bf16.f32 v50;
	v45 =	vunpack.i.l.bf16.f32 v53;
	v56 =	vld [tilespmem:s29+$0xFFFFFE10]  }
0xdb: {  	v38 =	vunpack.i.l.bf16.f32 v51;
	v27 =	vadd.f32 v27, v29;
	v29 =	vmul.f32 v45, v22  }
0xdc: {  	v57 =	vunpack.i.u.bf16.f32 v53;
	v59 =	vunpack.i.u.bf16.f32 v43;
	[tilespmem:s23+$0x60] =	vst v28;
	v28 =	vunpack.i.l.bf16.f32 v43  }
0xdd: {  	v38 =	vmul.f32 v38, v14;
	v58 =	vld [tilespmem:s28+$0x70];
	v27 =	vadd.f32 v29, v27;
	v29 =	vmul.f32 v57, v21  }
0xde: {  	v52 =	vmul.f32 v59, v12;
	v28 =	vmul.f32 v28, v11;
	v63 =	vld [tilespmem:s29+$0xFFFFFE90];
	v48 =	vunpack.i.l.bf16.f32 v30  }
0xdf: {  	v46 =	vunpack.i.l.bf16.f32 v56;
	v27 =	vadd.f32 v27, v29;
	v29 =	vmul.f32 v48, v19  }
0xe0: {  	v37 =	vmul.f32 v44, v15;
	v49 =	vmul.f32 v46, v35;
	v30 =	vunpack.i.u.bf16.f32 v30  }
0xe1: {  	v44 =	vunpack.i.u.bf16.f32 v56;
	v27 =	vadd.f32 v29, v27;
	v29 =	vmul.f32 v30, v20  }
0xe2: {  	v39 =	vmul.f32 v54, v16;
	v50 =	vld [tilespmem:s29+$0xFFFFFF10];
	v44 =	vmul.f32 v44, v34;
	v45 =	vadd.f32 $0.0e+00, v49  }
0xe3: {  	v47 =	vld [tilespmem:s28+$0xF0];
	v51 =	vunpack.i.l.bf16.f32 v63;
	v30 =	vunpack.i.l.bf16.f32 v58;
	v27 =	vadd.f32 v27, v29  }
0xe4: {  	v54 =	vld [tilespmem:s29+$0xFFFFFF90];
	v10 =	vmul.f32 v30, v10;
	v30 =	vadd.f32 v45, v44;
	v29 =	vmul.f32 v51, v33  }
0xe5: {  	v36 =	vadd.f32 v39, v36;
	v53 =	vunpack.i.u.bf16.f32 v58;
	v43 =	vunpack.i.u.bf16.f32 v63;
	[tilespmem:s24+$0x20] =	vst v27  }
0xe6: {  	v9 =	vmul.f32 v53, v9;
	v27 =	vmul.f32 v43, v31;
	v29 =	vadd.f32 v29, v30;
	v30 =	vld [tilespmem:s29+$0x30]  }
0xe7: {  	v36 =	vadd.f32 v36, v37;
	v55 =	vunpack.i.l.bf16.f32 v50;
	v10 =	vadd.f32 $0.0e+00, v10  }
0xe8: {  	v56 =	vunpack.i.l.bf16.f32 v47;
	v37 =	vmul.f32 v55, v32;
	v27 =	vadd.f32 v29, v27  }
0xe9: {  	v42 =	vunpack.i.u.bf16.f32 v54;
	v9 =	vadd.f32 v10, v9;
	v10 =	vunpack.i.u.bf16.f32 v50  }
0xea: {  	v8 =	vmul.f32 v56, v8;
	v57 =	vld [tilespmem:s29+$0xB0];
	v10 =	vmul.f32 v10, v60;
	v27 =	vadd.f32 v37, v27  }
0xeb: {  	v58 =	vunpack.i.u.bf16.f32 v47;
	v29 =	vunpack.i.l.bf16.f32 v54;
	v59 =	vunpack.i.l.bf16.f32 v30  }
0xec: {  	v29 =	vmul.f32 v29, v61;
	v10 =	vadd.f32 v27, v10;
	v27 =	vmul.f32 v59, v26  }
0xed: {  	v63 =	vld [tilespmem:s28+$0x170];
	v8 =	vadd.f32 v8, v9;
	v9 =	vmul.f32 v42, v62;
	v30 =	vunpack.i.u.bf16.f32 v30  }
0xee: {  	v10 =	vadd.f32 v29, v10;
	v29 =	vmul.f32 v30, v25;
	v30 =	vld [tilespmem:s29+$0x130];
	v27 =	vadd.f32 $0.0e+00, v27  }
0xef: {  	v36 =	vadd.f32 v38, v36;
	v7 =	vmul.f32 v58, v7;
	v45 =	vunpack.i.l.bf16.f32 v57  }
0xf0: {  	v9 =	vadd.f32 v10, v9;
	v10 =	vadd.f32 v27, v29;
	v27 =	vmul.f32 v45, v24  }
0xf1: {  	v36 =	vadd.f32 v36, v40;
	v7 =	vadd.f32 v8, v7;
	v8 =	vunpack.i.u.bf16.f32 v57;
	v29 =	vld [tilespmem:s28+$0x1F0]  }
0xf2: {  	v46 =	vunpack.i.l.bf16.f32 v63;
	v8 =	vmul.f32 v8, v23;
	[tilespmem:s24+$0xFFFFFF90] =	vst v9;
	v9 =	vadd.f32 v27, v10;
	v10 =	vld [tilespmem:s29+$0x1B0]  }
0xf3: {  	v28 =	vadd.f32 v28, v36;
	v6 =	vmul.f32 v46, v6;
	v47 =	vld [tilespmem:s29+$0xFFFFFE20];
	v48 =	vunpack.i.l.bf16.f32 v30  }
0xf4: {  	v27 =	vunpack.i.u.bf16.f32 v63;
	v8 =	vadd.f32 v9, v8;
	v9 =	vmul.f32 v48, v22  }
0xf5: {  	v6 =	vadd.f32 v6, v7;
	v7 =	vunpack.i.u.bf16.f32 v30;
	v5 =	vmul.f32 v27, v5  }
0xf6: {  	v27 =	vadd.f32 v28, v52;
	v7 =	vmul.f32 v7, v21;
	v8 =	vadd.f32 v9, v8  }
0xf7: {  	v5 =	vadd.f32 v6, v5;
	v6 =	vld [tilespmem:s29+$0xFFFFFEA0];
	v9 =	vunpack.i.l.bf16.f32 v29;
	v28 =	vunpack.i.l.bf16.f32 v10  }
0xf8: {  	[tilespmem:s23+$0xFFFFFFC0] =	vst v27;
	v27 =	vunpack.i.l.bf16.f32 v47;
	v7 =	vadd.f32 v8, v7;
	v8 =	vmul.f32 v28, v19  }
0xf9: {  	v51 =	vld [tilespmem:s28+$0xFFFFFF50];
	v4 =	vmul.f32 v9, v4;
	v10 =	vunpack.i.u.bf16.f32 v10;
	v27 =	vmul.f32 v27, v35  }
0xfa: {  	v9 =	vld [tilespmem:s28+$0xFFFFFE50];
	v28 =	vunpack.i.u.bf16.f32 v47;
	v7 =	vadd.f32 v8, v7;
	v8 =	vmul.f32 v10, v20  }
0xfb: {  	v49 =	vmul.f32 v28, v34;
	v10 =	vunpack.i.u.bf16.f32 v29;
	v29 =	vld [tilespmem:s29+$0xFFFFFF20];
	v50 =	vadd.f32 $0.0e+00, v27  }
0xfc: {  	v30 =	vld [tilespmem:s28+$0xFFFFFED0];
	v27 =	vadd.f32 v4, v5;
	v4 =	vunpack.i.l.bf16.f32 v6;
	v5 =	vadd.f32 v7, v8  }
0xfd: {  	v6 =	vunpack.i.u.bf16.f32 v6;
	v4 =	vmul.f32 v4, v33;
	v7 =	vadd.f32 v50, v49  }
0xfe: {  	v28 =	vmul.f32 v10, v3;
	v3 =	vld [tilespmem:s29+$0xFFFFFFA0];
	v6 =	vmul.f32 v6, v31;
	v53 =	vunpack.i.l.bf16.f32 v51;
	[tilespmem:s24+$0x30] =	vst v5  }
0xff: {  	v8 =	vunpack.i.u.bf16.f32 v9;
	v9 =	vunpack.i.l.bf16.f32 v9;
	v4 =	vadd.f32 v4, v7;
	v7 =	vld [tilespmem:s29+$0x40]  }
0x100: {  	v8 =	vmul.f32 v8, v17;
	v5 =	vmul.f32 v9, v18;
	v10 =	vunpack.i.l.bf16.f32 v29  }
0x101: {  	v9 =	vunpack.i.l.bf16.f32 v30;
	v10 =	vmul.f32 v10, v32;
	v4 =	vadd.f32 v4, v6  }
0x102: {  	v30 =	vunpack.i.u.bf16.f32 v30;
	v29 =	vunpack.i.u.bf16.f32 v29;
	v9 =	vmul.f32 v9, v16  }
0x103: {  	v6 =	vmul.f32 v29, v60;
	v29 =	vunpack.i.l.bf16.f32 v3;
	v4 =	vadd.f32 v10, v4;
	v10 =	vld [tilespmem:s29+$0xC0]  }
0x104: {  	v3 =	vunpack.i.u.bf16.f32 v3;
	v5 =	vadd.f32 $0.0e+00, v5;
	v52 =	vunpack.i.l.bf16.f32 v7  }
0x105: {  	v29 =	vmul.f32 v29, v61;
	v4 =	vadd.f32 v4, v6;
	v6 =	vmul.f32 v52, v26  }
0x106: {  	v3 =	vmul.f32 v3, v62;
	v5 =	vadd.f32 v5, v8;
	v7 =	vunpack.i.u.bf16.f32 v7  }
0x107: {  	v8 =	vld [tilespmem:s29+$0x140];
	v7 =	vmul.f32 v7, v25;
	v4 =	vadd.f32 v29, v4;
	v6 =	vadd.f32 $0.0e+00, v6  }
0x108: {  	v30 =	vmul.f32 v30, v15;
	v5 =	vadd.f32 v9, v5;
	v29 =	vld [tilespmem:s28+$0xFFFFFFD0];
	v9 =	vunpack.i.l.bf16.f32 v10  }
0x109: {  	v3 =	vadd.f32 v4, v3;
	v4 =	vadd.f32 v6, v7;
	v6 =	vmul.f32 v9, v24  }
0x10a: {  	v5 =	vadd.f32 v5, v30;
	v7 =	vmul.f32 v53, v14;
	v9 =	vunpack.i.u.bf16.f32 v10  }
0x10b: {  	v10 =	vunpack.i.u.bf16.f32 v51;
	[tilespmem:s24+$0xFFFFFFA0] =	vst v3;
	v3 =	vadd.f32 v6, v4;
	v4 =	vmul.f32 v9, v23;
	v6 =	vld [tilespmem:s29+$0x1C0]  }
0x10c: {  	s0 =	sadd.s32 $0x100, s0;
	v9 =	vmul.f32 v10, v13;
	v5 =	vadd.f32 v7, v5;
	v7 =	vld [tilespmem:s29+$0xFFFFFE30];
	v10 =	vunpack.i.l.bf16.f32 v8  }
0x10d: {  	s25 =	sadd.s32 $0x400, s29;
	v41 =	vld [tilespmem:s0+$0x0];
	v30 =	vunpack.i.l.bf16.f32 v29;
	v3 =	vadd.f32 v3, v4;
	v4 =	vmul.f32 v10, v22  }
0x10e: {  	v57 =	vld [tilespmem:s25+$0x100];
	v8 =	vunpack.i.u.bf16.f32 v8;
	v10 =	vmul.f32 v30, v11;
	v5 =	vadd.f32 v5, v9  }
0x10f: {  	v29 =	vunpack.i.u.bf16.f32 v29;
	v3 =	vadd.f32 v4, v3;
	v4 =	vmul.f32 v8, v21;
	v8 =	vld [tilespmem:s25+$0x0]  }
0x110: {  	v39 =	vld [tilespmem:s0+$0x40];
	v29 =	vmul.f32 v29, v12;
	v5 =	vadd.f32 v10, v5;
	v10 =	vunpack.i.l.bf16.f32 v6  }
0x111: {  	v54 =	vld [tilespmem:s29+$0xFFFFFEB0];
	v55 =	vunpack.i.l.bf16.f32 v7;
	v3 =	vadd.f32 v3, v4;
	v4 =	vmul.f32 v10, v19  }
0x112: {  	v43 =	vld [tilespmem:s0+$0x10];
	v5 =	vadd.f32 v5, v29;
	v10 =	vmul.f32 v55, v35  }
0x113: {  	v59 =	vunpack.i.l.bf16.f32 v57;
	v6 =	vunpack.i.u.bf16.f32 v6;
	v3 =	vadd.f32 v4, v3;
	v4 =	vld [tilespmem:s25+$0x80]  }
0x114: {  	v42 =	vld [tilespmem:s0+$0x20];
	[tilespmem:s23+$0xFFFFFFD0] =	vst v5;
	v5 =	vmul.f32 v6, v20;
	v6 =	vadd.f32 $0.0e+00, v10;
	v10 =	vunpack.i.l.bf16.f32 v8  }
0x115: {  	v44 =	vunpack.i.u.bf16.f32 v57;
	v9 =	vld [tilespmem:s29+$0xFFFFFF30];
	v7 =	vunpack.i.u.bf16.f32 v7;
	v10 =	vmul.f32 v10, v41  }
0x116: {  	v40 =	vld [tilespmem:s0+$0x30];
	v56 =	vunpack.i.u.bf16.f32 v54;
	v3 =	vadd.f32 v3, v5;
	v5 =	vunpack.i.u.bf16.f32 v8  }
0x117: {  	v30 =	vld [tilespmem:s29+$0xFFFFFFB0];
	v36 =	vunpack.i.l.bf16.f32 v54;
	v5 =	vmul.f32 v5, v43;
	v10 =	vadd.f32 $0.0e+00, v10  }
0x118: {  	v38 =	vld [tilespmem:s0+$0x50];
	v7 =	vmul.f32 v7, v34;
	v36 =	vmul.f32 v36, v33;
	[tilespmem:s24+$0x40] =	vst v3;
	v3 =	vunpack.i.l.bf16.f32 v4  }
0x119: {  	v29 =	vld [tilespmem:s28+$0xFFFFFE60];
	v8 =	vmul.f32 v56, v31;
	v5 =	vadd.f32 v10, v5;
	v3 =	vmul.f32 v3, v42  }
0x11a: {  	v6 =	vadd.f32 v6, v7;
	v7 =	vunpack.i.u.bf16.f32 v9;
	v58 =	vld [tilespmem:s29+$0x50];
	v4 =	vunpack.i.u.bf16.f32 v4  }
0x11b: {  	v9 =	vunpack.i.l.bf16.f32 v9;
	v4 =	vmul.f32 v4, v40;
	v3 =	vadd.f32 v3, v5;
	v5 =	vld [tilespmem:s25+$0x180]  }
0x11c: {  	v37 =	vld [tilespmem:s0+$0x60];
	v9 =	vmul.f32 v9, v32;
	v6 =	vadd.f32 v36, v6;
	v10 =	vunpack.i.l.bf16.f32 v30  }
0x11d: {  	v36 =	vld [tilespmem:s0+$0x70];
	v30 =	vunpack.i.u.bf16.f32 v30;
	v3 =	vadd.f32 v3, v4;
	v4 =	vmul.f32 v59, v39  }
0x11e: {  	v7 =	vmul.f32 v7, v60;
	v63 =	vld [tilespmem:s29+$0xD0];
	v47 =	vmul.f32 v30, v62;
	v30 =	vunpack.i.u.bf16.f32 v29  }
0x11f: {  	v48 =	vunpack.i.l.bf16.f32 v58;
	v3 =	vadd.f32 v4, v3;
	v4 =	vmul.f32 v44, v38  }
0x120: {  	v29 =	vunpack.i.l.bf16.f32 v29;
	v53 =	vmul.f32 v48, v26;
	v54 =	vunpack.i.l.bf16.f32 v5  }
0x121: {  	v49 =	vld [tilespmem:s28+$0xFFFFFEE0];
	v45 =	vunpack.i.u.bf16.f32 v58;
	v3 =	vadd.f32 v3, v4;
	v4 =	vmul.f32 v54, v37  }
0x122: {  	v55 =	vld [tilespmem:s29+$0x150];
	v45 =	vmul.f32 v45, v25;
	v44 =	vadd.f32 $0.0e+00, v53;
	v5 =	vunpack.i.u.bf16.f32 v5  }
0x123: {  	v51 =	vunpack.i.l.bf16.f32 v63;
	v3 =	vadd.f32 v4, v3;
	v4 =	vmul.f32 v5, v36  }
0x124: {  	v5 =	vadd.f32 v6, v8;
	v6 =	vadd.f32 v44, v45;
	v8 =	vmul.f32 v51, v24  }
0x125: {  	v50 =	vld [tilespmem:s28+$0xFFFFFF60];
	v56 =	vmul.f32 v29, v18;
	v29 =	vunpack.i.u.bf16.f32 v63;
	v3 =	vadd.f32 v3, v4  }
0x126: {  	s26 =	sadd.s32 $0x100, s24;
	v4 =	vmul.f32 v30, v17;
	v6 =	vadd.f32 v8, v6;
	v8 =	vmul.f32 v29, v23;
	v30 =	vld [tilespmem:s29+$0x1D0]  }
0x127: {  	v57 =	vunpack.i.u.bf16.f32 v49;
	v10 =	vmul.f32 v10, v61;
	v29 =	vunpack.i.l.bf16.f32 v55;
	[tilespmem:s26+$0x0] =	vst v3  }
0x128: {  	v59 =	vunpack.i.l.bf16.f32 v49;
	v6 =	vadd.f32 v6, v8;
	v8 =	vmul.f32 v29, v22;
	v63 =	vld [tilespmem:s25+$0x10]  }
0x129: {  	v58 =	vunpack.i.u.bf16.f32 v55;
	v46 =	vmul.f32 v59, v16;
	v5 =	vadd.f32 v9, v5  }
0x12a: {  	v59 =	vld [tilespmem:s25+$0xFFFFFE00];
	v3 =	vunpack.i.l.bf16.f32 v50;
	v6 =	vadd.f32 v8, v6;
	v8 =	vmul.f32 v58, v21  }
0x12b: {  	v45 =	vmul.f32 v57, v15;
	v51 =	vmul.f32 v3, v14;
	v3 =	vld [tilespmem:s0+$0xFFFFFF80];
	v55 =	vunpack.i.l.bf16.f32 v30  }
0x12c: {  	v5 =	vadd.f32 v5, v7;
	v6 =	vadd.f32 v6, v8;
	v7 =	vmul.f32 v55, v19;
	v8 =	vld [tilespmem:s25+$0x90]  }
0x12d: {  	v9 =	vadd.f32 $0.0e+00, v56;
	v30 =	vunpack.i.u.bf16.f32 v30;
	v56 =	vunpack.i.l.bf16.f32 v63  }
0x12e: {  	v6 =	vadd.f32 v7, v6;
	v7 =	vmul.f32 v30, v20;
	v30 =	vmul.f32 v56, v41  }
0x12f: {  	v44 =	vunpack.i.u.bf16.f32 v50;
	v57 =	vld [tilespmem:s25+$0xFFFFFE80];
	v52 =	vunpack.i.l.bf16.f32 v59;
	v49 =	vunpack.i.u.bf16.f32 v63  }
0x130: {  	v53 =	vld [tilespmem:s25+$0x110];
	v49 =	vmul.f32 v49, v43;
	v6 =	vadd.f32 v6, v7;
	v7 =	vadd.f32 $0.0e+00, v30  }
0x131: {  	v9 =	vadd.f32 v9, v4;
	v4 =	vld [tilespmem:s0+$0xFFFFFF90];
	v52 =	vmul.f32 v52, v3;
	v54 =	vunpack.i.l.bf16.f32 v8  }
0x132: {  	v48 =	vunpack.i.u.bf16.f32 v59;
	v63 =	vld [tilespmem:s0+$0xFFFFFFA0];
	[tilespmem:s24+$0x50] =	vst v6;
	v6 =	vadd.f32 v7, v49;
	v7 =	vmul.f32 v54, v42  }
0x133: {  	v10 =	vadd.f32 v10, v5;
	v58 =	vadd.f32 $0.0e+00, v52;
	v8 =	vunpack.i.u.bf16.f32 v8;
	v52 =	vld [tilespmem:s29+$0x60]  }
0x134: {  	v50 =	vunpack.i.l.bf16.f32 v57;
	v6 =	vadd.f32 v7, v6;
	v7 =	vmul.f32 v8, v40  }
0x135: {  	v9 =	vadd.f32 v46, v9;
	v47 =	vadd.f32 v10, v47;
	v59 =	vunpack.i.l.bf16.f32 v53;
	v8 =	vld [tilespmem:s25+$0x190]  }
0x136: {  	v0 =	vld [tilespmem:s0+$0xFFFFFFB0];
	v10 =	vunpack.i.u.bf16.f32 v57;
	v54 =	vmul.f32 v59, v39;
	v7 =	vadd.f32 v6, v7  }
0x137: {  	v48 =	vmul.f32 v48, v4;
	v53 =	vunpack.i.u.bf16.f32 v53;
	v49 =	vmul.f32 v50, v63;
	v50 =	vld [tilespmem:s29+$0xE0]  }
0x138: {  	v53 =	vmul.f32 v53, v38;
	v55 =	vunpack.i.l.bf16.f32 v52;
	v7 =	vadd.f32 v54, v7  }
0x139: {  	v48 =	vadd.f32 v58, v48;
	v52 =	vunpack.i.u.bf16.f32 v52;
	v57 =	vmul.f32 v55, v26  }
0x13a: {  	v56 =	vld [tilespmem:s29+$0x160];
	v52 =	vmul.f32 v52, v25;
	v58 =	vunpack.i.l.bf16.f32 v8;
	v8 =	vunpack.i.u.bf16.f32 v8  }
0x13b: {  	v55 =	vld [tilespmem:s25+$0xFFFFFF00];
	v53 =	vadd.f32 v7, v53;
	v54 =	vmul.f32 v58, v37;
	v46 =	vadd.f32 $0.0e+00, v57  }
0x13c: {  	v57 =	vunpack.i.l.bf16.f32 v50;
	v59 =	vmul.f32 v8, v36;
	v7 =	vmov v0;
	v0 =	vld [tilespmem:s0+$0xFFFFFFC0]  }
0x13d: {  	v57 =	vmul.f32 v57, v24;
	v53 =	vadd.f32 v54, v53;
	v46 =	vadd.f32 v46, v52  }
0x13e: {  	v48 =	vadd.f32 v49, v48;
	v50 =	vunpack.i.u.bf16.f32 v50  }
0x13f: {  	v49 =	vmul.f32 v50, v23;
	v50 =	vld [tilespmem:s29+$0x1E0];
	v53 =	vadd.f32 v53, v59;
	v46 =	vadd.f32 v57, v46  }
0x140: {  	v52 =	vld [tilespmem:s25+$0xFFFFFF80];
	v10 =	vmul.f32 v10, v7;
	v54 =	vunpack.i.u.bf16.f32 v55;
	v57 =	vunpack.i.l.bf16.f32 v56  }
0x141: {  	v55 =	vunpack.i.l.bf16.f32 v55;
	v58 =	vmul.f32 v57, v22;
	[tilespmem:s26+$0x10] =	vst v53;
	v46 =	vadd.f32 v46, v49;
	v8 =	vmovc v0;
	v0 =	vld [tilespmem:s0+$0xFFFFFFD0]  }
0x142: {  	v45 =	vadd.f32 v9, v45;
	v9 =	vunpack.i.u.bf16.f32 v56;
	v53 =	vmul.f32 v55, v8;
	v55 =	vld [tilespmem:s25+$0x20]  }
0x143: {  	v2 =	vld [tilespmem:s0+$0xFFFFFFE0];
	v59 =	vmul.f32 v9, v21;
	v48 =	vadd.f32 v48, v10;
	v46 =	vadd.f32 v58, v46  }
0x144: {  	v1 =	vld [tilespmem:s0+$0xFFFFFFF0];
	v45 =	vadd.f32 v51, v45;
	[tilespmem:s24+$0xFFFFFFB0] =	vst v47;
	v56 =	vunpack.i.l.bf16.f32 v50;
	v50 =	vunpack.i.u.bf16.f32 v50  }
0x145: {  	v57 =	vmul.f32 v56, v19;
	v48 =	vadd.f32 v53, v48;
	v46 =	vadd.f32 v46, v59;
	v53 =	vld [tilespmem:s29+$0xFFFFFE40]  }
0x146: {  	v47 =	vunpack.i.l.bf16.f32 v52;
	v51 =	vld [tilespmem:s25+$0xA0];
	v52 =	vunpack.i.u.bf16.f32 v52;
	v59 =	vmul.f32 v50, v20  }
0x147: {  	v54 =	vmul.f32 v54, v0;
	v46 =	vadd.f32 v57, v46;
	v58 =	vunpack.i.l.bf16.f32 v55  }
0x148: {  	v47 =	vmul.f32 v47, v2;
	v55 =	vunpack.i.u.bf16.f32 v55;
	v57 =	vmul.f32 v58, v41  }
0x149: {  	v48 =	vadd.f32 v48, v54;
	v54 =	vld [tilespmem:s29+$0xFFFFFEC0];
	v46 =	vadd.f32 v46, v59;
	v50 =	vmul.f32 v55, v43  }
0x14a: {  	v55 =	vld [tilespmem:s25+$0x120];
	v56 =	vunpack.i.l.bf16.f32 v53;
	v53 =	vunpack.i.u.bf16.f32 v53;
	v49 =	vadd.f32 $0.0e+00, v57  }
0x14b: {  	v47 =	vadd.f32 v47, v48;
	v48 =	vmul.f32 v52, v1;
	v52 =	vunpack.i.l.bf16.f32 v51  }
0x14c: {  	v56 =	vmul.f32 v56, v35;
	v57 =	vld [tilespmem:s29+$0xFFFFFFC0];
	v49 =	vadd.f32 v49, v50;
	v50 =	vmul.f32 v52, v42  }
0x14d: {  	v51 =	vunpack.i.u.bf16.f32 v51;
	v53 =	vmul.f32 v53, v34;
	[tilespmem:s24+$0x60] =	vst v46;
	v52 =	vld [tilespmem:s29+$0xFFFFFF40];
	v46 =	vadd.f32 v47, v48  }
0x14e: {  	v58 =	vld [tilespmem:s29+$0x70];
	v47 =	vunpack.i.u.bf16.f32 v54;
	v49 =	vadd.f32 v50, v49;
	v50 =	vmul.f32 v51, v40  }
0x14f: {  	v48 =	vunpack.i.l.bf16.f32 v55;
	v54 =	vunpack.i.l.bf16.f32 v54;
	v55 =	vunpack.i.u.bf16.f32 v55;
	v51 =	vld [tilespmem:s25+$0x1A0]  }
0x150: {  	v48 =	vmul.f32 v48, v39;
	v54 =	vmul.f32 v54, v33;
	v49 =	vadd.f32 v49, v50  }
0x151: {  	v47 =	vmul.f32 v47, v31;
	v59 =	vunpack.i.l.bf16.f32 v57;
	v50 =	vadd.f32 $0.0e+00, v56  }
0x152: {  	v48 =	vadd.f32 v48, v49;
	v49 =	vmul.f32 v55, v38;
	v55 =	vunpack.i.u.bf16.f32 v52  }
0x153: {  	[tilespmem:s26+$0xFFFFFF80] =	vst v46;
	v52 =	vunpack.i.l.bf16.f32 v52;
	v46 =	vadd.f32 v50, v53;
	v50 =	vunpack.i.l.bf16.f32 v58  }
0x154: {  	v58 =	vunpack.i.u.bf16.f32 v58;
	v56 =	vunpack.i.l.bf16.f32 v51;
	v51 =	vunpack.i.u.bf16.f32 v51  }
0x155: {  	v26 =	vmul.f32 v50, v26;
	v48 =	vadd.f32 v48, v49;
	v49 =	vld [tilespmem:s29+$0xF0];
	v56 =	vmul.f32 v56, v37  }
0x156: {  	v50 =	vld [tilespmem:s25+$0xFFFFFE10];
	v53 =	vmul.f32 v55, v60;
	v25 =	vmul.f32 v58, v25;
	v46 =	vadd.f32 v54, v46  }
0x157: {  	v55 =	vld [tilespmem:s29+$0x170];
	v51 =	vmul.f32 v51, v36;
	v26 =	vadd.f32 $0.0e+00, v26;
	v48 =	vadd.f32 v56, v48  }
0x158: {  	v52 =	vmul.f32 v52, v32;
	v56 =	vmul.f32 v59, v61;
	v46 =	vadd.f32 v46, v47  }
0x159: {  	v58 =	vld [tilespmem:s25+$0xFFFFFE90];
	v25 =	vadd.f32 v26, v25;
	v48 =	vadd.f32 v48, v51;
	v51 =	vunpack.i.u.bf16.f32 v57  }
0x15a: {  	v46 =	vadd.f32 v52, v46;
	v57 =	vunpack.i.l.bf16.f32 v49;
	v26 =	vmul.f32 v51, v62  }
0x15b: {  	v59 =	vunpack.i.u.bf16.f32 v49;
	v24 =	vmul.f32 v57, v24;
	[tilespmem:s26+$0x20] =	vst v48;
	v57 =	vunpack.i.l.bf16.f32 v50  }
0x15c: {  	v23 =	vmul.f32 v59, v23;
	v59 =	vunpack.i.l.bf16.f32 v55;
	v46 =	vadd.f32 v46, v53;
	v51 =	vld [tilespmem:s25+$0x30]  }
0x15d: {  	v54 =	vld [tilespmem:s25+$0xFFFFFF10];
	v22 =	vmul.f32 v59, v22;
	v24 =	vadd.f32 v24, v25;
	v25 =	vmul.f32 v57, v3  }
0x15e: {  	v59 =	vunpack.i.l.bf16.f32 v58;
	v57 =	vunpack.i.u.bf16.f32 v50;
	v46 =	vadd.f32 v56, v46  }
0x15f: {  	v23 =	vadd.f32 v24, v23;
	v24 =	vadd.f32 $0.0e+00, v25;
	v25 =	vmul.f32 v57, v4  }
0x160: {  	v50 =	vld [tilespmem:s25+$0xB0];
	v47 =	vmul.f32 v59, v63;
	v57 =	vunpack.i.u.bf16.f32 v58;
	v26 =	vadd.f32 v46, v26  }
0x161: {  	v48 =	vmul.f32 v57, v7;
	v24 =	vadd.f32 v24, v25;
	v25 =	vunpack.i.l.bf16.f32 v51  }
0x162: {  	v49 =	vld [tilespmem:s25+$0xFFFFFF90];
	v57 =	vunpack.i.l.bf16.f32 v54;
	v54 =	vunpack.i.u.bf16.f32 v54;
	v25 =	vmul.f32 v25, v41  }
0x163: {  	v58 =	vunpack.i.u.bf16.f32 v51;
	v51 =	vmul.f32 v57, v8;
	v24 =	vadd.f32 v47, v24  }
0x164: {  	v57 =	vld [tilespmem:s25+$0x130];
	v54 =	vmul.f32 v54, v0;
	v47 =	vmul.f32 v58, v43;
	v25 =	vadd.f32 $0.0e+00, v25  }
0x165: {  	v22 =	vadd.f32 v22, v23;
	v59 =	vunpack.i.l.bf16.f32 v50;
	v24 =	vadd.f32 v24, v48  }
0x166: {  	v50 =	vunpack.i.u.bf16.f32 v50;
	v59 =	vmul.f32 v59, v42;
	v25 =	vadd.f32 v25, v47  }
0x167: {  	v58 =	vunpack.i.l.bf16.f32 v49;
	v49 =	vunpack.i.u.bf16.f32 v49;
	v24 =	vadd.f32 v51, v24;
	v51 =	vld [tilespmem:s29+$0x1F0]  }
0x168: {  	v49 =	vmul.f32 v49, v1;
	v25 =	vadd.f32 v59, v25;
	v59 =	vmul.f32 v50, v40;
	v50 =	vld [tilespmem:s25+$0x1B0]  }
0x169: {  	v48 =	vmul.f32 v58, v2;
	v58 =	vunpack.i.l.bf16.f32 v57;
	v24 =	vadd.f32 v24, v54  }
0x16a: {  	v25 =	vadd.f32 v25, v59;
	v59 =	vmul.f32 v58, v39;
	v58 =	vunpack.i.u.bf16.f32 v55  }
0x16b: {  	v56 =	vunpack.i.u.bf16.f32 v57;
	v24 =	vadd.f32 v48, v24;
	v21 =	vmul.f32 v58, v21  }
0x16c: {  	v29 =	vld [tilespmem:s28+$0xFFFFFFE0];
	[tilespmem:s24+$0xFFFFFFC0] =	vst v26;
	v57 =	vmul.f32 v56, v38;
	v25 =	vadd.f32 v59, v25;
	v26 =	vunpack.i.l.bf16.f32 v51  }
0x16d: {  	v59 =	vunpack.i.l.bf16.f32 v50;
	v24 =	vadd.f32 v24, v49;
	v21 =	vadd.f32 v22, v21  }
0x16e: {  	v19 =	vmul.f32 v26, v19;
	v25 =	vadd.f32 v25, v57;
	v46 =	vmul.f32 v59, v37  }
0x16f: {  	v44 =	vmul.f32 v44, v13;
	v23 =	vunpack.i.u.bf16.f32 v50;
	v50 =	vld [tilespmem:s29+$0xFFFFFE50]  }
0x170: {  	v23 =	vmul.f32 v23, v36;
	[tilespmem:s26+$0xFFFFFF90] =	vst v24;
	v19 =	vadd.f32 v19, v21;
	v21 =	vld [tilespmem:s29+$0xFFFFFED0];
	v24 =	vadd.f32 v46, v25  }
0x171: {  	v30 =	vunpack.i.l.bf16.f32 v29;
	v26 =	vadd.f32 v45, v44;
	v22 =	vld [tilespmem:s25+$0xFFFFFE20]  }
0x172: {  	v25 =	vmul.f32 v30, v11;
	v30 =	vunpack.i.u.bf16.f32 v51;
	v23 =	vadd.f32 v24, v23  }
0x173: {  	v45 =	vadd.f32 v27, v28;
	v52 =	vld [tilespmem:s25+$0xFFFFFFA0];
	v20 =	vmul.f32 v30, v20;
	v24 =	vunpack.i.u.bf16.f32 v29  }
0x174: {  	v25 =	vadd.f32 v25, v26;
	v26 =	vld [tilespmem:s25+$0xFFFFFEA0];
	v27 =	vunpack.i.u.bf16.f32 v50;
	v24 =	vmul.f32 v24, v12;
	[tilespmem:s26+$0x30] =	vst v23  }
0x175: {  	v44 =	vadd.f32 v19, v20;
	v27 =	vmul.f32 v27, v34;
	v23 =	vunpack.i.l.bf16.f32 v50;
	v19 =	vld [tilespmem:s25+$0x40]  }
0x176: {  	v28 =	vunpack.i.l.bf16.f32 v21;
	v20 =	vadd.f32 v25, v24;
	v24 =	vunpack.i.l.bf16.f32 v22  }
0x177: {  	v21 =	vunpack.i.u.bf16.f32 v21;
	v25 =	vld [tilespmem:s25+$0xFFFFFF20];
	v23 =	vmul.f32 v23, v35;
	v24 =	vmul.f32 v24, v3  }
0x178: {  	v22 =	vunpack.i.u.bf16.f32 v22;
	v56 =	vunpack.i.l.bf16.f32 v52;
	v21 =	vmul.f32 v21, v31  }
0x179: {  	v30 =	vld [tilespmem:s25+$0xC0];
	v22 =	vmul.f32 v22, v4;
	v29 =	vunpack.i.l.bf16.f32 v26;
	v24 =	vadd.f32 $0.0e+00, v24  }
0x17a: {  	v26 =	vunpack.i.u.bf16.f32 v26;
	v29 =	vmul.f32 v29, v63;
	v53 =	vunpack.i.l.bf16.f32 v19  }
0x17b: {  	v26 =	vmul.f32 v26, v7;
	v22 =	vadd.f32 v24, v22;
	v24 =	vmul.f32 v53, v41  }
0x17c: {  	v54 =	vunpack.i.u.bf16.f32 v25;
	v25 =	vunpack.i.l.bf16.f32 v25;
	v19 =	vunpack.i.u.bf16.f32 v19  }
0x17d: {  	v55 =	vld [tilespmem:s25+$0x140];
	v19 =	vmul.f32 v19, v43;
	v22 =	vadd.f32 v29, v22;
	v24 =	vadd.f32 $0.0e+00, v24  }
0x17e: {  	v23 =	vadd.f32 $0.0e+00, v23;
	v25 =	vmul.f32 v25, v8;
	v29 =	vunpack.i.l.bf16.f32 v30  }
0x17f: {  	v22 =	vadd.f32 v22, v26;
	v19 =	vadd.f32 v24, v19;
	v24 =	vmul.f32 v29, v42  }
0x180: {  	[tilespmem:s23+$0xFFFFFFE0] =	vst v20;
	v20 =	vld [tilespmem:s29+$0xFFFFFF50];
	v23 =	vadd.f32 v23, v27;
	v47 =	vmul.f32 v54, v0;
	v26 =	vunpack.i.u.bf16.f32 v30  }
0x181: {  	v22 =	vadd.f32 v25, v22;
	v19 =	vadd.f32 v24, v19;
	v24 =	vmul.f32 v26, v40;
	v26 =	vld [tilespmem:s25+$0x1C0]  }
0x182: {  	v30 =	vmul.f32 v56, v2;
	v29 =	vunpack.i.u.bf16.f32 v52;
	v25 =	vunpack.i.l.bf16.f32 v55  }
0x183: {  	v22 =	vadd.f32 v22, v47;
	v19 =	vadd.f32 v19, v24;
	v24 =	vmul.f32 v25, v39  }
0x184: {  	s30 =	sadd.s32 $0x400, s25;
	v29 =	vmul.f32 v29, v1;
	v25 =	vmul.f32 v28, v33;
	v28 =	vunpack.i.u.bf16.f32 v55  }
0x185: {  	v59 =	vld [tilespmem:s30+$0x100];
	v22 =	vadd.f32 v30, v22;
	v19 =	vadd.f32 v24, v19;
	v24 =	vmul.f32 v28, v38  }
0x186: {  	v57 =	vld [tilespmem:s28+$0xFFFFFE70];
	v23 =	vadd.f32 v25, v23;
	v28 =	vunpack.i.l.bf16.f32 v20;
	v27 =	vunpack.i.l.bf16.f32 v26  }
0x187: {  	v20 =	vunpack.i.u.bf16.f32 v20;
	v19 =	vadd.f32 v19, v24;
	v24 =	vmul.f32 v27, v37  }
0x188: {  	v22 =	vadd.f32 v22, v29;
	v25 =	vunpack.i.u.bf16.f32 v26;
	v26 =	vld [tilespmem:s28+$0xFFFFFEF0];
	v28 =	vmul.f32 v28, v32  }
0x189: {  	v27 =	vld [tilespmem:s29+$0xFFFFFFD0];
	v21 =	vadd.f32 v23, v21;
	v19 =	vadd.f32 v24, v19;
	v24 =	vmul.f32 v25, v36  }
0x18a: {  	v48 =	vunpack.i.u.bf16.f32 v59;
	v20 =	vmul.f32 v20, v60  }
0x18b: {  	[tilespmem:s26+$0xFFFFFFA0] =	vst v22;
	v25 =	vunpack.i.l.bf16.f32 v57;
	v21 =	vadd.f32 v28, v21;
	v19 =	vadd.f32 v19, v24  }
0x18c: {  	v56 =	vunpack.i.l.bf16.f32 v59;
	v23 =	vunpack.i.u.bf16.f32 v57;
	v22 =	vld [tilespmem:s25+$0xFFFFFE30];
	v18 =	vmul.f32 v25, v18  }
0x18d: {  	v17 =	vmul.f32 v23, v17;
	v28 =	vld [tilespmem:s30+$0x80];
	v20 =	vadd.f32 v21, v20;
	v25 =	vunpack.i.u.bf16.f32 v26;
	[tilespmem:s26+$0x40] =	vst v19  }
0x18e: {  	v18 =	vadd.f32 $0.0e+00, v18;
	v23 =	vunpack.i.l.bf16.f32 v27;
	v19 =	vunpack.i.l.bf16.f32 v26;
	v24 =	vld [tilespmem:s25+$0x50]  }
0x18f: {  	v21 =	vunpack.i.u.bf16.f32 v27;
	v23 =	vmul.f32 v23, v61;
	v16 =	vmul.f32 v19, v16;
	v19 =	vld [tilespmem:s25+$0xFFFFFEB0]  }
0x190: {  	s1 =	sadd.s32 $0x100, s0;
	v47 =	vmul.f32 v25, v15;
	v21 =	vmul.f32 v21, v62;
	v18 =	vadd.f32 v18, v17;
	v29 =	vld [tilespmem:s25+$0x150]  }
0x191: {  	v17 =	vld [tilespmem:s1+$0x0];
	v15 =	vunpack.i.u.bf16.f32 v22;
	v20 =	vadd.f32 v23, v20;
	v23 =	vunpack.i.l.bf16.f32 v22  }
0x192: {  	v54 =	vunpack.i.l.bf16.f32 v28;
	v46 =	vadd.f32 v16, v18;
	v16 =	vmul.f32 v23, v3;
	v23 =	vld [tilespmem:s30+$0x0]  }
0x193: {  	v28 =	vunpack.i.u.bf16.f32 v28;
	v15 =	vmul.f32 v15, v4;
	v26 =	vadd.f32 v20, v21;
	v20 =	vld [tilespmem:s25+$0xD0]  }
0x194: {  	v18 =	vadd.f32 $0.0e+00, v16;
	v22 =	vunpack.i.l.bf16.f32 v24;
	v25 =	vunpack.i.u.bf16.f32 v19  }
0x195: {  	v21 =	vld [tilespmem:s1+$0x10];
	v19 =	vunpack.i.l.bf16.f32 v19;
	v55 =	vunpack.i.l.bf16.f32 v29;
	v22 =	vmul.f32 v22, v41  }
0x196: {  	v50 =	vld [tilespmem:s25+$0x1D0];
	v29 =	vunpack.i.u.bf16.f32 v29;
	v27 =	vmul.f32 v19, v63;
	v19 =	vunpack.i.u.bf16.f32 v24  }
0x197: {  	v16 =	vld [tilespmem:s1+$0x20];
	v24 =	vunpack.i.l.bf16.f32 v23;
	v19 =	vmul.f32 v19, v43;
	v22 =	vadd.f32 $0.0e+00, v22  }
0x198: {  	v30 =	vadd.f32 v18, v15;
	v24 =	vmul.f32 v24, v17;
	v58 =	vunpack.i.l.bf16.f32 v20  }
0x199: {  	v18 =	vld [tilespmem:s1+$0x30];
	v23 =	vunpack.i.u.bf16.f32 v23;
	v19 =	vadd.f32 v22, v19;
	v22 =	vmul.f32 v58, v42  }
0x19a: {  	v51 =	vld [tilespmem:s25+$0xFFFFFF30];
	v23 =	vmul.f32 v23, v21;
	v20 =	vunpack.i.u.bf16.f32 v20;
	v24 =	vadd.f32 $0.0e+00, v24  }
0x19b: {  	v57 =	vunpack.i.l.bf16.f32 v50;
	v15 =	vld [tilespmem:s1+$0x40];
	v20 =	vmul.f32 v20, v40;
	v22 =	vadd.f32 v22, v19  }
0x19c: {  	v53 =	vunpack.i.u.bf16.f32 v50;
	v23 =	vadd.f32 v24, v23;
	v24 =	vmul.f32 v54, v16  }
0x19d: {  	v25 =	vmul.f32 v25, v7;
	v49 =	vmul.f32 v55, v39;
	v19 =	vld [tilespmem:s1+$0x50];
	v22 =	vadd.f32 v22, v20  }
0x19e: {  	v29 =	vmul.f32 v29, v38;
	v23 =	vadd.f32 v24, v23;
	v24 =	vmul.f32 v28, v18;
	v28 =	vld [tilespmem:s30+$0x180]  }
0x19f: {  	v55 =	vunpack.i.u.bf16.f32 v51;
	v27 =	vadd.f32 v27, v30;
	v20 =	vld [tilespmem:s1+$0x60];
	v49 =	vadd.f32 v49, v22  }
0x1a0: {  	v59 =	vld [tilespmem:s25+$0xFFFFFFB0];
	v51 =	vunpack.i.l.bf16.f32 v51;
	v23 =	vadd.f32 v23, v24;
	v24 =	vmul.f32 v56, v15  }
0x1a1: {  	v58 =	vmul.f32 v57, v37;
	v25 =	vadd.f32 v27, v25;
	v22 =	vld [tilespmem:s1+$0x70];
	v29 =	vadd.f32 v49, v29  }
0x1a2: {  	[tilespmem:s24+$0xFFFFFFD0] =	vst v26;
	v56 =	vmul.f32 v51, v8;
	v23 =	vadd.f32 v24, v23;
	v24 =	vmul.f32 v48, v19  }
0x1a3: {  	v54 =	vld [tilespmem:s29+$0xFFFFFE60];
	v48 =	vmul.f32 v53, v36;
	v26 =	vunpack.i.l.bf16.f32 v28;
	v29 =	vadd.f32 v58, v29  }
0x1a4: {  	v50 =	vmul.f32 v55, v0;
	v23 =	vadd.f32 v23, v24;
	v24 =	vmul.f32 v26, v20  }
0x1a5: {  	v30 =	vld [tilespmem:s30+$0xFFFFFE00];
	v25 =	vadd.f32 v56, v25;
	v28 =	vunpack.i.u.bf16.f32 v28;
	v29 =	vadd.f32 v29, v48  }
0x1a6: {  	v57 =	vunpack.i.l.bf16.f32 v59;
	v26 =	vld [tilespmem:s29+$0xFFFFFEE0];
	v28 =	vmul.f32 v28, v22;
	v24 =	vadd.f32 v24, v23  }
0x1a7: {  	v10 =	vld [tilespmem:s1+$0xFFFFFF80];
	v51 =	vmul.f32 v57, v2;
	v25 =	vadd.f32 v25, v50;
	[tilespmem:s26+$0x50] =	vst v29  }
0x1a8: {  	v49 =	vunpack.i.u.bf16.f32 v54;
	v27 =	vadd.f32 v24, v28;
	v28 =	vld [tilespmem:s25+$0x60]  }
0x1a9: {  	s31 =	sadd.s32 $0x100, s26;
	v25 =	vadd.f32 v51, v25;
	v29 =	vunpack.i.u.bf16.f32 v59;
	v24 =	vunpack.i.l.bf16.f32 v54  }
0x1aa: {  	v59 =	vunpack.i.l.bf16.f32 v30;
	v29 =	vmul.f32 v29, v1;
	v58 =	vmul.f32 v24, v35;
	v24 =	vld [tilespmem:s1+$0xFFFFFF90];
	[tilespmem:s31+$0x0] =	vst v27  }
0x1ab: {  	v48 =	vunpack.i.u.bf16.f32 v26;
	v26 =	vunpack.i.l.bf16.f32 v26;
	v27 =	vmul.f32 v49, v34;
	v49 =	vld [tilespmem:s30+$0x10]  }
0x1ac: {  	v30 =	vunpack.i.u.bf16.f32 v30;
	v53 =	vld [tilespmem:s25+$0xE0];
	v54 =	vmul.f32 v26, v33;
	v26 =	vmul.f32 v59, v10  }
0x1ad: {  	v48 =	vmul.f32 v48, v31;
	v52 =	vadd.f32 $0.0e+00, v58;
	v56 =	vunpack.i.l.bf16.f32 v28  }
0x1ae: {  	v29 =	vadd.f32 v25, v29;
	v51 =	vadd.f32 $0.0e+00, v26;
	v50 =	vmul.f32 v56, v41  }
0x1af: {  	v27 =	vadd.f32 v52, v27;
	v52 =	vld [tilespmem:s30+$0x90];
	v26 =	vunpack.i.u.bf16.f32 v28;
	v30 =	vmul.f32 v30, v24  }
0x1b0: {  	v26 =	vmul.f32 v26, v43;
	v55 =	vunpack.i.l.bf16.f32 v49;
	v50 =	vadd.f32 $0.0e+00, v50  }
0x1b1: {  	v57 =	vunpack.i.l.bf16.f32 v53;
	v53 =	vunpack.i.u.bf16.f32 v53;
	v56 =	vld [tilespmem:s25+$0x160];
	v55 =	vmul.f32 v55, v17  }
0x1b2: {  	v49 =	vunpack.i.u.bf16.f32 v49;
	v26 =	vadd.f32 v50, v26;
	v50 =	vmul.f32 v57, v42  }
0x1b3: {  	v28 =	vld [tilespmem:s30+$0xFFFFFE80];
	v54 =	vadd.f32 v54, v27;
	v49 =	vmul.f32 v49, v21;
	v55 =	vadd.f32 $0.0e+00, v55  }
0x1b4: {  	v57 =	vunpack.i.l.bf16.f32 v52;
	v26 =	vadd.f32 v50, v26;
	v50 =	vmul.f32 v53, v40;
	v53 =	vld [tilespmem:s30+$0x110]  }
0x1b5: {  	v52 =	vunpack.i.u.bf16.f32 v52;
	v25 =	vadd.f32 v55, v49;
	v49 =	vmul.f32 v57, v16;
	v57 =	vld [tilespmem:s25+$0x1E0]  }
0x1b6: {  	v30 =	vadd.f32 v51, v30;
	v58 =	vunpack.i.l.bf16.f32 v56;
	v52 =	vmul.f32 v52, v18  }
0x1b7: {  	v58 =	vmul.f32 v58, v39;
	v50 =	vadd.f32 v26, v50;
	v26 =	vld [tilespmem:s1+$0xFFFFFFA0];
	v49 =	vadd.f32 v49, v25  }
0x1b8: {  	v56 =	vunpack.i.u.bf16.f32 v56;
	v55 =	vunpack.i.u.bf16.f32 v28;
	v28 =	vunpack.i.l.bf16.f32 v28;
	v25 =	vld [tilespmem:s1+$0xFFFFFFB0]  }
0x1b9: {  	v51 =	vmul.f32 v56, v38;
	v56 =	vld [tilespmem:s30+$0x190];
	v50 =	vadd.f32 v58, v50;
	v49 =	vadd.f32 v49, v52  }
0x1ba: {  	v27 =	vunpack.i.l.bf16.f32 v53;
	v58 =	vunpack.i.l.bf16.f32 v57;
	v53 =	vunpack.i.u.bf16.f32 v53  }
0x1bb: {  	v52 =	vld [tilespmem:s29+$0xFFFFFF60];
	v27 =	vmul.f32 v27, v15;
	v50 =	vadd.f32 v50, v51;
	v58 =	vmul.f32 v58, v37  }
0x1bc: {  	v46 =	vadd.f32 v46, v47;
	v51 =	vld [tilespmem:s30+$0xFFFFFF00];
	v53 =	vmul.f32 v53, v19;
	v59 =	vmul.f32 v28, v26  }
0x1bd: {  	v28 =	vld [tilespmem:s1+$0xFFFFFFC0];
	v55 =	vmul.f32 v55, v25;
	v49 =	vadd.f32 v27, v49;
	v50 =	vadd.f32 v58, v50  }
0x1be: {  	[tilespmem:s26+$0xFFFFFFB0] =	vst v29;
	v27 =	vld [tilespmem:s1+$0xFFFFFFD0];
	v58 =	vunpack.i.l.bf16.f32 v56;
	v29 =	vadd.f32 v59, v30;
	v30 =	vunpack.i.u.bf16.f32 v57  }
0x1bf: {  	v56 =	vunpack.i.u.bf16.f32 v56;
	v57 =	vld [tilespmem:s25+$0xFFFFFE40];
	v58 =	vmul.f32 v58, v20;
	v30 =	vmul.f32 v30, v36  }
0x1c0: {  	v56 =	vmul.f32 v56, v22;
	v49 =	vadd.f32 v49, v53;
	v53 =	vunpack.i.l.bf16.f32 v52  }
0x1c1: {  	v59 =	vld [tilespmem:s30+$0xFFFFFF80];
	v55 =	vadd.f32 v29, v55;
	v29 =	vunpack.i.l.bf16.f32 v51;
	v30 =	vadd.f32 v50, v30  }
0x1c2: {  	v51 =	vunpack.i.u.bf16.f32 v51;
	v50 =	vmul.f32 v29, v28;
	v49 =	vadd.f32 v58, v49;
	v29 =	vld [tilespmem:s1+$0xFFFFFFE0]  }
0x1c3: {  	v48 =	vadd.f32 v54, v48;
	v53 =	vmul.f32 v53, v32;
	v51 =	vmul.f32 v51, v27;
	[tilespmem:s26+$0x60] =	vst v30  }
0x1c4: {  	v50 =	vadd.f32 v50, v55;
	v30 =	vunpack.i.l.bf16.f32 v57;
	v49 =	vadd.f32 v49, v56;
	v55 =	vld [tilespmem:s25+$0x70]  }
0x1c5: {  	v52 =	vunpack.i.u.bf16.f32 v52;
	v47 =	vadd.f32 v53, v48;
	v56 =	vmul.f32 v30, v3;
	v30 =	vld [tilespmem:s1+$0xFFFFFFF0]  }
0x1c6: {  	v54 =	vld [tilespmem:s25+$0xFFFFFEC0];
	v57 =	vunpack.i.u.bf16.f32 v57;
	v50 =	vadd.f32 v50, v51;
	v51 =	vunpack.i.l.bf16.f32 v59;
	[tilespmem:s31+$0x10] =	vst v49  }
0x1c7: {  	v49 =	vmul.f32 v51, v29;
	v51 =	vmul.f32 v57, v4;
	v56 =	vadd.f32 $0.0e+00, v56;
	v48 =	vld [tilespmem:s30+$0x20]  }
0x1c8: {  	v58 =	vmul.f32 v52, v60  }
0x1c9: {  	v49 =	vadd.f32 v49, v50;
	v50 =	vadd.f32 v56, v51;
	v51 =	vld [tilespmem:s25+$0xF0];
	v56 =	vunpack.i.u.bf16.f32 v59  }
0x1ca: {  	v53 =	vunpack.i.l.bf16.f32 v55;
	v56 =	vmul.f32 v56, v30;
	v55 =	vunpack.i.u.bf16.f32 v55  }
0x1cb: {  	v41 =	vmul.f32 v53, v41;
	v53 =	vunpack.i.l.bf16.f32 v54;
	v43 =	vmul.f32 v55, v43  }
0x1cc: {  	v53 =	vmul.f32 v53, v63;
	v49 =	vadd.f32 v49, v56;
	v55 =	vunpack.i.l.bf16.f32 v48  }
0x1cd: {  	v56 =	vld [tilespmem:s25+$0x170];
	v48 =	vunpack.i.u.bf16.f32 v48;
	v41 =	vadd.f32 $0.0e+00, v41;
	v55 =	vmul.f32 v55, v17  }
0x1ce: {  	v52 =	vld [tilespmem:s25+$0x1F0];
	v48 =	vmul.f32 v48, v21;
	v50 =	vadd.f32 v53, v50;
	v57 =	vunpack.i.l.bf16.f32 v51  }
0x1cf: {  	v53 =	vld [tilespmem:s30+$0xA0];
	v41 =	vadd.f32 v41, v43;
	v42 =	vmul.f32 v57, v42;
	v59 =	vadd.f32 $0.0e+00, v55  }
0x1d0: {  	v54 =	vunpack.i.u.bf16.f32 v54;
	v51 =	vunpack.i.u.bf16.f32 v51;
	v43 =	vadd.f32 v47, v58  }
0x1d1: {  	v40 =	vmul.f32 v51, v40;
	v41 =	vadd.f32 v42, v41;
	v48 =	vadd.f32 v59, v48  }
0x1d2: {  	v58 =	vunpack.i.l.bf16.f32 v56;
	v59 =	vmul.f32 v54, v7;
	v56 =	vunpack.i.u.bf16.f32 v56  }
0x1d3: {  	v42 =	vld [tilespmem:s30+$0x120];
	v39 =	vmul.f32 v58, v39;
	v38 =	vmul.f32 v56, v38  }
0x1d4: {  	v51 =	vld [tilespmem:s29+$0xFFFFFFE0];
	v58 =	vunpack.i.l.bf16.f32 v52;
	v57 =	vunpack.i.l.bf16.f32 v53;
	v40 =	vadd.f32 v41, v40  }
0x1d5: {  	v55 =	vunpack.i.u.bf16.f32 v53;
	v41 =	vadd.f32 v50, v59;
	v47 =	vmul.f32 v57, v16  }
0x1d6: {  	[tilespmem:s31+$0xFFFFFF80] =	vst v49;
	v37 =	vmul.f32 v58, v37;
	v59 =	vunpack.i.u.bf16.f32 v52;
	v39 =	vadd.f32 v39, v40;
	v40 =	vld [tilespmem:s30+$0x1A0]  }
0x1d7: {  	v49 =	vmul.f32 v55, v18;
	v36 =	vmul.f32 v59, v36;
	v47 =	vadd.f32 v47, v48;
	v48 =	vld [tilespmem:s30+$0xFFFFFE10]  }
0x1d8: {  	v57 =	vunpack.i.l.bf16.f32 v42;
	v42 =	vunpack.i.u.bf16.f32 v42;
	v38 =	vadd.f32 v39, v38  }
0x1d9: {  	v53 =	vmul.f32 v57, v15;
	v39 =	vld [tilespmem:s30+$0xFFFFFE90];
	v47 =	vadd.f32 v47, v49;
	v49 =	vunpack.i.l.bf16.f32 v51  }
0x1da: {  	v42 =	vmul.f32 v42, v19;
	v37 =	vadd.f32 v37, v38;
	v49 =	vmul.f32 v49, v61  }
0x1db: {  	v47 =	vadd.f32 v53, v47;
	v53 =	vld [tilespmem:s25+$0xFFFFFF40];
	v57 =	vunpack.i.l.bf16.f32 v40;
	v40 =	vunpack.i.u.bf16.f32 v40  }
0x1dc: {  	v56 =	vunpack.i.l.bf16.f32 v48;
	v38 =	vmul.f32 v57, v20;
	v58 =	vunpack.i.u.bf16.f32 v48  }
0x1dd: {  	v48 =	vld [tilespmem:s30+$0xFFFFFF10];
	v40 =	vmul.f32 v40, v22;
	v36 =	vadd.f32 v37, v36;
	v52 =	vmul.f32 v56, v10  }
0x1de: {  	v42 =	vadd.f32 v47, v42;
	v55 =	vunpack.i.l.bf16.f32 v39;
	v39 =	vunpack.i.u.bf16.f32 v39  }
0x1df: {  	v47 =	vmul.f32 v58, v24;
	v39 =	vmul.f32 v39, v25;
	v59 =	vadd.f32 $0.0e+00, v52;
	v52 =	vld [tilespmem:s28+$0xFFFFFF70]  }
0x1e0: {  	v38 =	vadd.f32 v38, v42;
	v42 =	vmul.f32 v55, v26;
	v56 =	vunpack.i.l.bf16.f32 v53  }
0x1e1: {  	v55 =	vadd.f32 v49, v43;
	v47 =	vadd.f32 v59, v47;
	v50 =	vmul.f32 v56, v8  }
0x1e2: {  	v57 =	vadd.f32 v38, v40;
	v58 =	vunpack.i.l.bf16.f32 v48;
	v56 =	vunpack.i.u.bf16.f32 v51  }
0x1e3: {  	v38 =	vmul.f32 v58, v28;
	v42 =	vadd.f32 v42, v47;
	v47 =	vld [tilespmem:s30+$0xFFFFFF90];
	v54 =	vadd.f32 v50, v41  }
0x1e4: {  	[tilespmem:s31+$0x20] =	vst v57;
	v57 =	vunpack.i.u.bf16.f32 v48;
	v41 =	vmul.f32 v56, v62;
	v59 =	vunpack.i.l.bf16.f32 v52  }
0x1e5: {  	v58 =	vld [tilespmem:s30+$0x30];
	v39 =	vadd.f32 v42, v39;
	v14 =	vmul.f32 v59, v14;
	v59 =	vunpack.i.u.bf16.f32 v53  }
0x1e6: {  	v43 =	vmul.f32 v57, v27;
	v56 =	vunpack.i.u.bf16.f32 v52;
	v48 =	vmul.f32 v59, v0  }
0x1e7: {  	v42 =	vld [tilespmem:s25+$0xFFFFFFC0];
	v40 =	vadd.f32 v55, v41;
	v13 =	vmul.f32 v56, v13;
	v38 =	vadd.f32 v38, v39  }
0x1e8: {  	v53 =	vld [tilespmem:s30+$0xB0];
	v14 =	vadd.f32 v14, v46;
	v50 =	vunpack.i.l.bf16.f32 v47;
	v37 =	vadd.f32 v54, v48  }
0x1e9: {  	v47 =	vunpack.i.u.bf16.f32 v47;
	v38 =	vadd.f32 v38, v43;
	v46 =	vmul.f32 v50, v29  }
0x1ea: {  	v54 =	vld [tilespmem:s28+$0xFFFFFFF0];
	v55 =	vunpack.i.l.bf16.f32 v58;
	v47 =	vmul.f32 v47, v30;
	v39 =	vunpack.i.u.bf16.f32 v58  }
0x1eb: {  	v13 =	vadd.f32 v14, v13;
	v38 =	vadd.f32 v46, v38;
	v46 =	vmul.f32 v55, v17  }
0x1ec: {  	v51 =	vunpack.i.l.bf16.f32 v42;
	v39 =	vmul.f32 v39, v21;
	v58 =	vunpack.i.u.bf16.f32 v42;
	v55 =	vld [tilespmem:s30+$0x1B0]  }
0x1ed: {  	[tilespmem:s24+$0xFFFFFFE0] =	vst v40;
	v14 =	vunpack.i.l.bf16.f32 v53;
	v43 =	vmul.f32 v51, v2;
	v57 =	vadd.f32 $0.0e+00, v46;
	v46 =	vld [tilespmem:s30+$0x130]  }
0x1ee: {  	v41 =	vunpack.i.u.bf16.f32 v53;
	v14 =	vmul.f32 v14, v16;
	v38 =	vadd.f32 v38, v47;
	v47 =	vld [tilespmem:s29+$0xFFFFFE70]  }
0x1ef: {  	v40 =	vmul.f32 v58, v1;
	v37 =	vadd.f32 v43, v37;
	v59 =	vunpack.i.l.bf16.f32 v54  }
0x1f0: {  	v49 =	vmovc v2;
	v53 =	vunpack.i.u.bf16.f32 v54;
	v2 =	vmul.f32 v59, v11;
	v39 =	vadd.f32 v57, v39;
	[tilespmem:s31+$0xFFFFFF90] =	vst v38  }
0x1f1: {  	v54 =	vmul.f32 v41, v18;
	v12 =	vmul.f32 v53, v12;
	v37 =	vadd.f32 v37, v40;
	v52 =	vld [tilespmem:s30+$0xFFFFFE20]  }
0x1f2: {  	v11 =	vadd.f32 v2, v13;
	v57 =	vld [tilespmem:s30+$0xFFFFFEA0];
	v41 =	vunpack.i.u.bf16.f32 v55;
	v14 =	vadd.f32 v14, v39  }
0x1f3: {  	[tilespmem:s26+$0xFFFFFFC0] =	vst v37;
	v56 =	vunpack.i.l.bf16.f32 v46;
	v37 =	vunpack.i.u.bf16.f32 v47;
	v38 =	vunpack.i.l.bf16.f32 v47  }
0x1f4: {  	v51 =	vld [tilespmem:s30+$0xFFFFFF20];
	v58 =	vunpack.i.u.bf16.f32 v46;
	v13 =	vadd.f32 v14, v54;
	v14 =	vmul.f32 v56, v15  }
0x1f5: {  	v47 =	vunpack.i.l.bf16.f32 v55;
	v35 =	vmul.f32 v38, v35;
	v34 =	vmul.f32 v37, v34  }
0x1f6: {  	v59 =	vld [tilespmem:s25+$0xFFFFFE50];
	v13 =	vadd.f32 v14, v13;
	v14 =	vmul.f32 v58, v19;
	v46 =	vunpack.i.l.bf16.f32 v52  }
0x1f7: {  	v50 =	vunpack.i.u.bf16.f32 v52;
	v53 =	vunpack.i.l.bf16.f32 v57;
	v39 =	vunpack.i.u.bf16.f32 v57  }
0x1f8: {  	v40 =	vmul.f32 v46, v10;
	v13 =	vadd.f32 v13, v14;
	v14 =	vmul.f32 v47, v20  }
0x1f9: {  	v52 =	vld [tilespmem:s25+$0xFFFFFED0];
	v56 =	vunpack.i.l.bf16.f32 v51;
	v42 =	vunpack.i.u.bf16.f32 v51;
	v38 =	vmul.f32 v50, v24  }
0x1fa: {  	v55 =	vld [tilespmem:s30+$0xFFFFFFA0];
	v40 =	vadd.f32 $0.0e+00, v40;
	v13 =	vadd.f32 v14, v13;
	v14 =	vmul.f32 v41, v22  }
0x1fb: {  	v35 =	vadd.f32 $0.0e+00, v35;
	v39 =	vmul.f32 v39, v25;
	v54 =	vunpack.i.l.bf16.f32 v59  }
0x1fc: {  	v43 =	vld [tilespmem:s29+$0xFFFFFEF0];
	v41 =	vmul.f32 v53, v26;
	v38 =	vadd.f32 v40, v38;
	v13 =	vadd.f32 v13, v14  }
0x1fd: {  	v42 =	vmul.f32 v42, v27;
	v34 =	vadd.f32 v35, v34;
	v40 =	vmul.f32 v54, v3  }
0x1fe: {  	v57 =	vunpack.i.l.bf16.f32 v52;
	v14 =	vunpack.i.u.bf16.f32 v59;
	v38 =	vadd.f32 v41, v38;
	[tilespmem:s31+$0x30] =	vst v13  }
0x1ff: {  	v59 =	vunpack.i.l.bf16.f32 v55;
	v14 =	vmul.f32 v14, v4;
	v13 =	vadd.f32 $0.0e+00, v40;
	v58 =	vld [tilespmem:s30+$0x40]  }
0x200: {  	v41 =	vmul.f32 v56, v28;
	v50 =	vmul.f32 v59, v29;
	v38 =	vadd.f32 v38, v39;
	v51 =	vld [tilespmem:s30+$0xC0]  }
0x201: {  	v59 =	vunpack.i.l.bf16.f32 v43;
	v40 =	vmul.f32 v57, v63;
	v13 =	vadd.f32 v13, v14;
	v14 =	vld [tilespmem:s25+$0xFFFFFF50]  }
0x202: {  	v46 =	vunpack.i.u.bf16.f32 v52;
	v33 =	vmul.f32 v59, v33;
	v38 =	vadd.f32 v41, v38  }
0x203: {  	v52 =	vunpack.i.u.bf16.f32 v55;
	v46 =	vmul.f32 v46, v7;
	v13 =	vadd.f32 v40, v13  }
0x204: {  	v55 =	vld [tilespmem:s25+$0xFFFFFFD0];
	v33 =	vadd.f32 v33, v34;
	v41 =	vmul.f32 v52, v30;
	v38 =	vadd.f32 v38, v42  }
0x205: {  	v53 =	vunpack.i.l.bf16.f32 v58;
	v13 =	vadd.f32 v13, v46;
	v39 =	vunpack.i.u.bf16.f32 v58  }
0x206: {  	v57 =	vld [tilespmem:s30+$0x140];
	v56 =	vunpack.i.l.bf16.f32 v51;
	v40 =	vunpack.i.u.bf16.f32 v51;
	v54 =	vunpack.i.l.bf16.f32 v14  }
0x207: {  	v42 =	vmul.f32 v53, v17;
	v37 =	vadd.f32 v50, v38;
	v39 =	vmul.f32 v39, v21  }
0x208: {  	v14 =	vunpack.i.u.bf16.f32 v14;
	v58 =	vmul.f32 v56, v16;
	v46 =	vmul.f32 v54, v8  }
0x209: {  	v50 =	vunpack.i.l.bf16.f32 v55;
	v38 =	vunpack.i.u.bf16.f32 v55;
	v53 =	vld [tilespmem:s30+$0x1C0];
	v42 =	vadd.f32 $0.0e+00, v42  }
0x20a: {  	v14 =	vmul.f32 v14, v0;
	v37 =	vadd.f32 v37, v41;
	v13 =	vadd.f32 v46, v13  }
0x20b: {  	v40 =	vmul.f32 v40, v18;
	v55 =	vunpack.i.l.bf16.f32 v57;
	v39 =	vadd.f32 v42, v39  }
0x20c: {  	v56 =	vunpack.i.u.bf16.f32 v43;
	v57 =	vunpack.i.u.bf16.f32 v57;
	[tilespmem:s31+$0xFFFFFFA0] =	vst v37;
	v13 =	vadd.f32 v13, v14;
	v14 =	vld [tilespmem:s29+$0xFFFFFF70]  }
0x20d: {  	v51 =	vmul.f32 v50, v49;
	v52 =	vmul.f32 v38, v1;
	v54 =	vld [tilespmem:s30+$0xFFFFFE30];
	v39 =	vadd.f32 v58, v39  }
0x20e: {  	v31 =	vmul.f32 v56, v31;
	v34 =	vmul.f32 v57, v19;
	v47 =	vld [tilespmem:s30+$0xFFFFFF30];
	v37 =	vunpack.i.u.bf16.f32 v53  }
0x20f: {  	v13 =	vadd.f32 v51, v13;
	v39 =	vadd.f32 v39, v40;
	v40 =	vmul.f32 v55, v15  }
0x210: {  	v31 =	vadd.f32 v33, v31;
	v46 =	vunpack.i.l.bf16.f32 v53;
	v58 =	vld [tilespmem:s30+$0xFFFFFEB0];
	v37 =	vmul.f32 v37, v22  }
0x211: {  	v51 =	vmul.f32 v46, v20;
	v13 =	vadd.f32 v13, v52;
	v39 =	vadd.f32 v40, v39  }
0x212: {  	v52 =	vld [tilespmem:s30+$0xFFFFFFB0];
	v59 =	vunpack.i.l.bf16.f32 v14;
	v50 =	vunpack.i.l.bf16.f32 v54;
	v38 =	vunpack.i.u.bf16.f32 v54  }
0x213: {  	v56 =	vunpack.i.u.bf16.f32 v47;
	v32 =	vmul.f32 v59, v32;
	v34 =	vadd.f32 v39, v34  }
0x214: {  	v57 =	vunpack.i.l.bf16.f32 v47;
	v40 =	vmul.f32 v50, v10;
	[tilespmem:s26+$0xFFFFFFD0] =	vst v13;
	v38 =	vmul.f32 v38, v24  }
0x215: {  	v54 =	vunpack.i.u.bf16.f32 v58;
	v35 =	vunpack.i.l.bf16.f32 v58;
	v53 =	vld [tilespmem:s25+$0xFFFFFE60];
	v34 =	vadd.f32 v51, v34  }
0x216: {  	[tilespmem:s24+$0x70] =	vst v44;
	v13 =	vld [tilespmem:s29+$0xFFFFFFF0];
	v44 =	vmul.f32 v57, v28;
	v35 =	vmul.f32 v35, v26;
	v40 =	vadd.f32 $0.0e+00, v40  }
0x217: {  	v39 =	vmul.f32 v54, v25;
	v33 =	vld [tilespmem:s25+$0xFFFFFF60];
	v58 =	vunpack.i.l.bf16.f32 v52;
	v37 =	vadd.f32 v34, v37  }
0x218: {  	[tilespmem:s23+$0x70] =	vst v45;
	v59 =	vunpack.i.u.bf16.f32 v52;
	v55 =	vadd.f32 v40, v38;
	v40 =	vmul.f32 v56, v27;
	v38 =	vld [tilespmem:s25+$0xFFFFFFE0]  }
0x219: {  	s0 =	simm.s32 $0x6;
	v43 =	vmul.f32 v58, v29;
	v41 =	vmul.f32 v59, v30;
	v34 =	vld [tilespmem:s25+$0xFFFFFEE0];
	[tilespmem:s31+$0x40] =	vst v37  }
0x21a: {  	v23 =	vmovc v1;
	s1 =	sadd.s32 $0x100, s1;
	[tilespmem:s26+$0x70] =	vst v36;
	s28 =	smov.u32 s31;
	v48 =	vmovc v0;
	s29 =	smov.u32 s30;
	v45 =	vadd.f32 v35, v55;
	v35 =	vunpack.i.u.bf16.f32 v53;
	v36 =	vunpack.i.l.bf16.f32 v53;
	v37 =	vld [tilespmem:s30+$0x50]  }
.LBB2_3:
0x21b: {  	v36 =	vmul.f32 v36, v3  }
0x21c: {  	v42 =	vld [tilespmem:s1+$0x0];
	v39 =	vadd.f32 v45, v39  }
0x21d: {  	s30 =	sadd.s32 $0x400, s30;
	v35 =	vmul.f32 v35, v4;
	v59 =	vld [tilespmem:s29+$0xD0];
	v36 =	vadd.f32 $0.0e+00, v36  }
0x21e: {  	v45 =	vld [tilespmem:s30+$0x0];
	v44 =	vadd.f32 v44, v39;
	v46 =	vunpack.i.u.bf16.f32 v34  }
0x21f: {  	[tilespmem:$0x1FFD0] =	vst v63;
	v55 =	vld [tilespmem:s30+$0x100];
	v58 =	vunpack.i.l.bf16.f32 v34;
	v47 =	vunpack.i.l.bf16.f32 v33;
	v51 =	vadd.f32 v36, v35  }
0x220: {  	[tilespmem:$0x1FFC0] =	vst v11;
	v11 =	vmovc v49;
	v39 =	vld [tilespmem:s1+$0x20];
	v49 =	vmul.f32 v58, v63;
	v63 =	vunpack.i.l.bf16.f32 v37;
	v50 =	vmul.f32 v46, v7  }
0x221: {  	v53 =	vunpack.i.u.bf16.f32 v33;
	v52 =	vmul.f32 v47, v8;
	v46 =	vld [tilespmem:s1+$0x10];
	v34 =	vmul.f32 v63, v17  }
0x222: {  	v35 =	vld [tilespmem:s30+$0x80];
	v44 =	vadd.f32 v44, v40;
	v47 =	vunpack.i.u.bf16.f32 v37;
	v57 =	vunpack.i.l.bf16.f32 v59  }
0x223: {  	v37 =	vld [tilespmem:s29+$0x150];
	v56 =	vunpack.i.l.bf16.f32 v45;
	v36 =	vmul.f32 v47, v21;
	v34 =	vadd.f32 $0.0e+00, v34  }
0x224: {  	v40 =	vld [tilespmem:s1+$0x40];
	v59 =	vunpack.i.u.bf16.f32 v59;
	v45 =	vunpack.i.u.bf16.f32 v45;
	v33 =	vmul.f32 v56, v42  }
0x225: {  	v58 =	vmul.f32 v57, v16;
	v43 =	vadd.f32 v43, v44;
	v44 =	vld [tilespmem:s1+$0x30];
	v34 =	vadd.f32 v34, v36  }
0x226: {  	v63 =	vmul.f32 v59, v18;
	v57 =	vld [tilespmem:s30+$0xFFFFFE00];
	v33 =	vadd.f32 $0.0e+00, v33;
	v45 =	vmul.f32 v45, v46  }
0x227: {  	[tilespmem:$0x1FFB0] =	vst v12;
	v12 =	vmovc v48;
	v56 =	vld [tilespmem:s29+$0x1D0];
	v48 =	vunpack.i.l.bf16.f32 v35;
	v35 =	vunpack.i.u.bf16.f32 v35;
	v34 =	vadd.f32 v58, v34  }
0x228: {  	v47 =	vld [tilespmem:s1+$0x60];
	v59 =	vunpack.i.l.bf16.f32 v37;
	v33 =	vadd.f32 v33, v45;
	v58 =	vmul.f32 v48, v39  }
0x229: {  	v43 =	vadd.f32 v43, v41;
	v45 =	vld [tilespmem:s1+$0x50];
	v34 =	vadd.f32 v34, v63;
	v63 =	vmul.f32 v59, v15  }
0x22a: {  	v37 =	vunpack.i.u.bf16.f32 v37;
	v35 =	vmul.f32 v35, v44;
	v33 =	vadd.f32 v58, v33;
	v58 =	vld [tilespmem:s30+$0x180]  }
0x22b: {  	v41 =	vld [tilespmem:s1+$0xFFFFFFD0];
	v37 =	vmul.f32 v37, v19;
	v59 =	vunpack.i.l.bf16.f32 v55;
	v34 =	vadd.f32 v63, v34  }
0x22c: {  	v36 =	vld [tilespmem:s1+$0xFFFFFF80];
	v33 =	vadd.f32 v33, v35;
	v63 =	vmul.f32 v59, v40;
	v59 =	vunpack.i.l.bf16.f32 v56  }
0x22d: {  	[tilespmem:$0x1FFE0] =	vst v7;
	v48 =	vld [tilespmem:s1+$0x70];
	v55 =	vunpack.i.u.bf16.f32 v55;
	v59 =	vmul.f32 v59, v20;
	v34 =	vadd.f32 v34, v37  }
0x22e: {  	[tilespmem:$0x1FFF0] =	vst v8;
	v7 =	vmovc v60;
	v35 =	vunpack.i.u.bf16.f32 v56;
	v55 =	vmul.f32 v55, v45;
	v37 =	vld [tilespmem:s1+$0xFFFFFF90];
	v33 =	vadd.f32 v63, v33  }
0x22f: {  	v8 =	vmovc v3;
	v3 =	vmovc v61;
	v56 =	vld [tilespmem:s30+$0xFFFFFE80];
	v61 =	vmul.f32 v35, v22;
	v60 =	vunpack.i.l.bf16.f32 v58;
	v59 =	vadd.f32 v59, v34  }
0x230: {  	v9 =	vmovc v4;
	v4 =	vmovc v62;
	v62 =	vunpack.i.l.bf16.f32 v57;
	v35 =	vld [tilespmem:s1+$0xFFFFFFA0];
	v33 =	vadd.f32 v33, v55;
	v55 =	vmul.f32 v60, v47  }
0x231: {  	v58 =	vunpack.i.u.bf16.f32 v58;
	v34 =	vld [tilespmem:s1+$0xFFFFFFB0];
	v60 =	vmul.f32 v62, v36;
	v59 =	vadd.f32 v59, v61  }
0x232: {  	v57 =	vunpack.i.u.bf16.f32 v57;
	v58 =	vmul.f32 v58, v48;
	v61 =	vld [tilespmem:s30+$0xFFFFFF00];
	v55 =	vadd.f32 v55, v33  }
0x233: {  	v54 =	vunpack.i.l.bf16.f32 v38;
	v33 =	vld [tilespmem:s1+$0xFFFFFFC0];
	v60 =	vadd.f32 $0.0e+00, v60;
	v57 =	vmul.f32 v57, v37;
	[tilespmem:s31+$0x50] =	vst v59  }
0x234: {  	v63 =	vunpack.i.u.bf16.f32 v56;
	v56 =	vunpack.i.l.bf16.f32 v56;
	v55 =	vadd.f32 v55, v58;
	v58 =	vld [tilespmem:s29+$0x60]  }
0x235: {  	v38 =	vunpack.i.u.bf16.f32 v38;
	v56 =	vmul.f32 v56, v35;
	[tilespmem:s28+$0xFFFFFFB0] =	vst v43;
	s31 =	sadd.s32 $0x100, s31;
	v57 =	vadd.f32 v60, v57  }
0x236: {  	v43 =	vadd.f32 v49, v51;
	v51 =	vmul.f32 v53, v12;
	v49 =	vmul.f32 v63, v34;
	[tilespmem:s31+$0x0] =	vst v55  }
0x237: {  	v53 =	vadd.f32 v56, v57;
	v55 =	vunpack.i.u.bf16.f32 v61;
	v61 =	vunpack.i.l.bf16.f32 v61;
	v57 =	vld [tilespmem:s30+$0x10]  }
0x238: {  	v60 =	vld [tilespmem:s29+$0xE0];
	v56 =	vmul.f32 v61, v33;
	v61 =	vadd.f32 v43, v50;
	v50 =	vmul.f32 v54, v11  }
0x239: {  	v55 =	vmul.f32 v55, v41;
	v53 =	vadd.f32 v53, v49;
	v62 =	vunpack.i.l.bf16.f32 v58  }
0x23a: {  	v49 =	vmul.f32 v38, v23;
	v54 =	vmul.f32 v62, v17  }
0x23b: {  	v61 =	vadd.f32 v52, v61;
	v58 =	vunpack.i.u.bf16.f32 v58;
	v52 =	vadd.f32 v56, v53;
	v56 =	vld [tilespmem:s30+$0x90]  }
0x23c: {  	v63 =	vld [tilespmem:s29+$0x160];
	v58 =	vmul.f32 v58, v21;
	v62 =	vunpack.i.l.bf16.f32 v57;
	v54 =	vadd.f32 $0.0e+00, v54  }
0x23d: {  	v0 =	vunpack.i.l.bf16.f32 v60;
	v52 =	vadd.f32 v52, v55;
	v55 =	vmul.f32 v62, v42  }
0x23e: {  	v57 =	vunpack.i.u.bf16.f32 v57;
	v0 =	vmul.f32 v0, v16;
	v54 =	vadd.f32 v54, v58  }
0x23f: {  	v60 =	vunpack.i.u.bf16.f32 v60;
	v57 =	vmul.f32 v57, v46;
	v55 =	vadd.f32 $0.0e+00, v55;
	v58 =	vld [tilespmem:s30+$0x110]  }
0x240: {  	v2 =	vunpack.i.l.bf16.f32 v56;
	v0 =	vadd.f32 v0, v54;
	v54 =	vmul.f32 v60, v18;
	v60 =	vld [tilespmem:s29+$0x1E0]  }
0x241: {  	v5 =	vunpack.i.l.bf16.f32 v63;
	v55 =	vadd.f32 v55, v57;
	v2 =	vmul.f32 v2, v39  }
0x242: {  	v59 =	vld [tilespmem:s30+$0xFFFFFF80];
	v5 =	vmul.f32 v5, v15;
	v56 =	vunpack.i.u.bf16.f32 v56;
	v0 =	vadd.f32 v0, v54  }
0x243: {  	v2 =	vadd.f32 v2, v55;
	v54 =	vmul.f32 v56, v44;
	v55 =	vld [tilespmem:s30+$0x190];
	v56 =	vunpack.i.u.bf16.f32 v63  }
0x244: {  	v63 =	vunpack.i.l.bf16.f32 v58;
	v0 =	vadd.f32 v5, v0;
	v5 =	vmul.f32 v56, v19  }
0x245: {  	v43 =	vld [tilespmem:s1+$0xFFFFFFE0];
	v2 =	vadd.f32 v2, v54;
	v54 =	vmul.f32 v63, v40;
	v63 =	vunpack.i.l.bf16.f32 v60  }
0x246: {  	v38 =	vld [tilespmem:s1+$0xFFFFFFF0];
	v58 =	vunpack.i.u.bf16.f32 v58;
	v0 =	vadd.f32 v0, v5;
	v5 =	vmul.f32 v63, v20  }
0x247: {  	v53 =	vunpack.i.l.bf16.f32 v59;
	v62 =	vld [tilespmem:s29+$0xFFFFFE40];
	v2 =	vadd.f32 v54, v2;
	v54 =	vmul.f32 v58, v45  }
0x248: {  	v1 =	vld [tilespmem:s29+$0xFFFFFEC0];
	v63 =	vunpack.i.u.bf16.f32 v60;
	v60 =	vunpack.i.l.bf16.f32 v55;
	v0 =	vadd.f32 v5, v0  }
0x249: {  	v5 =	vmul.f32 v63, v22;
	v2 =	vadd.f32 v2, v54;
	v63 =	vmul.f32 v60, v47  }
0x24a: {  	v53 =	vmul.f32 v53, v43;
	v57 =	vld [tilespmem:s29+$0xFFFFFF40];
	v55 =	vunpack.i.u.bf16.f32 v55;
	v60 =	vunpack.i.u.bf16.f32 v59  }
0x24b: {  	v0 =	vadd.f32 v0, v5;
	v2 =	vadd.f32 v63, v2;
	v63 =	vmul.f32 v55, v48  }
0x24c: {  	v59 =	vunpack.i.u.bf16.f32 v62;
	v58 =	vmul.f32 v60, v38;
	v5 =	vadd.f32 v53, v52  }
0x24d: {  	v6 =	vld [tilespmem:s29+$0xFFFFFFC0];
	v60 =	vunpack.i.l.bf16.f32 v62;
	v62 =	vunpack.i.u.bf16.f32 v1;
	[tilespmem:s28+$0x60] =	vst v0;
	v0 =	vadd.f32 v2, v63  }
0x24e: {  	v1 =	vunpack.i.l.bf16.f32 v1;
	v2 =	vmul.f32 v60, v10;
	v5 =	vadd.f32 v5, v58  }
0x24f: {  	v52 =	vmul.f32 v59, v24;
	v1 =	vmul.f32 v1, v26;
	v60 =	vunpack.i.l.bf16.f32 v57;
	v54 =	vld [tilespmem:s29+$0x70];
	[tilespmem:s31+$0x10] =	vst v0  }
0x250: {  	v63 =	vunpack.i.u.bf16.f32 v57;
	v55 =	vmul.f32 v60, v28;
	v0 =	vadd.f32 $0.0e+00, v2;
	[tilespmem:s31+$0xFFFFFF80] =	vst v5;
	v5 =	vld [tilespmem:s30+$0x20]  }
0x251: {  	v14 =	vunpack.i.u.bf16.f32 v14;
	v57 =	vmul.f32 v63, v27;
	v2 =	vmul.f32 v62, v25;
	v58 =	vld [tilespmem:s29+$0xF0]  }
0x252: {  	v62 =	vunpack.i.l.bf16.f32 v6;
	v6 =	vunpack.i.u.bf16.f32 v6;
	v0 =	vadd.f32 v0, v52  }
0x253: {  	v31 =	vadd.f32 v32, v31;
	v53 =	vmul.f32 v62, v29;
	v52 =	vmul.f32 v6, v30  }
0x254: {  	v6 =	vld [tilespmem:s30+$0xA0];
	v56 =	vunpack.i.l.bf16.f32 v54;
	v0 =	vadd.f32 v1, v0;
	v63 =	vunpack.i.u.bf16.f32 v54  }
0x255: {  	v51 =	vadd.f32 v61, v51;
	v1 =	vmul.f32 v56, v17;
	v17 =	vmovc v42;
	v42 =	vmul.f32 v63, v21;
	v56 =	vld [tilespmem:s29+$0x170]  }
0x256: {  	v62 =	vunpack.i.l.bf16.f32 v5;
	v0 =	vadd.f32 v0, v2;
	v2 =	vunpack.i.l.bf16.f32 v58  }
0x257: {  	v21 =	vmovc v46;
	v5 =	vunpack.i.u.bf16.f32 v5;
	v1 =	vadd.f32 $0.0e+00, v1;
	v54 =	vmul.f32 v62, v17  }
0x258: {  	v63 =	vunpack.i.u.bf16.f32 v58;
	v2 =	vmul.f32 v2, v16;
	v5 =	vmul.f32 v5, v21  }
0x259: {  	v62 =	vunpack.i.l.bf16.f32 v6;
	v0 =	vadd.f32 v55, v0;
	v1 =	vadd.f32 v1, v42;
	v42 =	vld [tilespmem:s30+$0x120]  }
0x25a: {  	v16 =	vmovc v39;
	v6 =	vunpack.i.u.bf16.f32 v6;
	v39 =	vadd.f32 $0.0e+00, v54;
	v54 =	vld [tilespmem:s29+$0x1F0];
	v58 =	vunpack.i.l.bf16.f32 v56  }
0x25b: {  	v0 =	vadd.f32 v0, v57;
	v1 =	vadd.f32 v2, v1;
	v2 =	vmul.f32 v63, v18  }
0x25c: {  	v18 =	vmovc v44;
	v5 =	vadd.f32 v39, v5;
	v63 =	vmul.f32 v62, v16;
	v62 =	vunpack.i.u.bf16.f32 v56  }
0x25d: {  	v59 =	vld [tilespmem:s30+$0xFFFFFE10];
	v6 =	vmul.f32 v6, v18;
	v1 =	vadd.f32 v1, v2;
	v2 =	vmul.f32 v58, v15  }
0x25e: {  	v39 =	vld [tilespmem:s30+$0x1A0];
	v0 =	vadd.f32 v53, v0;
	v5 =	vadd.f32 v63, v5;
	v63 =	vunpack.i.l.bf16.f32 v42  }
0x25f: {  	v15 =	vmovc v40;
	v56 =	vunpack.i.l.bf16.f32 v54;
	v1 =	vadd.f32 v2, v1;
	v2 =	vmul.f32 v62, v19  }
0x260: {  	v42 =	vunpack.i.u.bf16.f32 v42;
	v5 =	vadd.f32 v5, v6;
	v6 =	vmul.f32 v63, v15  }
0x261: {  	v58 =	vunpack.i.u.bf16.f32 v54;
	v19 =	vmovc v45;
	v1 =	vadd.f32 v1, v2;
	v2 =	vmul.f32 v56, v20  }
0x262: {  	v60 =	vld [tilespmem:s30+$0xFFFFFE90];
	v63 =	vunpack.i.l.bf16.f32 v59;
	v5 =	vadd.f32 v6, v5;
	v6 =	vmul.f32 v42, v19  }
0x263: {  	v62 =	vunpack.i.l.bf16.f32 v39;
	v20 =	vmovc v47;
	v1 =	vadd.f32 v2, v1;
	v2 =	vmul.f32 v58, v22  }
0x264: {  	v40 =	vmul.f32 v63, v36;
	v5 =	vadd.f32 v5, v6;
	v6 =	vmul.f32 v62, v20  }
0x265: {  	v39 =	vunpack.i.u.bf16.f32 v39;
	v56 =	vadd.f32 v50, v51;
	v22 =	vmovc v48;
	v1 =	vadd.f32 v1, v2  }
0x266: {  	v2 =	vunpack.i.u.bf16.f32 v59;
	v5 =	vadd.f32 v6, v5;
	v6 =	vmul.f32 v39, v22  }
0x267: {  	v46 =	vld [tilespmem:s30+$0xFFFFFF10];
	v45 =	vunpack.i.l.bf16.f32 v60;
	v44 =	vadd.f32 $0.0e+00, v40;
	v2 =	vmul.f32 v2, v37  }
0x268: {  	v40 =	vmul.f32 v45, v35;
	v58 =	vadd.f32 v56, v49;
	v5 =	vadd.f32 v5, v6  }
0x269: {  	v61 =	vld [tilespmem:s30+$0xFFFFFF90];
	v59 =	vunpack.i.u.bf16.f32 v13;
	v13 =	vunpack.i.l.bf16.f32 v13;
	[tilespmem:s28+$0x70] =	vst v1;
	v2 =	vadd.f32 v44, v2  }
0x26a: {  	v14 =	vmul.f32 v14, v7;
	v13 =	vmul.f32 v13, v3;
	v3 =	vld [tilespmem:$0x1FFC0];
	v1 =	vunpack.i.u.bf16.f32 v60;
	[tilespmem:s31+$0x20] =	vst v5  }
0x26b: {  	v0 =	vadd.f32 v0, v52;
	[tilespmem:s26+$0xFFFFFFE0] =	vst v58;
	v1 =	vmul.f32 v1, v34;
	v2 =	vadd.f32 v40, v2;
	v40 =	vld [tilespmem:s30+$0x30]  }
0x26c: {  	v47 =	vunpack.i.u.bf16.f32 v46;
	v6 =	vunpack.i.l.bf16.f32 v46;
	v46 =	vadd.f32 v31, v14;
	v31 =	vld [tilespmem:s25+$0xFFFFFEF0]  }
0x26d: {  	v6 =	vmul.f32 v6, v33;
	v5 =	vmul.f32 v47, v41;
	v47 =	vld [tilespmem:s25+$0xFFFFFE70];
	v1 =	vadd.f32 v2, v1  }
0x26e: {  	[tilespmem:s28+$0xFFFFFFC0] =	vst v0;
	v0 =	vld [tilespmem:$0x1FFB0]  }
0x26f: {  	v1 =	vadd.f32 v6, v1;
	v6 =	vld [tilespmem:s30+$0xB0]  }
0x270: {  	v54 =	vunpack.i.u.bf16.f32 v61;
	v48 =	vunpack.i.l.bf16.f32 v61;
	v45 =	vunpack.i.l.bf16.f32 v40  }
0x271: {  	v39 =	vmul.f32 v48, v43;
	v1 =	vadd.f32 v1, v5;
	v5 =	vmul.f32 v45, v17  }
0x272: {  	v2 =	vmul.f32 v54, v38;
	v14 =	vunpack.i.u.bf16.f32 v40  }
0x273: {  	v55 =	vld [tilespmem:s30+$0x130];
	v54 =	vmul.f32 v14, v21;
	v1 =	vadd.f32 v39, v1;
	v5 =	vadd.f32 $0.0e+00, v5  }
0x274: {  	v61 =	vmovc v11;
	v11 =	vadd.f32 v13, v46;
	v13 =	vld [tilespmem:s29+$0xFFFFFE50];
	v0 =	vadd.f32 v3, v0;
	v56 =	vunpack.i.l.bf16.f32 v6  }
0x275: {  	v32 =	vld [tilespmem:s29+$0xFFFFFED0];
	v1 =	vadd.f32 v1, v2;
	v2 =	vadd.f32 v5, v54;
	v5 =	vmul.f32 v56, v16  }
0x276: {  	v14 =	vld [tilespmem:s25+$0xFFFFFF70];
	[tilespmem:s23+$0xFFFFFFF0] =	vst v0;
	v6 =	vunpack.i.u.bf16.f32 v6  }
0x277: {  	[tilespmem:s31+$0xFFFFFF90] =	vst v1;
	v0 =	vadd.f32 v5, v2;
	v1 =	vmul.f32 v6, v18;
	v2 =	vld [tilespmem:s30+$0x1B0]  }
0x278: {  	v53 =	vmul.f32 v59, v4;
	v59 =	vunpack.i.l.bf16.f32 v55;
	v6 =	vld [tilespmem:s30+$0xFFFFFE20]  }
0x279: {  	v0 =	vadd.f32 v0, v1;
	v1 =	vmul.f32 v59, v15  }
0x27a: {  	v57 =	vunpack.i.u.bf16.f32 v47;
	v51 =	vunpack.i.u.bf16.f32 v55;
	v52 =	vunpack.i.u.bf16.f32 v13  }
0x27b: {  	v62 =	vmovc v23;
	v3 =	vmovc v10;
	v13 =	vunpack.i.l.bf16.f32 v13;
	v0 =	vadd.f32 v1, v0;
	v1 =	vmul.f32 v51, v19  }
0x27c: {  	v23 =	vmovc v30;
	v30 =	vmovc v38;
	v38 =	vmul.f32 v57, v9;
	v54 =	vmul.f32 v13, v3;
	v63 =	vld [tilespmem:s30+$0xFFFFFEA0];
	v13 =	vunpack.i.l.bf16.f32 v2  }
0x27d: {  	v10 =	vmovc v36;
	v57 =	vunpack.i.l.bf16.f32 v6;
	v0 =	vadd.f32 v0, v1;
	v1 =	vmul.f32 v13, v20  }
0x27e: {  	v2 =	vunpack.i.u.bf16.f32 v2;
	v45 =	vmul.f32 v57, v10  }
0x27f: {  	v4 =	vmovc v24;
	v24 =	vmovc v37;
	v50 =	vld [tilespmem:s30+$0xFFFFFF20];
	v6 =	vunpack.i.u.bf16.f32 v6;
	v0 =	vadd.f32 v1, v0;
	v1 =	vmul.f32 v2, v22  }
0x280: {  	v58 =	vunpack.i.l.bf16.f32 v47;
	v6 =	vmul.f32 v6, v24;
	v2 =	vadd.f32 $0.0e+00, v45  }
0x281: {  	v5 =	vmul.f32 v58, v8;
	v36 =	vunpack.i.l.bf16.f32 v63;
	v0 =	vadd.f32 v0, v1  }
0x282: {  	v60 =	vmovc v12;
	v12 =	vmovc v53;
	v53 =	vld [tilespmem:s30+$0xFFFFFFA0];
	v58 =	vunpack.i.u.bf16.f32 v63;
	v36 =	vmul.f32 v36, v35;
	v1 =	vadd.f32 v2, v6  }
0x283: {  	v56 =	vld [tilespmem:s29+$0xFFFFFF50];
	v45 =	vmul.f32 v58, v34;
	[tilespmem:s31+$0x30] =	vst v0  }
0x284: {  	v2 =	vunpack.i.u.bf16.f32 v50;
	v6 =	vunpack.i.l.bf16.f32 v50;
	v0 =	vadd.f32 v36, v1;
	v50 =	vld [tilespmem:s30+$0x40]  }
0x285: {  	v48 =	vmovc v27;
	v27 =	vmov v41;
	v41 =	vmul.f32 v52, v4;
	v39 =	vadd.f32 $0.0e+00, v54  }
0x286: {  	v6 =	vmul.f32 v6, v33;
	v0 =	vadd.f32 v0, v45  }
0x287: {  	v55 =	vunpack.i.l.bf16.f32 v32;
	v39 =	vadd.f32 v39, v41;
	v59 =	vunpack.i.l.bf16.f32 v53  }
0x288: {  	v49 =	vmovc v29;
	v29 =	vmovc v43;
	v52 =	vunpack.i.l.bf16.f32 v56;
	v2 =	vmul.f32 v2, v27;
	v0 =	vadd.f32 v6, v0;
	v6 =	vld [tilespmem:s30+$0xC0]  }
0x289: {  	v54 =	vunpack.i.u.bf16.f32 v56;
	v63 =	vmul.f32 v59, v29;
	v56 =	vunpack.i.l.bf16.f32 v50  }
0x28a: {  	v1 =	vunpack.i.u.bf16.f32 v53;
	v0 =	vadd.f32 v0, v2;
	v2 =	vmul.f32 v56, v17  }
0x28b: {  	v51 =	vmul.f32 v55, v26;
	v1 =	vmul.f32 v1, v30;
	v37 =	vunpack.i.u.bf16.f32 v50  }
0x28c: {  	v0 =	vadd.f32 v63, v0;
	v2 =	vadd.f32 $0.0e+00, v2;
	v63 =	vmul.f32 v37, v21  }
0x28d: {  	v7 =	vld [tilespmem:$0x1FFE0];
	v39 =	vadd.f32 v51, v39;
	v51 =	vunpack.i.l.bf16.f32 v6  }
0x28e: {  	v46 =	vld [tilespmem:s29+$0xFFFFFFD0];
	v0 =	vadd.f32 v0, v1;
	v1 =	vadd.f32 v2, v63;
	v2 =	vmul.f32 v51, v16  }
0x28f: {  	v13 =	vld [tilespmem:s25+$0xFFFFFFF0];
	v6 =	vunpack.i.u.bf16.f32 v6  }
0x290: {  	[tilespmem:s31+$0xFFFFFFA0] =	vst v0;
	v0 =	vadd.f32 v2, v1;
	v1 =	vmul.f32 v6, v18;
	v6 =	vld [tilespmem:$0x1FFD0]  }
0x291: {  	v40 =	vunpack.i.l.bf16.f32 v31;
	v32 =	vunpack.i.u.bf16.f32 v32;
	v50 =	vld [tilespmem:s30+$0x140]  }
0x292: {  	v31 =	vunpack.i.u.bf16.f32 v31;
	v32 =	vmul.f32 v32, v25;
	v5 =	vadd.f32 $0.0e+00, v5  }
0x293: {  	v31 =	vmul.f32 v31, v7  }
0x294: {  	v5 =	vadd.f32 v5, v38;
	v32 =	vadd.f32 v39, v32;
	v53 =	vmul.f32 v52, v28  }
0x295: {  	v55 =	vunpack.i.l.bf16.f32 v46;
	v57 =	vmul.f32 v54, v48;
	v2 =	vld [tilespmem:s30+$0x1C0];
	v6 =	vmul.f32 v40, v6  }
0x296: {  	v59 =	vunpack.i.u.bf16.f32 v46;
	v32 =	vadd.f32 v53, v32;
	v53 =	vunpack.i.l.bf16.f32 v50  }
0x297: {  	v0 =	vadd.f32 v0, v1;
	v1 =	vmul.f32 v53, v15;
	v5 =	vadd.f32 v6, v5  }
0x298: {  	v58 =	vmul.f32 v55, v49;
	v32 =	vadd.f32 v32, v57;
	v37 =	vunpack.i.u.bf16.f32 v50;
	v52 =	vld [tilespmem:s30+$0xFFFFFE30]  }
0x299: {  	v0 =	vadd.f32 v1, v0;
	v1 =	vmul.f32 v37, v19;
	v31 =	vadd.f32 v5, v31;
	v5 =	vld [tilespmem:$0x1FFF0]  }
0x29a: {  	v39 =	vmul.f32 v59, v23;
	v32 =	vadd.f32 v58, v32;
	v54 =	vld [tilespmem:s30+$0xFFFFFEB0];
	v57 =	vunpack.i.l.bf16.f32 v2  }
0x29b: {  	v0 =	vadd.f32 v0, v1;
	v1 =	vmul.f32 v57, v20  }
0x29c: {  	v32 =	vadd.f32 v32, v39;
	v55 =	vld [tilespmem:s30+$0xFFFFFFB0];
	v2 =	vunpack.i.u.bf16.f32 v2  }
0x29d: {  	s23 =	smov.u32 s24;
	s24 =	smov.u32 s26;
	s26 =	smov.u32 s28;
	v56 =	vunpack.i.l.bf16.f32 v14;
	v6 =	vld [tilespmem:s30+$0xFFFFFF30];
	v0 =	vadd.f32 v1, v0;
	v1 =	vmul.f32 v2, v22  }
0x29e: {  	s25 =	smov.u32 s29;
	v59 =	vunpack.i.u.bf16.f32 v52;
	[tilespmem:s26+$0xFFFFFFD0] =	vst v32;
	v32 =	vmul.f32 v56, v5;
	v5 =	vunpack.i.l.bf16.f32 v52  }
0x29f: {  	s0 =	sadd.s32 $0x2, s0;
	v63 =	vmovc v26;
	v26 =	vmovc v35;
	v35 =	vunpack.i.l.bf16.f32 v54;
	v58 =	vld [tilespmem:s25+$0xFFFFFE60];
	v0 =	vadd.f32 v0, v1;
	v5 =	vmul.f32 v5, v10  }
0x2a0: {  	p1 =	slt.u32 s0, $0x3E;
	v36 =	vmul.f32 v59, v24;
	v35 =	vmul.f32 v35, v26  }
.Ltmp0:
0x2a1: {  	v7 =	vmovc v25;
	v25 =	vmovc v34;
	[tilespmem:s31+$0x40] =	vst v0;
	v0 =	vunpack.i.u.bf16.f32 v55;
	v2 =	vadd.f32 $0.0e+00, v5;
	v5 =	vunpack.i.u.bf16.f32 v54;
	(pc) =	sbr.rel @p1 .LBB2_3-.Ltmp0, $4  }
0x2a2: {  	v8 =	vmovc v28;
	v28 =	vmovc v33;
	v34 =	vld [tilespmem:s25+$0xFFFFFEE0];
	v41 =	vmul.f32 v0, v30;
	v39 =	vmul.f32 v5, v25;
	v5 =	vunpack.i.l.bf16.f32 v6  }
0x2a3: {  	v33 =	vld [tilespmem:s25+$0xFFFFFF60];
	v1 =	vadd.f32 v2, v36;
	v2 =	vunpack.i.u.bf16.f32 v6;
	v44 =	vmul.f32 v5, v28  }
0x2a4: {  	v38 =	vld [tilespmem:s25+$0xFFFFFFE0];
	v36 =	vunpack.i.l.bf16.f32 v58;
	v40 =	vmul.f32 v2, v27;
	v2 =	vunpack.i.l.bf16.f32 v55  }
0x2a5: {  	s1 =	sadd.s32 $0x100, s1;
	s28 =	smov.u32 s31;
	s29 =	smov.u32 s30;
	v37 =	vld [tilespmem:s30+$0x50];
	v45 =	vadd.f32 v35, v1;
	v43 =	vmul.f32 v2, v29;
	v35 =	vunpack.i.u.bf16.f32 v58  }
0x2a6: {  	_ = 	snop  }
0x2a7: {  	v0 =	vadd.f32 v45, v39;
	_ =	sdelay $0x1  }
0x2a8: {  	v0 =	vadd.f32 v44, v0;
	_ =	sdelay $0x1  }
0x2a9: {  	v0 =	vadd.f32 v0, v40;
	_ =	sdelay $0x1  }
0x2aa: {  	v0 =	vadd.f32 v43, v0;
	_ =	sdelay $0x1  }
0x2ab: {  	v0 =	vadd.f32 v0, v41;
	_ =	sdelay $0x1  }
0x2ac: {  	[tilespmem:s28+$0xFFFFFFB0] =	vst v0  }
0x2ad: {  	v0 =	vld [tilespmem:s29+$0xFFFFFE40];
	_ =	sdelay $0x3  }
0x2ae: {  	v1 =	vld [tilespmem:s29+$0xFFFFFEC0]  }
0x2af: {  	v2 =	vunpack.i.l.bf16.f32 v0  }
0x2b0: {  	v2 =	vmul.f32 v2, v10  }
0x2b1: {  	v0 =	vunpack.i.u.bf16.f32 v0  }
0x2b2: {  	v5 =	vld [tilespmem:s29+$0xFFFFFF40];
	v0 =	vmul.f32 v0, v24;
	v2 =	vadd.f32 $0.0e+00, v2  }
0x2b3: {  	v6 =	vld [tilespmem:s29+$0xD0];
	v45 =	vunpack.i.l.bf16.f32 v1  }
0x2b4: {  	v46 =	vunpack.i.l.bf16.f32 v37;
	v39 =	vmul.f32 v45, v26;
	v0 =	vadd.f32 v2, v0  }
0x2b5: {  	v47 =	vmul.f32 v46, v17;
	v1 =	vunpack.i.u.bf16.f32 v1  }
0x2b6: {  	v50 =	vunpack.i.u.bf16.f32 v37;
	v51 =	vld [tilespmem:s29+$0xFFFFFFC0];
	v1 =	vmul.f32 v1, v25;
	v0 =	vadd.f32 v39, v0  }
0x2b7: {  	v52 =	vld [tilespmem:s29+$0x150];
	v37 =	vmul.f32 v50, v21;
	v53 =	vunpack.i.l.bf16.f32 v5;
	v2 =	vadd.f32 $0.0e+00, v47  }
0x2b8: {  	v54 =	vunpack.i.l.bf16.f32 v6;
	v41 =	vmul.f32 v53, v28;
	v0 =	vadd.f32 v0, v1  }
0x2b9: {  	v5 =	vunpack.i.u.bf16.f32 v5;
	v2 =	vadd.f32 v2, v37;
	v1 =	vmul.f32 v54, v16  }
0x2ba: {  	v6 =	vunpack.i.u.bf16.f32 v6;
	v5 =	vmul.f32 v5, v27;
	v0 =	vadd.f32 v41, v0  }
0x2bb: {  	v56 =	vld [tilespmem:s29+$0x1D0];
	v55 =	vmul.f32 v6, v18;
	v57 =	vunpack.i.l.bf16.f32 v51;
	v1 =	vadd.f32 v1, v2  }
0x2bc: {  	v58 =	vunpack.i.l.bf16.f32 v52;
	v37 =	vmul.f32 v57, v29;
	v0 =	vadd.f32 v0, v5  }
0x2bd: {  	v59 =	vmul.f32 v58, v15;
	v9 =	vunpack.i.u.bf16.f32 v51;
	v1 =	vadd.f32 v1, v55  }
0x2be: {  	v39 =	vunpack.i.u.bf16.f32 v52;
	v5 =	vmul.f32 v9, v30;
	v0 =	vadd.f32 v37, v0  }
0x2bf: {  	v40 =	vmul.f32 v39, v19;
	v1 =	vadd.f32 v59, v1  }
0x2c0: {  	v41 =	vunpack.i.l.bf16.f32 v56;
	v0 =	vadd.f32 v0, v5  }
0x2c1: {  	v42 =	vmul.f32 v41, v20;
	v1 =	vadd.f32 v1, v40  }
0x2c2: {  	v43 =	vunpack.i.u.bf16.f32 v56;
	[tilespmem:s28+$0xFFFFFFC0] =	vst v0  }
0x2c3: {  	v45 =	vmul.f32 v43, v22;
	v44 =	vadd.f32 v42, v1;
	v46 =	vld [tilespmem:s29+$0xFFFFFE50];
	_ =	sdelay $0x1  }
0x2c4: {  	v0 =	vadd.f32 v44, v45;
	_ =	sdelay $0x1  }
0x2c5: {  	v47 =	vld [tilespmem:s29+$0xFFFFFED0];
	[tilespmem:s31+$0x50] =	vst v0  }
0x2c6: {  	v50 =	vld [tilespmem:s29+$0x60];
	v51 =	vunpack.i.l.bf16.f32 v46  }
0x2c7: {  	v5 =	vmul.f32 v51, v10  }
0x2c8: {  	v2 =	vunpack.i.u.bf16.f32 v46  }
0x2c9: {  	v52 =	vld [tilespmem:s29+$0xFFFFFF50];
	v2 =	vmul.f32 v2, v24;
	v5 =	vadd.f32 $0.0e+00, v5  }
0x2ca: {  	v54 =	vunpack.i.l.bf16.f32 v47  }
0x2cb: {  	v53 =	vld [tilespmem:s29+$0xE0];
	v39 =	vmul.f32 v54, v26;
	v55 =	vunpack.i.l.bf16.f32 v50;
	v2 =	vadd.f32 v5, v2  }
0x2cc: {  	v57 =	vld [tilespmem:s29+$0xFFFFFFD0];
	v0 =	vunpack.i.u.bf16.f32 v47;
	v56 =	vmul.f32 v55, v17  }
0x2cd: {  	v58 =	vld [tilespmem:s29+$0x160];
	v0 =	vmul.f32 v0, v25;
	v1 =	vunpack.i.u.bf16.f32 v50;
	v2 =	vadd.f32 v39, v2  }
0x2ce: {  	v59 =	vunpack.i.l.bf16.f32 v52;
	v1 =	vmul.f32 v1, v21;
	v5 =	vadd.f32 $0.0e+00, v56  }
0x2cf: {  	v44 =	vunpack.i.u.bf16.f32 v52;
	v41 =	vmul.f32 v59, v28;
	v0 =	vadd.f32 v2, v0  }
0x2d0: {  	v9 =	vunpack.i.l.bf16.f32 v53;
	v45 =	vunpack.i.u.bf16.f32 v53;
	v1 =	vadd.f32 v5, v1  }
0x2d1: {  	v2 =	vmul.f32 v9, v16;
	v5 =	vmul.f32 v44, v27;
	v0 =	vadd.f32 v41, v0  }
0x2d2: {  	v50 =	vunpack.i.l.bf16.f32 v57;
	v51 =	vunpack.i.l.bf16.f32 v58;
	v46 =	vmul.f32 v45, v18  }
0x2d3: {  	v47 =	vld [tilespmem:s29+$0x1E0];
	v37 =	vmul.f32 v50, v29;
	v1 =	vadd.f32 v2, v1;
	v0 =	vadd.f32 v0, v5  }
0x2d4: {  	v53 =	vunpack.i.u.bf16.f32 v57;
	v52 =	vmul.f32 v51, v15  }
0x2d5: {  	v1 =	vadd.f32 v1, v46;
	v5 =	vmul.f32 v53, v30;
	v0 =	vadd.f32 v37, v0  }
0x2d6: {  	v39 =	vunpack.i.u.bf16.f32 v58  }
0x2d7: {  	v54 =	vmul.f32 v39, v19;
	v1 =	vadd.f32 v52, v1;
	v0 =	vadd.f32 v0, v5  }
0x2d8: {  	v55 =	vunpack.i.l.bf16.f32 v47  }
0x2d9: {  	v56 =	vmul.f32 v55, v20;
	v1 =	vadd.f32 v1, v54;
	[tilespmem:s28+$0xFFFFFFD0] =	vst v0  }
0x2da: {  	v57 =	vunpack.i.u.bf16.f32 v47;
	v9 =	vld [tilespmem:s29+$0xFFFFFE60]  }
0x2db: {  	v59 =	vmul.f32 v57, v22;
	v39 =	vmul.f32 v36, v3;
	v58 =	vadd.f32 v56, v1  }
0x2dc: {  	v43 =	vunpack.i.l.bf16.f32 v33;
	v40 =	vmul.f32 v35, v4  }
0x2dd: {  	v35 =	vmul.f32 v43, v8;
	v5 =	vadd.f32 $0.0e+00, v39;
	v0 =	vadd.f32 v58, v59  }
0x2de: {  	v42 =	vunpack.i.l.bf16.f32 v34;
	v47 =	vunpack.i.u.bf16.f32 v33;
	v41 =	vunpack.i.u.bf16.f32 v34;
	v44 =	vld [tilespmem:s29+$0xFFFFFEE0]  }
0x2df: {  	v34 =	vmul.f32 v42, v63;
	v5 =	vadd.f32 v5, v40;
	[tilespmem:s28+$0x60] =	vst v0;
	v46 =	vunpack.i.l.bf16.f32 v9  }
0x2e0: {  	v50 =	vunpack.i.l.bf16.f32 v38;
	v51 =	vunpack.i.u.bf16.f32 v38;
	v45 =	vld [tilespmem:s29+$0x70];
	v36 =	vmul.f32 v46, v10  }
0x2e1: {  	v1 =	vmul.f32 v41, v7;
	v5 =	vadd.f32 v34, v5;
	v2 =	vunpack.i.u.bf16.f32 v9  }
0x2e2: {  	v33 =	vmul.f32 v47, v48;
	v52 =	vld [tilespmem:s29+$0xFFFFFF60];
	v2 =	vmul.f32 v2, v24;
	v36 =	vadd.f32 $0.0e+00, v36  }
0x2e3: {  	v53 =	vmul.f32 v50, v49;
	v1 =	vadd.f32 v5, v1;
	v54 =	vunpack.i.l.bf16.f32 v44  }
0x2e4: {  	v0 =	vunpack.i.u.bf16.f32 v44;
	v37 =	vmul.f32 v54, v26;
	v2 =	vadd.f32 v36, v2  }
0x2e5: {  	v1 =	vadd.f32 v35, v1;
	v0 =	vmul.f32 v0, v25;
	v56 =	vunpack.i.l.bf16.f32 v45  }
0x2e6: {  	v58 =	vld [tilespmem:s29+$0xFFFFFFE0];
	v6 =	vunpack.i.u.bf16.f32 v45;
	v57 =	vmul.f32 v56, v17;
	v2 =	vadd.f32 v37, v2  }
0x2e7: {  	v59 =	vunpack.i.l.bf16.f32 v52;
	v1 =	vadd.f32 v1, v33;
	v6 =	vmul.f32 v6, v21  }
0x2e8: {  	v21 =	vmul.f32 v59, v28;
	v17 =	vadd.f32 $0.0e+00, v57;
	v0 =	vadd.f32 v2, v0  }
0x2e9: {  	v34 =	vmul.f32 v51, v23;
	v55 =	vld [tilespmem:s29+$0xF0];
	v38 =	vunpack.i.u.bf16.f32 v52;
	v1 =	vadd.f32 v53, v1  }
0x2ea: {  	v9 =	vld [tilespmem:s29+$0x170];
	v6 =	vadd.f32 v17, v6;
	v17 =	vmul.f32 v38, v27;
	v0 =	vadd.f32 v21, v0  }
0x2eb: {  	v42 =	vunpack.i.l.bf16.f32 v58  }
0x2ec: {  	v43 =	vmul.f32 v42, v29;
	v1 =	vadd.f32 v1, v34;
	v0 =	vadd.f32 v0, v17  }
0x2ed: {  	v46 =	vunpack.i.u.bf16.f32 v58;
	v54 =	vunpack.i.u.bf16.f32 v14  }
0x2ee: {  	v5 =	vmul.f32 v46, v30;
	v41 =	vunpack.i.u.bf16.f32 v55;
	v45 =	vld [tilespmem:s29+$0x1F0];
	[tilespmem:s26+$0xFFFFFFE0] =	vst v1;
	v0 =	vadd.f32 v43, v0  }
0x2ef: {  	v47 =	vunpack.i.l.bf16.f32 v9;
	v59 =	vunpack.i.l.bf16.f32 v13;
	v37 =	vunpack.i.l.bf16.f32 v55;
	v53 =	vld [tilespmem:s25+$0xFFFFFE70]  }
0x2f0: {  	v14 =	vmul.f32 v59, v61;
	v40 =	vmul.f32 v37, v16;
	v61 =	vld [tilespmem:s25+$0xFFFFFEF0];
	v0 =	vadd.f32 v0, v5  }
0x2f1: {  	v44 =	vmul.f32 v41, v18;
	v50 =	vmul.f32 v47, v15  }
0x2f2: {  	v57 =	vadd.f32 v32, v31;
	v2 =	vunpack.i.u.bf16.f32 v9;
	v34 =	vld [tilespmem:s25+$0xFFFFFF70];
	v6 =	vadd.f32 v40, v6;
	[tilespmem:s28+$0xFFFFFFE0] =	vst v0  }
0x2f3: {  	v52 =	vunpack.i.l.bf16.f32 v45;
	v56 =	vunpack.i.u.bf16.f32 v45;
	v9 =	vadd.f32 v11, v12;
	v55 =	vld [tilespmem:s29+$0xFFFFFE70]  }
0x2f4: {  	v2 =	vmul.f32 v2, v19;
	v1 =	vmul.f32 v52, v20;
	v40 =	vld [tilespmem:s25+$0xFFFFFFF0];
	v6 =	vadd.f32 v6, v44  }
0x2f5: {  	v58 =	vmul.f32 v56, v22;
	v21 =	vunpack.i.l.bf16.f32 v53;
	v36 =	vunpack.i.l.bf16.f32 v61  }
0x2f6: {  	v15 =	vunpack.i.u.bf16.f32 v61;
	v51 =	vadd.f32 v50, v6;
	v31 =	vmul.f32 v21, v3  }
0x2f7: {  	v6 =	vunpack.i.u.bf16.f32 v53;
	v38 =	vmul.f32 v36, v63;
	v41 =	vmul.f32 v15, v7;
	v22 =	vld [tilespmem:s29+$0xFFFFFEF0]  }
0x2f8: {  	v43 =	vunpack.i.l.bf16.f32 v34;
	v35 =	vmul.f32 v6, v4;
	v32 =	vunpack.i.l.bf16.f32 v55  }
0x2f9: {  	v46 =	vmul.f32 v43, v8;
	v53 =	vunpack.i.l.bf16.f32 v40;
	v33 =	vmul.f32 v32, v10  }
0x2fa: {  	v2 =	vadd.f32 v51, v2;
	v3 =	vadd.f32 $0.0e+00, v31;
	v5 =	vunpack.i.u.bf16.f32 v55  }
0x2fb: {  	v0 =	vmul.f32 v54, v60;
	v37 =	vld [tilespmem:s29+$0xFFFFFF70];
	v5 =	vmul.f32 v5, v24;
	v12 =	vadd.f32 $0.0e+00, v33  }
0x2fc: {  	v1 =	vadd.f32 v1, v2;
	v3 =	vadd.f32 v3, v35;
	v39 =	vunpack.i.l.bf16.f32 v22  }
0x2fd: {  	v60 =	vunpack.i.u.bf16.f32 v13;
	v6 =	vmul.f32 v39, v26;
	v5 =	vadd.f32 v12, v5  }
0x2fe: {  	v13 =	vunpack.i.u.bf16.f32 v34;
	v3 =	vadd.f32 v38, v3;
	v42 =	vunpack.i.u.bf16.f32 v22  }
0x2ff: {  	v20 =	vmul.f32 v60, v62;
	v44 =	vld [tilespmem:s29+$0xFFFFFFF0];
	v45 =	vmul.f32 v42, v25;
	v5 =	vadd.f32 v6, v5  }
0x300: {  	v51 =	vmul.f32 v13, v48;
	v3 =	vadd.f32 v3, v41;
	v47 =	vunpack.i.l.bf16.f32 v37  }
0x301: {  	v0 =	vadd.f32 v57, v0;
	v50 =	vmul.f32 v47, v28;
	v5 =	vadd.f32 v5, v45  }
0x302: {  	v1 =	vadd.f32 v1, v58;
	v3 =	vadd.f32 v46, v3;
	v52 =	vunpack.i.u.bf16.f32 v37  }
0x303: {  	v57 =	vunpack.i.u.bf16.f32 v40;
	v54 =	vmul.f32 v52, v27;
	v5 =	vadd.f32 v50, v5  }
0x304: {  	v55 =	vmul.f32 v53, v49;
	v56 =	vunpack.i.l.bf16.f32 v44;
	v3 =	vadd.f32 v3, v51  }
0x305: {  	v0 =	vadd.f32 v14, v0;
	v58 =	vmul.f32 v56, v29;
	v5 =	vadd.f32 v5, v54  }
0x306: {  	v59 =	vmul.f32 v57, v23;
	v60 =	vunpack.i.u.bf16.f32 v44;
	v3 =	vadd.f32 v55, v3  }
0x307: {  	[tilespmem:s23+$0xFFFFFFF0] =	vst v9;
	v0 =	vadd.f32 v0, v20;
	v61 =	vmul.f32 v60, v30;
	v62 =	vadd.f32 v58, v5  }
0x308: {  	[tilespmem:s28+$0x70] =	vst v1;
	v3 =	vadd.f32 v3, v59  }
0x309: {  	[tilespmem:s24+$0xFFFFFFF0] =	vst v0;
	v63 =	vadd.f32 v62, v61  }
0x30a: {  	s0 =	sshll.u32 s21, $0xA;
	s1 =	sshll.u32 s22, $0xD;
	p1 =	sgt.u32 s21, $0x3D;
	[tilespmem:s26+$0xFFFFFFF0] =	vst v3  }
0x30b: {  	s21 =	sor.u32 @!p1 $0x4000, s1;
	s22 =	sadd.s32 @!p1 s0, s7;
	s23 =	simm.s32 @!p1 $0x0;
	[tilespmem:s28+$0xFFFFFFF0] =	vst v63  }
0x30c: {  	[tilespmem:s21], [sflag:$0x1] =	stream.linear.gather @!p1 [hbm4b:s22+s23], $0x2000, $0x38;
	[tilespmem:$0x1C000] =	vst v63  }
0x30d: {  	p1 =	sne.s32 s20, $0x40  }
.Ltmp1:
0x30e: {  	_ = 	snop;
	(pc) =	sbr.rel @p1 .LBB2_2-.Ltmp1, $4  }
0x30f: {  	_ = 	snop  }
0x310: {  	p0 =	por !p0, !p0  }
0x311: {  	s1 =	sor.u32 $0x18000, s1;
	s0 =	sadd.s32 s0, s8;
	s21 =	smov.u32 s20  }
0x312: {  	[hbm4b:s0+s2] =	stream.linear.scatter [tilespmem:s1], [sflag:$0x3], $0x2000, $0x38;
	[tilespmem:$0x1C000] =	vst v63  }
0x313: {  	s19 =	sadd.s32 $0x1, s19  }
0x314: {  	_ =	swait.ge [sflag:s18], $0x2000;
	p0 =	sne.s32 s19, s9  }
.Ltmp2:
0x315: {  	[sflag:s18] =	ssyncset.done $0x0;
	(pc) =	sbr.rel @p0 .LBB2_1-.Ltmp2, $4  }
0x316: {  	[sflag:s18] =	ssyncadd.s32 $0xFFFFE000  }
0x317: {  	_ =	swait.ge [sflag:s18], $0x2000  }
0x318: {  	[sflag:s18] =	ssyncset.done $0x0  }
0x319: {  	[sflag:s18] =	ssyncadd.s32 $0xFFFFE000  }
0x31a: {  	_ =	sfence.sel $0x180000  }
0x31b: {  	[bflag:$0x0] =	sbarrier.arrive $0xFFFF  }
0x31c: {  	_ =	strace $0x90000047  }
0x31d: {  	s0 =	stileid.u32;
	[bflag:$0x2] =	sbarrier.arrive $0xFFFF  }
0x31e: {  	p0 =	sne.s32 s0, $0x0;
	s0 =	rddreg [dreg:$0x2]  }
0x31f: {  	s0 =	sadd.s32 @!p0 $0x100000, s0  }
0x320: {  	[sflag:s0] =	ssyncadd.tile.s32 @!p0 $0x1;
	_ =	shalt  }
.Lfunc_end2:
_tile_overlayer_lowered:
.L_overlay_start_2:
0x321: {  	(tag) =	ssettag $0x2  }
0x322: {  	s0 =	rddreg [dreg:$0x0];
	s2 =	stileid.u32  }
0x323: {  	s1 =	rddreg [dreg:$0x1];
	p0 =	sne.s32 s2, $0x0  }
0x324: {  	s3 =	rddreg [dreg:$0x2];
	[bflag:$0x3] =	sbarrier.arrive $0xFFFF;
	s2 =	simm.s32 @!p0 $0x1C04  }
0x325: {  	[timem:s3], [sflag:s2] =	dma.local @!p0 [hbm:s0], s1  }
0x326: {  	s0 =	simm.s32 @!p0 $0x4  }
0x327: {  	_ =	swait.ge @!p0 [sflag:s0], s1  }
0x328: {  	s1 =	ssub.s32 @!p0 $0x0, s1;
	[sflag:s0] =	ssyncset.done @!p0 $0x0  }
0x329: {  	[sflag:s0] =	ssyncadd.s32 @!p0 s1  }
0x32a: {  	[bflag:$0x3] =	sbarrier.arrive $0xFFFF  }
0x32b: {  	_ =	shalt  }

</sc_bundles>
